<compile_context>
chip_gen: v7x
topology: tpu7x:2x2x1
jax: 0.10.2.dev20260603
libtpu: 0.0.44.dev20260713+nightly
codegen_flags: <defaults>
</compile_context>

<pallas_src>
import functools

import jax
import jax.numpy as jnp
from jax import lax
from jax.experimental import pallas as pl
from jax.experimental.pallas import tpu as pltpu
from jax.experimental.pallas import tpu_sc as plsc

N = 10000
D = 125
E = 640000
DP = 128
NR = 10240
NC = 2
NS = 16
NW = NC * NS
B = 128
G = 4
NG = 40
NB = NG * G
NP = NG // 2
EPT = NB * B
EPAD = NW * EPT
DUMMY = N
SLAB = NR // NS

_mesh = plsc.VectorSubcoreMesh(
    core_axis_name="c", subcore_axis_name="s", num_cores=NC, num_subcores=NS
)
_sc_params = pltpu.CompilerParams(needs_layout_passes=False)


@functools.partial(
    pl.kernel,
    out_type=jax.ShapeDtypeStruct((NW, NR), jnp.float32),
    mesh=_mesh,
    scratch_types=[
        pltpu.VMEM((NB, B), jnp.int32),
        pltpu.VMEM((NR,), jnp.float32),
    ],
    compiler_params=_sc_params,
)
def _deg_kernel(dst_hbm, out_hbm, dstv, counts):
    wid = lax.axis_index("c") * NS + lax.axis_index("s")
    pltpu.sync_copy(dst_hbm.at[wid], dstv)

    zeros16 = jnp.zeros((16,), jnp.float32)

    def _zero(i, _):
        counts[pl.ds(i * 16, 16)] = zeros16
        return 0

    lax.fori_loop(0, NR // 16, _zero, 0)

    ones16 = jnp.ones((16,), jnp.float32)

    def _count(j, _):
        for k in range(B // 16):
            idx = dstv[j, pl.ds(k * 16, 16)]
            plsc.addupdate_scatter(counts, [idx], ones16)
        return 0

    lax.fori_loop(0, NB, _count, 0)
    pltpu.sync_copy(counts, out_hbm.at[wid])


@functools.partial(
    pl.kernel,
    out_type=jax.ShapeDtypeStruct((NC, NR, DP), jnp.float32),
    mesh=_mesh,
    scratch_types=[
        pltpu.VMEM((G, B), jnp.int32),
        pltpu.VMEM((G, B), jnp.int32),
        pltpu.VMEM((G, B), jnp.int32),
        pltpu.VMEM((G, B), jnp.int32),
        pltpu.VMEM((B, DP), jnp.float32),
        pltpu.VMEM((B, DP), jnp.float32),
        pltpu.VMEM_SHARED((NR, DP), jnp.float32),
        pltpu.SemaphoreType.DMA,
        pltpu.SemaphoreType.DMA,
        pltpu.SemaphoreType.DMA,
        pltpu.SemaphoreType.DMA,
        pltpu.SemaphoreType.DMA,
        pltpu.SemaphoreType.DMA,
        pltpu.SemaphoreType.DMA,
    ],
    compiler_params=_sc_params,
)
def _agg_kernel(g_hbm, src_hbm, dst_hbm, out_hbm, srcA, dstA, srcB, dstB,
                buf0, buf1, acc, sem0, sem1, ssem0, ssem1, semz, semsi, semdi):
    cid = lax.axis_index("c")
    sid = lax.axis_index("s")
    wid = cid * NS + sid
    bufs = (buf0, buf1)
    sems = (sem0, sem1)
    ssems = (ssem0, ssem1)

    zeros16 = jnp.zeros((16,), jnp.float32)

    def _zero(i, _):
        for k in range(DP // 16):
            buf0[i, pl.ds(k * 16, 16)] = zeros16
            buf1[i, pl.ds(k * 16, 16)] = zeros16
        return 0

    lax.fori_loop(0, B, _zero, 0)
    for t in range(SLAB // B):
        pltpu.async_copy(buf0, acc.at[pl.ds(sid * SLAB + t * B, B)], semz)
    for t in range(SLAB // B):
        pltpu.make_async_copy(buf0, acc.at[pl.ds(sid * SLAB + t * B, B)], semz).wait()
    plsc.subcore_barrier()

    def _idx_start(ci, sref, dref):
        pltpu.async_copy(src_hbm.at[wid, ci], sref, semsi)
        pltpu.async_copy(dst_hbm.at[wid, ci], dref, semdi)

    def _idx_wait(ci, sref, dref):
        pltpu.make_async_copy(src_hbm.at[wid, ci], sref, semsi).wait()
        pltpu.make_async_copy(dst_hbm.at[wid, ci], dref, semdi).wait()

    _idx_start(0, srcA, dstA)
    _idx_wait(0, srcA, dstA)
    _idx_start(1, srcB, dstB)
    pltpu.async_copy(g_hbm.at[srcA.at[0]], buf0, sem0)
    pltpu.async_copy(buf1, acc.at[dstA.at[0]], ssem1, add=True)

    def _pair(t, _):
        nxt = t < NP - 1

        def _phase(srcc, dstc, first_next):
            for j in range(G):
                b, s, ss = bufs[j % 2], sems[j % 2], ssems[j % 2]
                nb, ns, nss = bufs[(j + 1) % 2], sems[(j + 1) % 2], ssems[(j + 1) % 2]
                pltpu.make_async_copy(g_hbm.at[srcc.at[j]], b, s).wait()
                pltpu.make_async_copy(nb, acc.at[dstc.at[j]], nss).wait()
                if j + 1 < G:
                    pltpu.async_copy(g_hbm.at[srcc.at[j + 1]], nb, ns)
                else:
                    first_next(nb, ns)
                pltpu.async_copy(b, acc.at[dstc.at[j]], ss, add=True)

        def _a_to_b(nb, ns):
            _idx_wait(2 * t + 1, srcB, dstB)
            pltpu.async_copy(g_hbm.at[srcB.at[0]], nb, ns)

        _phase(srcA, dstA, _a_to_b)

        @pl.when(nxt)
        def _():
            _idx_start(2 * t + 2, srcA, dstA)

        def _b_to_a(nb, ns):
            @pl.when(nxt)
            def _():
                _idx_wait(2 * t + 2, srcA, dstA)
                pltpu.async_copy(g_hbm.at[srcA.at[0]], nb, ns)

        _phase(srcB, dstB, _b_to_a)

        @pl.when(nxt)
        def _():
            _idx_start(2 * t + 3, srcB, dstB)

        return 0

    lax.fori_loop(0, NP, _pair, 0)
    pltpu.make_async_copy(buf1, acc.at[dstB.at[G - 1]], ssem1).wait()

    plsc.subcore_barrier()
    pltpu.sync_copy(
        acc.at[pl.ds(sid * SLAB, SLAB)], out_hbm.at[cid, pl.ds(sid * SLAB, SLAB)]
    )


def _dinv_of(cnt_block):
    return lax.rsqrt(1.0 + jnp.sum(cnt_block, axis=0))[:, None]


def _mm1_body(c_ref, x_ref, w_ref, g_ref):
    dinv = _dinv_of(c_ref[...])
    g_ref[...] = dinv * jnp.dot(
        x_ref[...], w_ref[...], preferred_element_type=jnp.float32
    )


def _mid_body(c_ref, a_ref, g_ref, b_ref, w_ref, o_ref):
    dinv = _dinv_of(c_ref[...])
    a = dinv * (a_ref[0] + a_ref[1] + g_ref[...]) + b_ref[0]
    h = jnp.maximum(a, 0.0)
    o_ref[...] = dinv * jnp.dot(h, w_ref[...], preferred_element_type=jnp.float32)


def _final_body(c_ref, a_ref, g_ref, b_ref, o_ref):
    dinv = _dinv_of(c_ref[...])
    a = dinv * (a_ref[0] + a_ref[1] + g_ref[...]) + b_ref[0]
    col = lax.broadcasted_iota(jnp.int32, a.shape, 1)
    am = jnp.where(col < D, a, -1e30)
    m = jnp.max(am, axis=1, keepdims=True)
    s = jnp.sum(jnp.exp(am - m), axis=1, keepdims=True)
    o_ref[...] = (a - m) - jnp.log(s)


_BM = 512
_GRID = NR // _BM

_cnt_spec = pl.BlockSpec((NW, _BM), lambda i: (0, i))
_row_spec = pl.BlockSpec((_BM, DP), lambda i: (i, 0))
_acc_spec = pl.BlockSpec((NC, _BM, DP), lambda i: (0, i, 0))
_w_spec = pl.BlockSpec((DP, DP), lambda i: (0, 0))
_b_spec = pl.BlockSpec((1, DP), lambda i: (0, 0))
_out_sds = jax.ShapeDtypeStruct((NR, DP), jnp.float32)

_mm1 = pl.pallas_call(
    _mm1_body,
    grid=(_GRID,),
    in_specs=[_cnt_spec, _row_spec, _w_spec],
    out_specs=_row_spec,
    out_shape=_out_sds,
)
_mid = pl.pallas_call(
    _mid_body,
    grid=(_GRID,),
    in_specs=[_cnt_spec, _acc_spec, _row_spec, _b_spec, _w_spec],
    out_specs=_row_spec,
    out_shape=_out_sds,
)
_final = pl.pallas_call(
    _final_body,
    grid=(_GRID,),
    in_specs=[_cnt_spec, _acc_spec, _row_spec, _b_spec],
    out_specs=_row_spec,
    out_shape=_out_sds,
)


def kernel(x, edge_index, W1, b1, W2, b2):
    ei = edge_index.astype(jnp.int32)
    pad_idx = DUMMY + jnp.arange(EPAD - E, dtype=jnp.int32) % (NR - N)
    src = jnp.concatenate([ei[0], pad_idx])
    dst = jnp.concatenate([ei[1], pad_idx])
    src = src.reshape(NW, NG, G, B)
    dst = dst.reshape(NW, NG, G, B)

    xp = jnp.zeros((NR, DP), jnp.float32).at[:N, :D].set(x)
    W1p = jnp.zeros((DP, DP), jnp.float32).at[:D, :D].set(W1)
    W2p = jnp.zeros((DP, DP), jnp.float32).at[:D, :D].set(W2)
    b1p = jnp.zeros((1, DP), jnp.float32).at[0, :D].set(b1)
    b2p = jnp.zeros((1, DP), jnp.float32).at[0, :D].set(b2)

    cnt = _deg_kernel(dst.reshape(NW, NB, B))
    g1 = _mm1(cnt, xp, W1p)
    acc1 = _agg_kernel(g1, src, dst)
    g2 = _mid(cnt, acc1, g1, b1p, W2p)
    acc2 = _agg_kernel(g2, src, dst)
    out = _final(cnt, acc2, g2, b2p)
    return out[:N, :D]

# --- scband reference (transcript-rebuilt; emitter-appended) ---
"""Pipeline reference for scband-gcn-17411797418393 (READ-ONLY COPY).

The authoritative reference and input builder live on the scoring server;
editing this copy changes nothing except your own understanding.
"""

import jax, jax.numpy as jnp
import numpy as np

N_NODES = 10000
D = 125
N_EDGES = 640000


def gcn_conv(x, edge_index, W, b):
    N = x.shape[0]
    loop = jnp.arange(N, dtype=edge_index.dtype)
    src = jnp.concatenate([edge_index[0], loop])
    dst = jnp.concatenate([edge_index[1], loop])
    # linear transform
    h = x @ W
    # symmetric normalization with self-loops (PyG GCNConv default)
    deg = jnp.zeros((N,), dtype=h.dtype).at[dst].add(1.0)
    dinv = deg ** -0.5
    dinv = jnp.where(jnp.isinf(dinv), 0.0, dinv)
    norm = dinv[src] * dinv[dst]
    msgs = h[src] * norm[:, None]
    out = jnp.zeros_like(h).at[dst].add(msgs)
    return out + b


def setup_inputs(seed: int = 0) -> dict:
    key = jax.random.key(seed)
    k1, k2, k3, k4 = jax.random.split(key, 4)
    x = jax.random.normal(k1, (N_NODES, D), dtype=jnp.float32)
    edge_index = jax.random.randint(k2, (2, N_EDGES), 0, N_NODES, dtype=jnp.int64)
    glorot = (6.0 / (D + D)) ** 0.5
    W1 = jax.random.uniform(k3, (D, D), dtype=jnp.float32, minval=-glorot, maxval=glorot)
    W2 = jax.random.uniform(k4, (D, D), dtype=jnp.float32, minval=-glorot, maxval=glorot)
    b1 = jnp.zeros((D,), dtype=jnp.float32)
    b2 = jnp.zeros((D,), dtype=jnp.float32)
    return {"x": x, "edge_index": edge_index, "W1": W1, "b1": b1, "W2": W2, "b2": b2}


def reference(x, edge_index, W1, b1, W2, b2):
    h = gcn_conv(x, edge_index, W1, b1)
    h = jax.nn.relu(h)
    # F.dropout(training=self.training) is identity in eval mode
    out = gcn_conv(h, edge_index, W2, b2)
    return jax.nn.log_softmax(out, axis=1)

if __name__ == "__main__":
    import jax
    _d = setup_inputs()
    print(jax.jit(kernel)(*tuple(_d.values())))

</pallas_src>

<mosaic_0001>
#map = affine_map<(d0, d1) -> (0, 0, 0)>
#map1 = affine_map<(d0, d1) -> (0, 0)>
module attributes {stable_mosaic.version = 14 : i64} {
  func.func @_deg_kernel(%arg0: i32, %arg1: i32, %arg2: memref<32x160x128xi32, #tpu.memory_space<hbm>>, %arg3: memref<32x10240xf32, #tpu.memory_space<hbm>>, %arg4: memref<160x128xi32, #tpu.memory_space<vmem>>, %arg5: memref<10240xf32, #tpu.memory_space<vmem>>) attributes {dimension_semantics = [#tpu.dimension_semantics<core_parallel>, #tpu.dimension_semantics<subcore_parallel>], iteration_bounds = array<i64: 2, 16>, scalar_prefetch = 0 : i64, scratch_operands = 2 : i64, tpu.core_type = #tpu.core_type<sc_vector_subcore>, window_params = [{transform_indices = #map}, {transform_indices = #map1}]} {
    %mul3A = arith.constant 16 : i32
    %mul3A_0 = arith.muli %arg0, %mul3A : i32
    %add3A = arith.addi %mul3A_0, %arg1 : i32
    "tpu.region"() ({
      %run_scoped3A = tpu.sem_alloc : memref<!tpu.dma_semaphore, #tpu.memory_space<semaphore_mem>>
      %dma_start3A = arith.constant 0 : i32
      %dma_start3A_17 = arith.constant 0 : i32
      %dma_start3A_18 = tpu.memref_slice %arg2[%add3A, %dma_start3A, %dma_start3A_17] : memref<32x160x128xi32, #tpu.memory_space<hbm>> -> memref<1x160x128xi32, #tpu.memory_space<hbm>>
      %dma_start3A_19 = tpu.memref_squeeze %dma_start3A_18 : memref<1x160x128xi32, #tpu.memory_space<hbm>> -> memref<160x128xi32, #tpu.memory_space<hbm>>
      %dma_start3A_20 = arith.constant 0 : i32
      %dma_start3A_21 = arith.constant 0 : i32
      %dma_start3A_22 = tpu.memref_slice %arg2[%add3A, %dma_start3A_20, %dma_start3A_21] : memref<32x160x128xi32, #tpu.memory_space<hbm>> -> memref<1x160x128xi32, #tpu.memory_space<hbm>>
      %dma_start3A_23 = tpu.memref_squeeze %dma_start3A_22 : memref<1x160x128xi32, #tpu.memory_space<hbm>> -> memref<160x128xi32, #tpu.memory_space<hbm>>
      tpu.enqueue_dma source(%dma_start3A_23 : memref<160x128xi32, #tpu.memory_space<hbm>>) target(%arg4 : memref<160x128xi32, #tpu.memory_space<vmem>>) target_semaphore(%run_scoped3A : memref<!tpu.dma_semaphore, #tpu.memory_space<semaphore_mem>>)
      %dma_wait3A = arith.constant 0 : i32
      %dma_wait3A_24 = arith.constant 0 : i32
      %dma_wait3A_25 = tpu.memref_slice %arg2[%add3A, %dma_wait3A, %dma_wait3A_24] : memref<32x160x128xi32, #tpu.memory_space<hbm>> -> memref<1x160x128xi32, #tpu.memory_space<hbm>>
      %dma_wait3A_26 = tpu.memref_squeeze %dma_wait3A_25 : memref<1x160x128xi32, #tpu.memory_space<hbm>> -> memref<160x128xi32, #tpu.memory_space<hbm>>
      %dma_wait3A_27 = arith.constant 0 : i32
      %dma_wait3A_28 = arith.constant 0 : i32
      %dma_wait3A_29 = tpu.memref_slice %arg2[%add3A, %dma_wait3A_27, %dma_wait3A_28] : memref<32x160x128xi32, #tpu.memory_space<hbm>> -> memref<1x160x128xi32, #tpu.memory_space<hbm>>
      %dma_wait3A_30 = tpu.memref_squeeze %dma_wait3A_29 : memref<1x160x128xi32, #tpu.memory_space<hbm>> -> memref<160x128xi32, #tpu.memory_space<hbm>>
      tpu.wait_dma2 semaphore(%run_scoped3A : memref<!tpu.dma_semaphore, #tpu.memory_space<semaphore_mem>>) src(%dma_wait3A_30 : memref<160x128xi32, #tpu.memory_space<hbm>>) dst(%arg4 : memref<160x128xi32, #tpu.memory_space<vmem>>)
      tpu.yield
    }) : () -> ()
    %broadcast_in_dim3A = arith.constant 0.000000e+00 : f32
    %broadcast_in_dim3A_1 = vector.broadcast %broadcast_in_dim3A : f32 to vector<16xf32>
    %scan3A = arith.constant 0 : i32
    %scan3A_2 = arith.constant 0 : i32
    %scan3A_3 = arith.constant 640 : i32
    %scan3A_4 = arith.addi %scan3A_2, %scan3A_3 : i32
    %scan3A_5 = arith.constant 1 : i32
    %scan3A_6 = scf.for %scan3A_17 = %scan3A_2 to %scan3A_4 step %scan3A_5 iter_args(%scan3A_18 = %scan3A) -> (i32)  : i32 {
      %mul3A_19 = arith.constant 16 : i32
      %mul3A_20 = arith.muli %scan3A_17, %mul3A_19 : i32
      %swap3A = arith.index_cast %mul3A_20 : i32 to index
      %swap3A_21 = tpu.vector_load %arg5[%swap3A] {strides = array<i32>} : memref<10240xf32, #tpu.memory_space<vmem>>, vector<16xf32>,
      tpu.vector_store %arg5[%swap3A], %broadcast_in_dim3A_1 {strides = array<i32>} : memref<10240xf32, #tpu.memory_space<vmem>>, vector<16xf32>,
      %scan3A_22 = arith.constant 0 : i32
      scf.yield %scan3A_22 : i32
    }
    %scan3A_7 = arith.constant 640 : i32
    %broadcast_in_dim3A_8 = arith.constant 1.000000e+00 : f32
    %broadcast_in_dim3A_9 = vector.broadcast %broadcast_in_dim3A_8 : f32 to vector<16xf32>
    %scan3A_10 = arith.constant 0 : i32
    %scan3A_11 = arith.constant 0 : i32
    %scan3A_12 = arith.constant 160 : i32
    %scan3A_13 = arith.addi %scan3A_11, %scan3A_12 : i32
    %scan3A_14 = arith.constant 1 : i32
    %scan3A_15 = scf.for %scan3A_17 = %scan3A_11 to %scan3A_13 step %scan3A_14 iter_args(%scan3A_18 = %scan3A_10) -> (i32)  : i32 {
      %get3A = arith.index_cast %scan3A_17 : i32 to index
      %get3A_19 = arith.constant 0 : index
      %get3A_20 = tpu.vector_load %arg4[%get3A, %get3A_19] {strides = array<i32>} : memref<160x128xi32, #tpu.memory_space<vmem>>, vector<16xi32>,
      tpu.vector_store_idx %arg5[%get3A_20], %broadcast_in_dim3A_9 {add = true} : memref<10240xf32, #tpu.memory_space<vmem>>[vector<16xi32>], vector<16xf32>,
      %get3A_21 = arith.index_cast %scan3A_17 : i32 to index
      %get3A_22 = arith.constant 16 : index
      %get3A_23 = tpu.vector_load %arg4[%get3A_21, %get3A_22] {strides = array<i32>} : memref<160x128xi32, #tpu.memory_space<vmem>>, vector<16xi32>,
      tpu.vector_store_idx %arg5[%get3A_23], %broadcast_in_dim3A_9 {add = true} : memref<10240xf32, #tpu.memory_space<vmem>>[vector<16xi32>], vector<16xf32>,
      %get3A_24 = arith.index_cast %scan3A_17 : i32 to index
      %get3A_25 = arith.constant 32 : index
      %get3A_26 = tpu.vector_load %arg4[%get3A_24, %get3A_25] {strides = array<i32>} : memref<160x128xi32, #tpu.memory_space<vmem>>, vector<16xi32>,
      tpu.vector_store_idx %arg5[%get3A_26], %broadcast_in_dim3A_9 {add = true} : memref<10240xf32, #tpu.memory_space<vmem>>[vector<16xi32>], vector<16xf32>,
      %get3A_27 = arith.index_cast %scan3A_17 : i32 to index
      %get3A_28 = arith.constant 48 : index
      %get3A_29 = tpu.vector_load %arg4[%get3A_27, %get3A_28] {strides = array<i32>} : memref<160x128xi32, #tpu.memory_space<vmem>>, vector<16xi32>,
      tpu.vector_store_idx %arg5[%get3A_29], %broadcast_in_dim3A_9 {add = true} : memref<10240xf32, #tpu.memory_space<vmem>>[vector<16xi32>], vector<16xf32>,
      %get3A_30 = arith.index_cast %scan3A_17 : i32 to index
      %get3A_31 = arith.constant 64 : index
      %get3A_32 = tpu.vector_load %arg4[%get3A_30, %get3A_31] {strides = array<i32>} : memref<160x128xi32, #tpu.memory_space<vmem>>, vector<16xi32>,
      tpu.vector_store_idx %arg5[%get3A_32], %broadcast_in_dim3A_9 {add = true} : memref<10240xf32, #tpu.memory_space<vmem>>[vector<16xi32>], vector<16xf32>,
      %get3A_33 = arith.index_cast %scan3A_17 : i32 to index
      %get3A_34 = arith.constant 80 : index
      %get3A_35 = tpu.vector_load %arg4[%get3A_33, %get3A_34] {strides = array<i32>} : memref<160x128xi32, #tpu.memory_space<vmem>>, vector<16xi32>,
      tpu.vector_store_idx %arg5[%get3A_35], %broadcast_in_dim3A_9 {add = true} : memref<10240xf32, #tpu.memory_space<vmem>>[vector<16xi32>], vector<16xf32>,
      %get3A_36 = arith.index_cast %scan3A_17 : i32 to index
      %get3A_37 = arith.constant 96 : index
      %get3A_38 = tpu.vector_load %arg4[%get3A_36, %get3A_37] {strides = array<i32>} : memref<160x128xi32, #tpu.memory_space<vmem>>, vector<16xi32>,
      tpu.vector_store_idx %arg5[%get3A_38], %broadcast_in_dim3A_9 {add = true} : memref<10240xf32, #tpu.memory_space<vmem>>[vector<16xi32>], vector<16xf32>,
      %get3A_39 = arith.index_cast %scan3A_17 : i32 to index
      %get3A_40 = arith.constant 112 : index
      %get3A_41 = tpu.vector_load %arg4[%get3A_39, %get3A_40] {strides = array<i32>} : memref<160x128xi32, #tpu.memory_space<vmem>>, vector<16xi32>,
      tpu.vector_store_idx %arg5[%get3A_41], %broadcast_in_dim3A_9 {add = true} : memref<10240xf32, #tpu.memory_space<vmem>>[vector<16xi32>], vector<16xf32>,
      %scan3A_42 = arith.constant 0 : i32
      scf.yield %scan3A_42 : i32
    }
    %scan3A_16 = arith.constant 160 : i32
    "tpu.region"() ({
      %run_scoped3A = tpu.sem_alloc : memref<!tpu.dma_semaphore, #tpu.memory_space<semaphore_mem>>
      %dma_start3A = arith.constant 0 : i32
      %dma_start3A_17 = tpu.memref_slice %arg3[%add3A, %dma_start3A] : memref<32x10240xf32, #tpu.memory_space<hbm>> -> memref<1x10240xf32, #tpu.memory_space<hbm>>
      %dma_start3A_18 = tpu.memref_squeeze %dma_start3A_17 : memref<1x10240xf32, #tpu.memory_space<hbm>> -> memref<10240xf32, #tpu.memory_space<hbm>>
      %dma_start3A_19 = arith.constant 0 : i32
      %dma_start3A_20 = tpu.memref_slice %arg3[%add3A, %dma_start3A_19] : memref<32x10240xf32, #tpu.memory_space<hbm>> -> memref<1x10240xf32, #tpu.memory_space<hbm>>
      %dma_start3A_21 = tpu.memref_squeeze %dma_start3A_20 : memref<1x10240xf32, #tpu.memory_space<hbm>> -> memref<10240xf32, #tpu.memory_space<hbm>>
      tpu.enqueue_dma source(%arg5 : memref<10240xf32, #tpu.memory_space<vmem>>) target(%dma_start3A_21 : memref<10240xf32, #tpu.memory_space<hbm>>) target_semaphore(%run_scoped3A : memref<!tpu.dma_semaphore, #tpu.memory_space<semaphore_mem>>)
      %dma_wait3A = arith.constant 0 : i32
      %dma_wait3A_22 = tpu.memref_slice %arg3[%add3A, %dma_wait3A] : memref<32x10240xf32, #tpu.memory_space<hbm>> -> memref<1x10240xf32, #tpu.memory_space<hbm>>
      %dma_wait3A_23 = tpu.memref_squeeze %dma_wait3A_22 : memref<1x10240xf32, #tpu.memory_space<hbm>> -> memref<10240xf32, #tpu.memory_space<hbm>>
      %dma_wait3A_24 = arith.constant 0 : i32
      %dma_wait3A_25 = tpu.memref_slice %arg3[%add3A, %dma_wait3A_24] : memref<32x10240xf32, #tpu.memory_space<hbm>> -> memref<1x10240xf32, #tpu.memory_space<hbm>>
      %dma_wait3A_26 = tpu.memref_squeeze %dma_wait3A_25 : memref<1x10240xf32, #tpu.memory_space<hbm>> -> memref<10240xf32, #tpu.memory_space<hbm>>
      tpu.wait_dma2 semaphore(%run_scoped3A : memref<!tpu.dma_semaphore, #tpu.memory_space<semaphore_mem>>) src(%arg5 : memref<10240xf32, #tpu.memory_space<vmem>>) dst(%dma_wait3A_26 : memref<10240xf32, #tpu.memory_space<hbm>>)
      tpu.yield
    }) : () -> ()
    return
  }
}

#map = affine_map<(d0, d1) -> (0, 0)>
#map1 = affine_map<(d0, d1) -> (0, 0, 0, 0)>
#map2 = affine_map<(d0, d1) -> (0, 0, 0)>
module attributes {stable_mosaic.version = 14 : i64} {
  func.func @_agg_kernel(%arg0: i32, %arg1: i32, %arg2: memref<10240x128xf32, #tpu.memory_space<hbm>>, %arg3: memref<32x40x4x128xi32, #tpu.memory_space<hbm>>, %arg4: memref<32x40x4x128xi32, #tpu.memory_space<hbm>>, %arg5: memref<2x10240x128xf32, #tpu.memory_space<hbm>>, %arg6: memref<4x128xi32, #tpu.memory_space<vmem>>, %arg7: memref<4x128xi32, #tpu.memory_space<vmem>>, %arg8: memref<4x128xi32, #tpu.memory_space<vmem>>, %arg9: memref<4x128xi32, #tpu.memory_space<vmem>>, %arg10: memref<128x128xf32, #tpu.memory_space<vmem>>, %arg11: memref<128x128xf32, #tpu.memory_space<vmem>>, %arg12: memref<10240x128xf32, #tpu.memory_space<vmem_shared>>, %arg13: memref<!tpu.dma_semaphore, #tpu.memory_space<semaphore_mem>>, %arg14: memref<!tpu.dma_semaphore, #tpu.memory_space<semaphore_mem>>, %arg15: memref<!tpu.dma_semaphore, #tpu.memory_space<semaphore_mem>>, %arg16: memref<!tpu.dma_semaphore, #tpu.memory_space<semaphore_mem>>, %arg17: memref<!tpu.dma_semaphore, #tpu.memory_space<semaphore_mem>>, %arg18: memref<!tpu.dma_semaphore, #tpu.memory_space<semaphore_mem>>, %arg19: memref<!tpu.dma_semaphore, #tpu.memory_space<semaphore_mem>>) attributes {dimension_semantics = [#tpu.dimension_semantics<core_parallel>, #tpu.dimension_semantics<subcore_parallel>], iteration_bounds = array<i64: 2, 16>, scalar_prefetch = 0 : i64, scratch_operands = 14 : i64, tpu.core_type = #tpu.core_type<sc_vector_subcore>, window_params = [{transform_indices = #map}, {transform_indices = #map1}, {transform_indices = #map1}, {transform_indices = #map2}]} {
    %mul3A = arith.constant 16 : i32
    %mul3A_0 = arith.muli %arg0, %mul3A : i32
    %add3A = arith.addi %mul3A_0, %arg1 : i32
    %broadcast_in_dim3A = arith.constant 0.000000e+00 : f32
    %broadcast_in_dim3A_1 = vector.broadcast %broadcast_in_dim3A : f32 to vector<16xf32>
    %scan3A = arith.constant 0 : i32
    %scan3A_2 = arith.constant 0 : i32
    %scan3A_3 = arith.constant 128 : i32
    %scan3A_4 = arith.addi %scan3A_2, %scan3A_3 : i32
    %scan3A_5 = arith.constant 1 : i32
    %scan3A_6 = scf.for %scan3A_173 = %scan3A_2 to %scan3A_4 step %scan3A_5 iter_args(%scan3A_174 = %scan3A) -> (i32)  : i32 {
      %swap3A = arith.index_cast %scan3A_173 : i32 to index
      %swap3A_175 = arith.constant 0 : index
      %swap3A_176 = tpu.vector_load %arg10[%swap3A, %swap3A_175] {strides = array<i32>} : memref<128x128xf32, #tpu.memory_space<vmem>>, vector<16xf32>,
      tpu.vector_store %arg10[%swap3A, %swap3A_175], %broadcast_in_dim3A_1 {strides = array<i32>} : memref<128x128xf32, #tpu.memory_space<vmem>>, vector<16xf32>,
      %swap3A_177 = arith.index_cast %scan3A_173 : i32 to index
      %swap3A_178 = arith.constant 0 : index
      %swap3A_179 = tpu.vector_load %arg11[%swap3A_177, %swap3A_178] {strides = array<i32>} : memref<128x128xf32, #tpu.memory_space<vmem>>, vector<16xf32>,
      tpu.vector_store %arg11[%swap3A_177, %swap3A_178], %broadcast_in_dim3A_1 {strides = array<i32>} : memref<128x128xf32, #tpu.memory_space<vmem>>, vector<16xf32>,
      %swap3A_180 = arith.index_cast %scan3A_173 : i32 to index
      %swap3A_181 = arith.constant 16 : index
      %swap3A_182 = tpu.vector_load %arg10[%swap3A_180, %swap3A_181] {strides = array<i32>} : memref<128x128xf32, #tpu.memory_space<vmem>>, vector<16xf32>,
      tpu.vector_store %arg10[%swap3A_180, %swap3A_181], %broadcast_in_dim3A_1 {strides = array<i32>} : memref<128x128xf32, #tpu.memory_space<vmem>>, vector<16xf32>,
      %swap3A_183 = arith.index_cast %scan3A_173 : i32 to index
      %swap3A_184 = arith.constant 16 : index
      %swap3A_185 = tpu.vector_load %arg11[%swap3A_183, %swap3A_184] {strides = array<i32>} : memref<128x128xf32, #tpu.memory_space<vmem>>, vector<16xf32>,
      tpu.vector_store %arg11[%swap3A_183, %swap3A_184], %broadcast_in_dim3A_1 {strides = array<i32>} : memref<128x128xf32, #tpu.memory_space<vmem>>, vector<16xf32>,
      %swap3A_186 = arith.index_cast %scan3A_173 : i32 to index
      %swap3A_187 = arith.constant 32 : index
      %swap3A_188 = tpu.vector_load %arg10[%swap3A_186, %swap3A_187] {strides = array<i32>} : memref<128x128xf32, #tpu.memory_space<vmem>>, vector<16xf32>,
      tpu.vector_store %arg10[%swap3A_186, %swap3A_187], %broadcast_in_dim3A_1 {strides = array<i32>} : memref<128x128xf32, #tpu.memory_space<vmem>>, vector<16xf32>,
      %swap3A_189 = arith.index_cast %scan3A_173 : i32 to index
      %swap3A_190 = arith.constant 32 : index
      %swap3A_191 = tpu.vector_load %arg11[%swap3A_189, %swap3A_190] {strides = array<i32>} : memref<128x128xf32, #tpu.memory_space<vmem>>, vector<16xf32>,
      tpu.vector_store %arg11[%swap3A_189, %swap3A_190], %broadcast_in_dim3A_1 {strides = array<i32>} : memref<128x128xf32, #tpu.memory_space<vmem>>, vector<16xf32>,
      %swap3A_192 = arith.index_cast %scan3A_173 : i32 to index
      %swap3A_193 = arith.constant 48 : index
      %swap3A_194 = tpu.vector_load %arg10[%swap3A_192, %swap3A_193] {strides = array<i32>} : memref<128x128xf32, #tpu.memory_space<vmem>>, vector<16xf32>,
      tpu.vector_store %arg10[%swap3A_192, %swap3A_193], %broadcast_in_dim3A_1 {strides = array<i32>} : memref<128x128xf32, #tpu.memory_space<vmem>>, vector<16xf32>,
      %swap3A_195 = arith.index_cast %scan3A_173 : i32 to index
      %swap3A_196 = arith.constant 48 : index
      %swap3A_197 = tpu.vector_load %arg11[%swap3A_195, %swap3A_196] {strides = array<i32>} : memref<128x128xf32, #tpu.memory_space<vmem>>, vector<16xf32>,
      tpu.vector_store %arg11[%swap3A_195, %swap3A_196], %broadcast_in_dim3A_1 {strides = array<i32>} : memref<128x128xf32, #tpu.memory_space<vmem>>, vector<16xf32>,
      %swap3A_198 = arith.index_cast %scan3A_173 : i32 to index
      %swap3A_199 = arith.constant 64 : index
      %swap3A_200 = tpu.vector_load %arg10[%swap3A_198, %swap3A_199] {strides = array<i32>} : memref<128x128xf32, #tpu.memory_space<vmem>>, vector<16xf32>,
      tpu.vector_store %arg10[%swap3A_198, %swap3A_199], %broadcast_in_dim3A_1 {strides = array<i32>} : memref<128x128xf32, #tpu.memory_space<vmem>>, vector<16xf32>,
      %swap3A_201 = arith.index_cast %scan3A_173 : i32 to index
      %swap3A_202 = arith.constant 64 : index
      %swap3A_203 = tpu.vector_load %arg11[%swap3A_201, %swap3A_202] {strides = array<i32>} : memref<128x128xf32, #tpu.memory_space<vmem>>, vector<16xf32>,
      tpu.vector_store %arg11[%swap3A_201, %swap3A_202], %broadcast_in_dim3A_1 {strides = array<i32>} : memref<128x128xf32, #tpu.memory_space<vmem>>, vector<16xf32>,
      %swap3A_204 = arith.index_cast %scan3A_173 : i32 to index
      %swap3A_205 = arith.constant 80 : index
      %swap3A_206 = tpu.vector_load %arg10[%swap3A_204, %swap3A_205] {strides = array<i32>} : memref<128x128xf32, #tpu.memory_space<vmem>>, vector<16xf32>,
      tpu.vector_store %arg10[%swap3A_204, %swap3A_205], %broadcast_in_dim3A_1 {strides = array<i32>} : memref<128x128xf32, #tpu.memory_space<vmem>>, vector<16xf32>,
      %swap3A_207 = arith.index_cast %scan3A_173 : i32 to index
      %swap3A_208 = arith.constant 80 : index
      %swap3A_209 = tpu.vector_load %arg11[%swap3A_207, %swap3A_208] {strides = array<i32>} : memref<128x128xf32, #tpu.memory_space<vmem>>, vector<16xf32>,
      tpu.vector_store %arg11[%swap3A_207, %swap3A_208], %broadcast_in_dim3A_1 {strides = array<i32>} : memref<128x128xf32, #tpu.memory_space<vmem>>, vector<16xf32>,
      %swap3A_210 = arith.index_cast %scan3A_173 : i32 to index
      %swap3A_211 = arith.constant 96 : index
      %swap3A_212 = tpu.vector_load %arg10[%swap3A_210, %swap3A_211] {strides = array<i32>} : memref<128x128xf32, #tpu.memory_space<vmem>>, vector<16xf32>,
      tpu.vector_store %arg10[%swap3A_210, %swap3A_211], %broadcast_in_dim3A_1 {strides = array<i32>} : memref<128x128xf32, #tpu.memory_space<vmem>>, vector<16xf32>,
      %swap3A_213 = arith.index_cast %scan3A_173 : i32 to index
      %swap3A_214 = arith.constant 96 : index
      %swap3A_215 = tpu.vector_load %arg11[%swap3A_213, %swap3A_214] {strides = array<i32>} : memref<128x128xf32, #tpu.memory_space<vmem>>, vector<16xf32>,
      tpu.vector_store %arg11[%swap3A_213, %swap3A_214], %broadcast_in_dim3A_1 {strides = array<i32>} : memref<128x128xf32, #tpu.memory_space<vmem>>, vector<16xf32>,
      %swap3A_216 = arith.index_cast %scan3A_173 : i32 to index
      %swap3A_217 = arith.constant 112 : index
      %swap3A_218 = tpu.vector_load %arg10[%swap3A_216, %swap3A_217] {strides = array<i32>} : memref<128x128xf32, #tpu.memory_space<vmem>>, vector<16xf32>,
      tpu.vector_store %arg10[%swap3A_216, %swap3A_217], %broadcast_in_dim3A_1 {strides = array<i32>} : memref<128x128xf32, #tpu.memory_space<vmem>>, vector<16xf32>,
      %swap3A_219 = arith.index_cast %scan3A_173 : i32 to index
      %swap3A_220 = arith.constant 112 : index
      %swap3A_221 = tpu.vector_load %arg11[%swap3A_219, %swap3A_220] {strides = array<i32>} : memref<128x128xf32, #tpu.memory_space<vmem>>, vector<16xf32>,
      tpu.vector_store %arg11[%swap3A_219, %swap3A_220], %broadcast_in_dim3A_1 {strides = array<i32>} : memref<128x128xf32, #tpu.memory_space<vmem>>, vector<16xf32>,
      %scan3A_222 = arith.constant 0 : i32
      scf.yield %scan3A_222 : i32
    }
    %scan3A_7 = arith.constant 128 : i32
    %mul3A_8 = arith.constant 640 : i32
    %mul3A_9 = arith.muli %arg1, %mul3A_8 : i32
    %add3A_10 = arith.constant 0 : i32
    %add3A_11 = arith.addi %mul3A_9, %add3A_10 : i32
    %dma_start3A = arith.constant 0 : i32
    %dma_start3A_12 = tpu.memref_slice %arg12[%add3A_11, %dma_start3A] : memref<10240x128xf32, #tpu.memory_space<vmem_shared>> -> memref<128x128xf32, #tpu.memory_space<vmem_shared>>
    %dma_start3A_13 = arith.constant 0 : i32
    %dma_start3A_14 = tpu.memref_slice %arg12[%add3A_11, %dma_start3A_13] : memref<10240x128xf32, #tpu.memory_space<vmem_shared>> -> memref<128x128xf32, #tpu.memory_space<vmem_shared>>
    tpu.enqueue_dma source(%arg10 : memref<128x128xf32, #tpu.memory_space<vmem>>) target(%dma_start3A_14 : memref<128x128xf32, #tpu.memory_space<vmem_shared>>) target_semaphore(%arg17 : memref<!tpu.dma_semaphore, #tpu.memory_space<semaphore_mem>>)
    %mul3A_15 = arith.constant 640 : i32
    %mul3A_16 = arith.muli %arg1, %mul3A_15 : i32
    %add3A_17 = arith.constant 128 : i32
    %add3A_18 = arith.addi %mul3A_16, %add3A_17 : i32
    %dma_start3A_19 = arith.constant 0 : i32
    %dma_start3A_20 = tpu.memref_slice %arg12[%add3A_18, %dma_start3A_19] : memref<10240x128xf32, #tpu.memory_space<vmem_shared>> -> memref<128x128xf32, #tpu.memory_space<vmem_shared>>
    %dma_start3A_21 = arith.constant 0 : i32
    %dma_start3A_22 = tpu.memref_slice %arg12[%add3A_18, %dma_start3A_21] : memref<10240x128xf32, #tpu.memory_space<vmem_shared>> -> memref<128x128xf32, #tpu.memory_space<vmem_shared>>
    tpu.enqueue_dma source(%arg10 : memref<128x128xf32, #tpu.memory_space<vmem>>) target(%dma_start3A_22 : memref<128x128xf32, #tpu.memory_space<vmem_shared>>) target_semaphore(%arg17 : memref<!tpu.dma_semaphore, #tpu.memory_space<semaphore_mem>>)
    %mul3A_23 = arith.constant 640 : i32
    %mul3A_24 = arith.muli %arg1, %mul3A_23 : i32
    %add3A_25 = arith.constant 256 : i32
    %add3A_26 = arith.addi %mul3A_24, %add3A_25 : i32
    %dma_start3A_27 = arith.constant 0 : i32
    %dma_start3A_28 = tpu.memref_slice %arg12[%add3A_26, %dma_start3A_27] : memref<10240x128xf32, #tpu.memory_space<vmem_shared>> -> memref<128x128xf32, #tpu.memory_space<vmem_shared>>
    %dma_start3A_29 = arith.constant 0 : i32
    %dma_start3A_30 = tpu.memref_slice %arg12[%add3A_26, %dma_start3A_29] : memref<10240x128xf32, #tpu.memory_space<vmem_shared>> -> memref<128x128xf32, #tpu.memory_space<vmem_shared>>
    tpu.enqueue_dma source(%arg10 : memref<128x128xf32, #tpu.memory_space<vmem>>) target(%dma_start3A_30 : memref<128x128xf32, #tpu.memory_space<vmem_shared>>) target_semaphore(%arg17 : memref<!tpu.dma_semaphore, #tpu.memory_space<semaphore_mem>>)
    %mul3A_31 = arith.constant 640 : i32
    %mul3A_32 = arith.muli %arg1, %mul3A_31 : i32
    %add3A_33 = arith.constant 384 : i32
    %add3A_34 = arith.addi %mul3A_32, %add3A_33 : i32
    %dma_start3A_35 = arith.constant 0 : i32
    %dma_start3A_36 = tpu.memref_slice %arg12[%add3A_34, %dma_start3A_35] : memref<10240x128xf32, #tpu.memory_space<vmem_shared>> -> memref<128x128xf32, #tpu.memory_space<vmem_shared>>
    %dma_start3A_37 = arith.constant 0 : i32
    %dma_start3A_38 = tpu.memref_slice %arg12[%add3A_34, %dma_start3A_37] : memref<10240x128xf32, #tpu.memory_space<vmem_shared>> -> memref<128x128xf32, #tpu.memory_space<vmem_shared>>
    tpu.enqueue_dma source(%arg10 : memref<128x128xf32, #tpu.memory_space<vmem>>) target(%dma_start3A_38 : memref<128x128xf32, #tpu.memory_space<vmem_shared>>) target_semaphore(%arg17 : memref<!tpu.dma_semaphore, #tpu.memory_space<semaphore_mem>>)
    %mul3A_39 = arith.constant 640 : i32
    %mul3A_40 = arith.muli %arg1, %mul3A_39 : i32
    %add3A_41 = arith.constant 512 : i32
    %add3A_42 = arith.addi %mul3A_40, %add3A_41 : i32
    %dma_start3A_43 = arith.constant 0 : i32
    %dma_start3A_44 = tpu.memref_slice %arg12[%add3A_42, %dma_start3A_43] : memref<10240x128xf32, #tpu.memory_space<vmem_shared>> -> memref<128x128xf32, #tpu.memory_space<vmem_shared>>
    %dma_start3A_45 = arith.constant 0 : i32
    %dma_start3A_46 = tpu.memref_slice %arg12[%add3A_42, %dma_start3A_45] : memref<10240x128xf32, #tpu.memory_space<vmem_shared>> -> memref<128x128xf32, #tpu.memory_space<vmem_shared>>
    tpu.enqueue_dma source(%arg10 : memref<128x128xf32, #tpu.memory_space<vmem>>) target(%dma_start3A_46 : memref<128x128xf32, #tpu.memory_space<vmem_shared>>) target_semaphore(%arg17 : memref<!tpu.dma_semaphore, #tpu.memory_space<semaphore_mem>>)
    %mul3A_47 = arith.constant 640 : i32
    %mul3A_48 = arith.muli %arg1, %mul3A_47 : i32
    %add3A_49 = arith.constant 0 : i32
    %add3A_50 = arith.addi %mul3A_48, %add3A_49 : i32
    %dma_wait3A = arith.constant 0 : i32
    %dma_wait3A_51 = tpu.memref_slice %arg12[%add3A_50, %dma_wait3A] : memref<10240x128xf32, #tpu.memory_space<vmem_shared>> -> memref<128x128xf32, #tpu.memory_space<vmem_shared>>
    %dma_wait3A_52 = arith.constant 0 : i32
    %dma_wait3A_53 = tpu.memref_slice %arg12[%add3A_50, %dma_wait3A_52] : memref<10240x128xf32, #tpu.memory_space<vmem_shared>> -> memref<128x128xf32, #tpu.memory_space<vmem_shared>>
    tpu.wait_dma2 semaphore(%arg17 : memref<!tpu.dma_semaphore, #tpu.memory_space<semaphore_mem>>) src(%arg10 : memref<128x128xf32, #tpu.memory_space<vmem>>) dst(%dma_wait3A_53 : memref<128x128xf32, #tpu.memory_space<vmem_shared>>)
    %mul3A_54 = arith.constant 640 : i32
    %mul3A_55 = arith.muli %arg1, %mul3A_54 : i32
    %add3A_56 = arith.constant 128 : i32
    %add3A_57 = arith.addi %mul3A_55, %add3A_56 : i32
    %dma_wait3A_58 = arith.constant 0 : i32
    %dma_wait3A_59 = tpu.memref_slice %arg12[%add3A_57, %dma_wait3A_58] : memref<10240x128xf32, #tpu.memory_space<vmem_shared>> -> memref<128x128xf32, #tpu.memory_space<vmem_shared>>
    %dma_wait3A_60 = arith.constant 0 : i32
    %dma_wait3A_61 = tpu.memref_slice %arg12[%add3A_57, %dma_wait3A_60] : memref<10240x128xf32, #tpu.memory_space<vmem_shared>> -> memref<128x128xf32, #tpu.memory_space<vmem_shared>>
    tpu.wait_dma2 semaphore(%arg17 : memref<!tpu.dma_semaphore, #tpu.memory_space<semaphore_mem>>) src(%arg10 : memref<128x128xf32, #tpu.memory_space<vmem>>) dst(%dma_wait3A_61 : memref<128x128xf32, #tpu.memory_space<vmem_shared>>)
    %mul3A_62 = arith.constant 640 : i32
    %mul3A_63 = arith.muli %arg1, %mul3A_62 : i32
    %add3A_64 = arith.constant 256 : i32
    %add3A_65 = arith.addi %mul3A_63, %add3A_64 : i32
    %dma_wait3A_66 = arith.constant 0 : i32
    %dma_wait3A_67 = tpu.memref_slice %arg12[%add3A_65, %dma_wait3A_66] : memref<10240x128xf32, #tpu.memory_space<vmem_shared>> -> memref<128x128xf32, #tpu.memory_space<vmem_shared>>
    %dma_wait3A_68 = arith.constant 0 : i32
    %dma_wait3A_69 = tpu.memref_slice %arg12[%add3A_65, %dma_wait3A_68] : memref<10240x128xf32, #tpu.memory_space<vmem_shared>> -> memref<128x128xf32, #tpu.memory_space<vmem_shared>>
    tpu.wait_dma2 semaphore(%arg17 : memref<!tpu.dma_semaphore, #tpu.memory_space<semaphore_mem>>) src(%arg10 : memref<128x128xf32, #tpu.memory_space<vmem>>) dst(%dma_wait3A_69 : memref<128x128xf32, #tpu.memory_space<vmem_shared>>)
    %mul3A_70 = arith.constant 640 : i32
    %mul3A_71 = arith.muli %arg1, %mul3A_70 : i32
    %add3A_72 = arith.constant 384 : i32
    %add3A_73 = arith.addi %mul3A_71, %add3A_72 : i32
    %dma_wait3A_74 = arith.constant 0 : i32
    %dma_wait3A_75 = tpu.memref_slice %arg12[%add3A_73, %dma_wait3A_74] : memref<10240x128xf32, #tpu.memory_space<vmem_shared>> -> memref<128x128xf32, #tpu.memory_space<vmem_shared>>
    %dma_wait3A_76 = arith.constant 0 : i32
    %dma_wait3A_77 = tpu.memref_slice %arg12[%add3A_73, %dma_wait3A_76] : memref<10240x128xf32, #tpu.memory_space<vmem_shared>> -> memref<128x128xf32, #tpu.memory_space<vmem_shared>>
    tpu.wait_dma2 semaphore(%arg17 : memref<!tpu.dma_semaphore, #tpu.memory_space<semaphore_mem>>) src(%arg10 : memref<128x128xf32, #tpu.memory_space<vmem>>) dst(%dma_wait3A_77 : memref<128x128xf32, #tpu.memory_space<vmem_shared>>)
    %mul3A_78 = arith.constant 640 : i32
    %mul3A_79 = arith.muli %arg1, %mul3A_78 : i32
    %add3A_80 = arith.constant 512 : i32
    %add3A_81 = arith.addi %mul3A_79, %add3A_80 : i32
    %dma_wait3A_82 = arith.constant 0 : i32
    %dma_wait3A_83 = tpu.memref_slice %arg12[%add3A_81, %dma_wait3A_82] : memref<10240x128xf32, #tpu.memory_space<vmem_shared>> -> memref<128x128xf32, #tpu.memory_space<vmem_shared>>
    %dma_wait3A_84 = arith.constant 0 : i32
    %dma_wait3A_85 = tpu.memref_slice %arg12[%add3A_81, %dma_wait3A_84] : memref<10240x128xf32, #tpu.memory_space<vmem_shared>> -> memref<128x128xf32, #tpu.memory_space<vmem_shared>>
    tpu.wait_dma2 semaphore(%arg17 : memref<!tpu.dma_semaphore, #tpu.memory_space<semaphore_mem>>) src(%arg10 : memref<128x128xf32, #tpu.memory_space<vmem>>) dst(%dma_wait3A_85 : memref<128x128xf32, #tpu.memory_space<vmem_shared>>)
    %barrier3A = arith.constant 0 : index
    tpu.barrier barrier_id(%barrier3A)
    %dma_start3A_86 = arith.constant 0 : i32
    %dma_start3A_87 = arith.constant 0 : i32
    %dma_start3A_88 = arith.constant 0 : i32
    %dma_start3A_89 = tpu.memref_slice %arg3[%add3A, %dma_start3A_86, %dma_start3A_87, %dma_start3A_88] : memref<32x40x4x128xi32, #tpu.memory_space<hbm>> -> memref<1x1x4x128xi32, #tpu.memory_space<hbm>>
    %dma_start3A_90 = tpu.memref_squeeze %dma_start3A_89 : memref<1x1x4x128xi32, #tpu.memory_space<hbm>> -> memref<4x128xi32, #tpu.memory_space<hbm>>
    %dma_start3A_91 = arith.constant 0 : i32
    %dma_start3A_92 = arith.constant 0 : i32
    %dma_start3A_93 = tpu.memref_slice %arg3[%add3A, %dma_start3A_86, %dma_start3A_91, %dma_start3A_92] : memref<32x40x4x128xi32, #tpu.memory_space<hbm>> -> memref<1x1x4x128xi32, #tpu.memory_space<hbm>>
    %dma_start3A_94 = tpu.memref_squeeze %dma_start3A_93 : memref<1x1x4x128xi32, #tpu.memory_space<hbm>> -> memref<4x128xi32, #tpu.memory_space<hbm>>
    tpu.enqueue_dma source(%dma_start3A_94 : memref<4x128xi32, #tpu.memory_space<hbm>>) target(%arg6 : memref<4x128xi32, #tpu.memory_space<vmem>>) target_semaphore(%arg18 : memref<!tpu.dma_semaphore, #tpu.memory_space<semaphore_mem>>)
    %dma_start3A_95 = arith.constant 0 : i32
    %dma_start3A_96 = arith.constant 0 : i32
    %dma_start3A_97 = arith.constant 0 : i32
    %dma_start3A_98 = tpu.memref_slice %arg4[%add3A, %dma_start3A_95, %dma_start3A_96, %dma_start3A_97] : memref<32x40x4x128xi32, #tpu.memory_space<hbm>> -> memref<1x1x4x128xi32, #tpu.memory_space<hbm>>
    %dma_start3A_99 = tpu.memref_squeeze %dma_start3A_98 : memref<1x1x4x128xi32, #tpu.memory_space<hbm>> -> memref<4x128xi32, #tpu.memory_space<hbm>>
    %dma_start3A_100 = arith.constant 0 : i32
    %dma_start3A_101 = arith.constant 0 : i32
    %dma_start3A_102 = tpu.memref_slice %arg4[%add3A, %dma_start3A_95, %dma_start3A_100, %dma_start3A_101] : memref<32x40x4x128xi32, #tpu.memory_space<hbm>> -> memref<1x1x4x128xi32, #tpu.memory_space<hbm>>
    %dma_start3A_103 = tpu.memref_squeeze %dma_start3A_102 : memref<1x1x4x128xi32, #tpu.memory_space<hbm>> -> memref<4x128xi32, #tpu.memory_space<hbm>>
    tpu.enqueue_dma source(%dma_start3A_103 : memref<4x128xi32, #tpu.memory_space<hbm>>) target(%arg7 : memref<4x128xi32, #tpu.memory_space<vmem>>) target_semaphore(%arg19 : memref<!tpu.dma_semaphore, #tpu.memory_space<semaphore_mem>>)
    %dma_wait3A_104 = arith.constant 0 : i32
    %dma_wait3A_105 = arith.constant 0 : i32
    %dma_wait3A_106 = arith.constant 0 : i32
    %dma_wait3A_107 = tpu.memref_slice %arg3[%add3A, %dma_wait3A_104, %dma_wait3A_105, %dma_wait3A_106] : memref<32x40x4x128xi32, #tpu.memory_space<hbm>> -> memref<1x1x4x128xi32, #tpu.memory_space<hbm>>
    %dma_wait3A_108 = tpu.memref_squeeze %dma_wait3A_107 : memref<1x1x4x128xi32, #tpu.memory_space<hbm>> -> memref<4x128xi32, #tpu.memory_space<hbm>>
    %dma_wait3A_109 = arith.constant 0 : i32
    %dma_wait3A_110 = arith.constant 0 : i32
    %dma_wait3A_111 = tpu.memref_slice %arg3[%add3A, %dma_wait3A_104, %dma_wait3A_109, %dma_wait3A_110] : memref<32x40x4x128xi32, #tpu.memory_space<hbm>> -> memref<1x1x4x128xi32, #tpu.memory_space<hbm>>
    %dma_wait3A_112 = tpu.memref_squeeze %dma_wait3A_111 : memref<1x1x4x128xi32, #tpu.memory_space<hbm>> -> memref<4x128xi32, #tpu.memory_space<hbm>>
    tpu.wait_dma2 semaphore(%arg18 : memref<!tpu.dma_semaphore, #tpu.memory_space<semaphore_mem>>) src(%dma_wait3A_112 : memref<4x128xi32, #tpu.memory_space<hbm>>) dst(%arg6 : memref<4x128xi32, #tpu.memory_space<vmem>>)
    %dma_wait3A_113 = arith.constant 0 : i32
    %dma_wait3A_114 = arith.constant 0 : i32
    %dma_wait3A_115 = arith.constant 0 : i32
    %dma_wait3A_116 = tpu.memref_slice %arg4[%add3A, %dma_wait3A_113, %dma_wait3A_114, %dma_wait3A_115] : memref<32x40x4x128xi32, #tpu.memory_space<hbm>> -> memref<1x1x4x128xi32, #tpu.memory_space<hbm>>
    %dma_wait3A_117 = tpu.memref_squeeze %dma_wait3A_116 : memref<1x1x4x128xi32, #tpu.memory_space<hbm>> -> memref<4x128xi32, #tpu.memory_space<hbm>>
    %dma_wait3A_118 = arith.constant 0 : i32
    %dma_wait3A_119 = arith.constant 0 : i32
    %dma_wait3A_120 = tpu.memref_slice %arg4[%add3A, %dma_wait3A_113, %dma_wait3A_118, %dma_wait3A_119] : memref<32x40x4x128xi32, #tpu.memory_space<hbm>> -> memref<1x1x4x128xi32, #tpu.memory_space<hbm>>
    %dma_wait3A_121 = tpu.memref_squeeze %dma_wait3A_120 : memref<1x1x4x128xi32, #tpu.memory_space<hbm>> -> memref<4x128xi32, #tpu.memory_space<hbm>>
    tpu.wait_dma2 semaphore(%arg19 : memref<!tpu.dma_semaphore, #tpu.memory_space<semaphore_mem>>) src(%dma_wait3A_121 : memref<4x128xi32, #tpu.memory_space<hbm>>) dst(%arg7 : memref<4x128xi32, #tpu.memory_space<vmem>>)
    %dma_start3A_122 = arith.constant 1 : i32
    %dma_start3A_123 = arith.constant 0 : i32
    %dma_start3A_124 = arith.constant 0 : i32
    %dma_start3A_125 = tpu.memref_slice %arg3[%add3A, %dma_start3A_122, %dma_start3A_123, %dma_start3A_124] : memref<32x40x4x128xi32, #tpu.memory_space<hbm>> -> memref<1x1x4x128xi32, #tpu.memory_space<hbm>>
    %dma_start3A_126 = tpu.memref_squeeze %dma_start3A_125 : memref<1x1x4x128xi32, #tpu.memory_space<hbm>> -> memref<4x128xi32, #tpu.memory_space<hbm>>
    %dma_start3A_127 = arith.constant 0 : i32
    %dma_start3A_128 = arith.constant 0 : i32
    %dma_start3A_129 = tpu.memref_slice %arg3[%add3A, %dma_start3A_122, %dma_start3A_127, %dma_start3A_128] : memref<32x40x4x128xi32, #tpu.memory_space<hbm>> -> memref<1x1x4x128xi32, #tpu.memory_space<hbm>>
    %dma_start3A_130 = tpu.memref_squeeze %dma_start3A_129 : memref<1x1x4x128xi32, #tpu.memory_space<hbm>> -> memref<4x128xi32, #tpu.memory_space<hbm>>
    tpu.enqueue_dma source(%dma_start3A_130 : memref<4x128xi32, #tpu.memory_space<hbm>>) target(%arg8 : memref<4x128xi32, #tpu.memory_space<vmem>>) target_semaphore(%arg18 : memref<!tpu.dma_semaphore, #tpu.memory_space<semaphore_mem>>)
    %dma_start3A_131 = arith.constant 1 : i32
    %dma_start3A_132 = arith.constant 0 : i32
    %dma_start3A_133 = arith.constant 0 : i32
    %dma_start3A_134 = tpu.memref_slice %arg4[%add3A, %dma_start3A_131, %dma_start3A_132, %dma_start3A_133] : memref<32x40x4x128xi32, #tpu.memory_space<hbm>> -> memref<1x1x4x128xi32, #tpu.memory_space<hbm>>
    %dma_start3A_135 = tpu.memref_squeeze %dma_start3A_134 : memref<1x1x4x128xi32, #tpu.memory_space<hbm>> -> memref<4x128xi32, #tpu.memory_space<hbm>>
    %dma_start3A_136 = arith.constant 0 : i32
    %dma_start3A_137 = arith.constant 0 : i32
    %dma_start3A_138 = tpu.memref_slice %arg4[%add3A, %dma_start3A_131, %dma_start3A_136, %dma_start3A_137] : memref<32x40x4x128xi32, #tpu.memory_space<hbm>> -> memref<1x1x4x128xi32, #tpu.memory_space<hbm>>
    %dma_start3A_139 = tpu.memref_squeeze %dma_start3A_138 : memref<1x1x4x128xi32, #tpu.memory_space<hbm>> -> memref<4x128xi32, #tpu.memory_space<hbm>>
    tpu.enqueue_dma source(%dma_start3A_139 : memref<4x128xi32, #tpu.memory_space<hbm>>) target(%arg9 : memref<4x128xi32, #tpu.memory_space<vmem>>) target_semaphore(%arg19 : memref<!tpu.dma_semaphore, #tpu.memory_space<semaphore_mem>>)
    %dma_start3A_140 = arith.constant 0 : i32
    %dma_start3A_141 = arith.constant 0 : i32
    %dma_start3A_142 = tpu.memref_slice %arg6[%dma_start3A_140, %dma_start3A_141] : memref<4x128xi32, #tpu.memory_space<vmem>> -> memref<1x128xi32, #tpu.memory_space<vmem>>
    %dma_start3A_143 = tpu.memref_squeeze %dma_start3A_142 : memref<1x128xi32, #tpu.memory_space<vmem>> -> memref<128xi32, #tpu.memory_space<vmem>>
    %dma_start3A_144 = arith.constant 0 : i32
    %dma_start3A_145 = arith.constant 0 : i32
    %dma_start3A_146 = tpu.memref_slice %arg2[%dma_start3A_144, %dma_start3A_145] : memref<10240x128xf32, #tpu.memory_space<hbm>> -> memref<10240x128xf32, #tpu.memory_space<hbm>>
    tpu.enqueue_indirect_dma source(%dma_start3A_146 : memref<10240x128xf32, #tpu.memory_space<hbm>>) target(%arg10 : memref<128x128xf32, #tpu.memory_space<vmem>>) offsets(%dma_start3A_143 : memref<128xi32, #tpu.memory_space<vmem>>) semaphore(%arg13 : memref<!tpu.dma_semaphore, #tpu.memory_space<semaphore_mem>>)
    %dma_start3A_147 = arith.constant 0 : i32
    %dma_start3A_148 = arith.constant 0 : i32
    %dma_start3A_149 = tpu.memref_slice %arg7[%dma_start3A_147, %dma_start3A_148] : memref<4x128xi32, #tpu.memory_space<vmem>> -> memref<1x128xi32, #tpu.memory_space<vmem>>
    %dma_start3A_150 = tpu.memref_squeeze %dma_start3A_149 : memref<1x128xi32, #tpu.memory_space<vmem>> -> memref<128xi32, #tpu.memory_space<vmem>>
    %dma_start3A_151 = arith.constant 0 : i32
    %dma_start3A_152 = arith.constant 0 : i32
    %dma_start3A_153 = tpu.memref_slice %arg12[%dma_start3A_151, %dma_start3A_152] : memref<10240x128xf32, #tpu.memory_space<vmem_shared>> -> memref<10240x128xf32, #tpu.memory_space<vmem_shared>>
    tpu.enqueue_indirect_dma source(%arg11 : memref<128x128xf32, #tpu.memory_space<vmem>>) target(%dma_start3A_153 : memref<10240x128xf32, #tpu.memory_space<vmem_shared>>) offsets(%dma_start3A_150 : memref<128xi32, #tpu.memory_space<vmem>>) semaphore(%arg16 : memref<!tpu.dma_semaphore, #tpu.memory_space<semaphore_mem>>) {add = true}
    %scan3A_154 = arith.constant 0 : i32
    %scan3A_155 = arith.constant 0 : i32
    %scan3A_156 = arith.constant 20 : i32
    %scan3A_157 = arith.addi %scan3A_155, %scan3A_156 : i32
    %scan3A_158 = arith.constant 1 : i32
    %scan3A_159 = scf.for %scan3A_173 = %scan3A_155 to %scan3A_157 step %scan3A_158 iter_args(%scan3A_174 = %scan3A_154) -> (i32)  : i32 {
      %lt3A = arith.constant 19 : i32
      %lt3A_175 = arith.cmpi slt, %scan3A_173, %lt3A : i32
      %dma_wait3A_176 = arith.constant 0 : i32
      %dma_wait3A_177 = arith.constant 0 : i32
      %dma_wait3A_178 = tpu.memref_slice %arg6[%dma_wait3A_176, %dma_wait3A_177] : memref<4x128xi32, #tpu.memory_space<vmem>> -> memref<1x128xi32, #tpu.memory_space<vmem>>
      %dma_wait3A_179 = tpu.memref_squeeze %dma_wait3A_178 : memref<1x128xi32, #tpu.memory_space<vmem>> -> memref<128xi32, #tpu.memory_space<vmem>>
      %dma_wait3A_180 = arith.constant 0 : i32
      %dma_wait3A_181 = arith.constant 0 : i32
      %dma_wait3A_182 = tpu.memref_slice %arg2[%dma_wait3A_180, %dma_wait3A_181] : memref<10240x128xf32, #tpu.memory_space<hbm>> -> memref<10240x128xf32, #tpu.memory_space<hbm>>
      tpu.wait_indirect_dma semaphore(%arg13 : memref<!tpu.dma_semaphore, #tpu.memory_space<semaphore_mem>>) src(%dma_wait3A_182 : memref<10240x128xf32, #tpu.memory_space<hbm>>) dst(%arg10 : memref<128x128xf32, #tpu.memory_space<vmem>>)
      %dma_wait3A_183 = arith.constant 0 : i32
      %dma_wait3A_184 = arith.constant 0 : i32
      %dma_wait3A_185 = tpu.memref_slice %arg7[%dma_wait3A_183, %dma_wait3A_184] : memref<4x128xi32, #tpu.memory_space<vmem>> -> memref<1x128xi32, #tpu.memory_space<vmem>>
      %dma_wait3A_186 = tpu.memref_squeeze %dma_wait3A_185 : memref<1x128xi32, #tpu.memory_space<vmem>> -> memref<128xi32, #tpu.memory_space<vmem>>
      %dma_wait3A_187 = arith.constant 0 : i32
      %dma_wait3A_188 = arith.constant 0 : i32
      %dma_wait3A_189 = tpu.memref_slice %arg12[%dma_wait3A_187, %dma_wait3A_188] : memref<10240x128xf32, #tpu.memory_space<vmem_shared>> -> memref<10240x128xf32, #tpu.memory_space<vmem_shared>>
      tpu.wait_indirect_dma semaphore(%arg16 : memref<!tpu.dma_semaphore, #tpu.memory_space<semaphore_mem>>) src(%arg11 : memref<128x128xf32, #tpu.memory_space<vmem>>) dst(%dma_wait3A_189 : memref<10240x128xf32, #tpu.memory_space<vmem_shared>>)
      %dma_start3A_190 = arith.constant 1 : i32
      %dma_start3A_191 = arith.constant 0 : i32
      %dma_start3A_192 = tpu.memref_slice %arg6[%dma_start3A_190, %dma_start3A_191] : memref<4x128xi32, #tpu.memory_space<vmem>> -> memref<1x128xi32, #tpu.memory_space<vmem>>
      %dma_start3A_193 = tpu.memref_squeeze %dma_start3A_192 : memref<1x128xi32, #tpu.memory_space<vmem>> -> memref<128xi32, #tpu.memory_space<vmem>>
      %dma_start3A_194 = arith.constant 0 : i32
      %dma_start3A_195 = arith.constant 0 : i32
      %dma_start3A_196 = tpu.memref_slice %arg2[%dma_start3A_194, %dma_start3A_195] : memref<10240x128xf32, #tpu.memory_space<hbm>> -> memref<10240x128xf32, #tpu.memory_space<hbm>>
      tpu.enqueue_indirect_dma source(%dma_start3A_196 : memref<10240x128xf32, #tpu.memory_space<hbm>>) target(%arg11 : memref<128x128xf32, #tpu.memory_space<vmem>>) offsets(%dma_start3A_193 : memref<128xi32, #tpu.memory_space<vmem>>) semaphore(%arg14 : memref<!tpu.dma_semaphore, #tpu.memory_space<semaphore_mem>>)
      %dma_start3A_197 = arith.constant 0 : i32
      %dma_start3A_198 = arith.constant 0 : i32
      %dma_start3A_199 = tpu.memref_slice %arg7[%dma_start3A_197, %dma_start3A_198] : memref<4x128xi32, #tpu.memory_space<vmem>> -> memref<1x128xi32, #tpu.memory_space<vmem>>
      %dma_start3A_200 = tpu.memref_squeeze %dma_start3A_199 : memref<1x128xi32, #tpu.memory_space<vmem>> -> memref<128xi32, #tpu.memory_space<vmem>>
      %dma_start3A_201 = arith.constant 0 : i32
      %dma_start3A_202 = arith.constant 0 : i32
      %dma_start3A_203 = tpu.memref_slice %arg12[%dma_start3A_201, %dma_start3A_202] : memref<10240x128xf32, #tpu.memory_space<vmem_shared>> -> memref<10240x128xf32, #tpu.memory_space<vmem_shared>>
      tpu.enqueue_indirect_dma source(%arg10 : memref<128x128xf32, #tpu.memory_space<vmem>>) target(%dma_start3A_203 : memref<10240x128xf32, #tpu.memory_space<vmem_shared>>) offsets(%dma_start3A_200 : memref<128xi32, #tpu.memory_space<vmem>>) semaphore(%arg15 : memref<!tpu.dma_semaphore, #tpu.memory_space<semaphore_mem>>) {add = true}
      %dma_wait3A_204 = arith.constant 1 : i32
      %dma_wait3A_205 = arith.constant 0 : i32
      %dma_wait3A_206 = tpu.memref_slice %arg6[%dma_wait3A_204, %dma_wait3A_205] : memref<4x128xi32, #tpu.memory_space<vmem>> -> memref<1x128xi32, #tpu.memory_space<vmem>>
      %dma_wait3A_207 = tpu.memref_squeeze %dma_wait3A_206 : memref<1x128xi32, #tpu.memory_space<vmem>> -> memref<128xi32, #tpu.memory_space<vmem>>
      %dma_wait3A_208 = arith.constant 0 : i32
      %dma_wait3A_209 = arith.constant 0 : i32
      %dma_wait3A_210 = tpu.memref_slice %arg2[%dma_wait3A_208, %dma_wait3A_209] : memref<10240x128xf32, #tpu.memory_space<hbm>> -> memref<10240x128xf32, #tpu.memory_space<hbm>>
      tpu.wait_indirect_dma semaphore(%arg14 : memref<!tpu.dma_semaphore, #tpu.memory_space<semaphore_mem>>) src(%dma_wait3A_210 : memref<10240x128xf32, #tpu.memory_space<hbm>>) dst(%arg11 : memref<128x128xf32, #tpu.memory_space<vmem>>)
      %dma_wait3A_211 = arith.constant 1 : i32
      %dma_wait3A_212 = arith.constant 0 : i32
      %dma_wait3A_213 = tpu.memref_slice %arg7[%dma_wait3A_211, %dma_wait3A_212] : memref<4x128xi32, #tpu.memory_space<vmem>> -> memref<1x128xi32, #tpu.memory_space<vmem>>
      %dma_wait3A_214 = tpu.memref_squeeze %dma_wait3A_213 : memref<1x128xi32, #tpu.memory_space<vmem>> -> memref<128xi32, #tpu.memory_space<vmem>>
      %dma_wait3A_215 = arith.constant 0 : i32
      %dma_wait3A_216 = arith.constant 0 : i32
      %dma_wait3A_217 = tpu.memref_slice %arg12[%dma_wait3A_215, %dma_wait3A_216] : memref<10240x128xf32, #tpu.memory_space<vmem_shared>> -> memref<10240x128xf32, #tpu.memory_space<vmem_shared>>
      tpu.wait_indirect_dma semaphore(%arg15 : memref<!tpu.dma_semaphore, #tpu.memory_space<semaphore_mem>>) src(%arg10 : memref<128x128xf32, #tpu.memory_space<vmem>>) dst(%dma_wait3A_217 : memref<10240x128xf32, #tpu.memory_space<vmem_shared>>)
      %dma_start3A_218 = arith.constant 2 : i32
      %dma_start3A_219 = arith.constant 0 : i32
      %dma_start3A_220 = tpu.memref_slice %arg6[%dma_start3A_218, %dma_start3A_219] : memref<4x128xi32, #tpu.memory_space<vmem>> -> memref<1x128xi32, #tpu.memory_space<vmem>>
      %dma_start3A_221 = tpu.memref_squeeze %dma_start3A_220 : memref<1x128xi32, #tpu.memory_space<vmem>> -> memref<128xi32, #tpu.memory_space<vmem>>
      %dma_start3A_222 = arith.constant 0 : i32
      %dma_start3A_223 = arith.constant 0 : i32
      %dma_start3A_224 = tpu.memref_slice %arg2[%dma_start3A_222, %dma_start3A_223] : memref<10240x128xf32, #tpu.memory_space<hbm>> -> memref<10240x128xf32, #tpu.memory_space<hbm>>
      tpu.enqueue_indirect_dma source(%dma_start3A_224 : memref<10240x128xf32, #tpu.memory_space<hbm>>) target(%arg10 : memref<128x128xf32, #tpu.memory_space<vmem>>) offsets(%dma_start3A_221 : memref<128xi32, #tpu.memory_space<vmem>>) semaphore(%arg13 : memref<!tpu.dma_semaphore, #tpu.memory_space<semaphore_mem>>)
      %dma_start3A_225 = arith.constant 1 : i32
      %dma_start3A_226 = arith.constant 0 : i32
      %dma_start3A_227 = tpu.memref_slice %arg7[%dma_start3A_225, %dma_start3A_226] : memref<4x128xi32, #tpu.memory_space<vmem>> -> memref<1x128xi32, #tpu.memory_space<vmem>>
      %dma_start3A_228 = tpu.memref_squeeze %dma_start3A_227 : memref<1x128xi32, #tpu.memory_space<vmem>> -> memref<128xi32, #tpu.memory_space<vmem>>
      %dma_start3A_229 = arith.constant 0 : i32
      %dma_start3A_230 = arith.constant 0 : i32
      %dma_start3A_231 = tpu.memref_slice %arg12[%dma_start3A_229, %dma_start3A_230] : memref<10240x128xf32, #tpu.memory_space<vmem_shared>> -> memref<10240x128xf32, #tpu.memory_space<vmem_shared>>
      tpu.enqueue_indirect_dma source(%arg11 : memref<128x128xf32, #tpu.memory_space<vmem>>) target(%dma_start3A_231 : memref<10240x128xf32, #tpu.memory_space<vmem_shared>>) offsets(%dma_start3A_228 : memref<128xi32, #tpu.memory_space<vmem>>) semaphore(%arg16 : memref<!tpu.dma_semaphore, #tpu.memory_space<semaphore_mem>>) {add = true}
      %dma_wait3A_232 = arith.constant 2 : i32
      %dma_wait3A_233 = arith.constant 0 : i32
      %dma_wait3A_234 = tpu.memref_slice %arg6[%dma_wait3A_232, %dma_wait3A_233] : memref<4x128xi32, #tpu.memory_space<vmem>> -> memref<1x128xi32, #tpu.memory_space<vmem>>
      %dma_wait3A_235 = tpu.memref_squeeze %dma_wait3A_234 : memref<1x128xi32, #tpu.memory_space<vmem>> -> memref<128xi32, #tpu.memory_space<vmem>>
      %dma_wait3A_236 = arith.constant 0 : i32
      %dma_wait3A_237 = arith.constant 0 : i32
      %dma_wait3A_238 = tpu.memref_slice %arg2[%dma_wait3A_236, %dma_wait3A_237] : memref<10240x128xf32, #tpu.memory_space<hbm>> -> memref<10240x128xf32, #tpu.memory_space<hbm>>
      tpu.wait_indirect_dma semaphore(%arg13 : memref<!tpu.dma_semaphore, #tpu.memory_space<semaphore_mem>>) src(%dma_wait3A_238 : memref<10240x128xf32, #tpu.memory_space<hbm>>) dst(%arg10 : memref<128x128xf32, #tpu.memory_space<vmem>>)
      %dma_wait3A_239 = arith.constant 2 : i32
      %dma_wait3A_240 = arith.constant 0 : i32
      %dma_wait3A_241 = tpu.memref_slice %arg7[%dma_wait3A_239, %dma_wait3A_240] : memref<4x128xi32, #tpu.memory_space<vmem>> -> memref<1x128xi32, #tpu.memory_space<vmem>>
      %dma_wait3A_242 = tpu.memref_squeeze %dma_wait3A_241 : memref<1x128xi32, #tpu.memory_space<vmem>> -> memref<128xi32, #tpu.memory_space<vmem>>
      %dma_wait3A_243 = arith.constant 0 : i32
      %dma_wait3A_244 = arith.constant 0 : i32
      %dma_wait3A_245 = tpu.memref_slice %arg12[%dma_wait3A_243, %dma_wait3A_244] : memref<10240x128xf32, #tpu.memory_space<vmem_shared>> -> memref<10240x128xf32, #tpu.memory_space<vmem_shared>>
      tpu.wait_indirect_dma semaphore(%arg16 : memref<!tpu.dma_semaphore, #tpu.memory_space<semaphore_mem>>) src(%arg11 : memref<128x128xf32, #tpu.memory_space<vmem>>) dst(%dma_wait3A_245 : memref<10240x128xf32, #tpu.memory_space<vmem_shared>>)
      %dma_start3A_246 = arith.constant 3 : i32
      %dma_start3A_247 = arith.constant 0 : i32
      %dma_start3A_248 = tpu.memref_slice %arg6[%dma_start3A_246, %dma_start3A_247] : memref<4x128xi32, #tpu.memory_space<vmem>> -> memref<1x128xi32, #tpu.memory_space<vmem>>
      %dma_start3A_249 = tpu.memref_squeeze %dma_start3A_248 : memref<1x128xi32, #tpu.memory_space<vmem>> -> memref<128xi32, #tpu.memory_space<vmem>>
      %dma_start3A_250 = arith.constant 0 : i32
      %dma_start3A_251 = arith.constant 0 : i32
      %dma_start3A_252 = tpu.memref_slice %arg2[%dma_start3A_250, %dma_start3A_251] : memref<10240x128xf32, #tpu.memory_space<hbm>> -> memref<10240x128xf32, #tpu.memory_space<hbm>>
      tpu.enqueue_indirect_dma source(%dma_start3A_252 : memref<10240x128xf32, #tpu.memory_space<hbm>>) target(%arg11 : memref<128x128xf32, #tpu.memory_space<vmem>>) offsets(%dma_start3A_249 : memref<128xi32, #tpu.memory_space<vmem>>) semaphore(%arg14 : memref<!tpu.dma_semaphore, #tpu.memory_space<semaphore_mem>>)
      %dma_start3A_253 = arith.constant 2 : i32
      %dma_start3A_254 = arith.constant 0 : i32
      %dma_start3A_255 = tpu.memref_slice %arg7[%dma_start3A_253, %dma_start3A_254] : memref<4x128xi32, #tpu.memory_space<vmem>> -> memref<1x128xi32, #tpu.memory_space<vmem>>
      %dma_start3A_256 = tpu.memref_squeeze %dma_start3A_255 : memref<1x128xi32, #tpu.memory_space<vmem>> -> memref<128xi32, #tpu.memory_space<vmem>>
      %dma_start3A_257 = arith.constant 0 : i32
      %dma_start3A_258 = arith.constant 0 : i32
      %dma_start3A_259 = tpu.memref_slice %arg12[%dma_start3A_257, %dma_start3A_258] : memref<10240x128xf32, #tpu.memory_space<vmem_shared>> -> memref<10240x128xf32, #tpu.memory_space<vmem_shared>>
      tpu.enqueue_indirect_dma source(%arg10 : memref<128x128xf32, #tpu.memory_space<vmem>>) target(%dma_start3A_259 : memref<10240x128xf32, #tpu.memory_space<vmem_shared>>) offsets(%dma_start3A_256 : memref<128xi32, #tpu.memory_space<vmem>>) semaphore(%arg15 : memref<!tpu.dma_semaphore, #tpu.memory_space<semaphore_mem>>) {add = true}
      %dma_wait3A_260 = arith.constant 3 : i32
      %dma_wait3A_261 = arith.constant 0 : i32
      %dma_wait3A_262 = tpu.memref_slice %arg6[%dma_wait3A_260, %dma_wait3A_261] : memref<4x128xi32, #tpu.memory_space<vmem>> -> memref<1x128xi32, #tpu.memory_space<vmem>>
      %dma_wait3A_263 = tpu.memref_squeeze %dma_wait3A_262 : memref<1x128xi32, #tpu.memory_space<vmem>> -> memref<128xi32, #tpu.memory_space<vmem>>
      %dma_wait3A_264 = arith.constant 0 : i32
      %dma_wait3A_265 = arith.constant 0 : i32
      %dma_wait3A_266 = tpu.memref_slice %arg2[%dma_wait3A_264, %dma_wait3A_265] : memref<10240x128xf32, #tpu.memory_space<hbm>> -> memref<10240x128xf32, #tpu.memory_space<hbm>>
      tpu.wait_indirect_dma semaphore(%arg14 : memref<!tpu.dma_semaphore, #tpu.memory_space<semaphore_mem>>) src(%dma_wait3A_266 : memref<10240x128xf32, #tpu.memory_space<hbm>>) dst(%arg11 : memref<128x128xf32, #tpu.memory_space<vmem>>)
      %dma_wait3A_267 = arith.constant 3 : i32
      %dma_wait3A_268 = arith.constant 0 : i32
      %dma_wait3A_269 = tpu.memref_slice %arg7[%dma_wait3A_267, %dma_wait3A_268] : memref<4x128xi32, #tpu.memory_space<vmem>> -> memref<1x128xi32, #tpu.memory_space<vmem>>
      %dma_wait3A_270 = tpu.memref_squeeze %dma_wait3A_269 : memref<1x128xi32, #tpu.memory_space<vmem>> -> memref<128xi32, #tpu.memory_space<vmem>>
      %dma_wait3A_271 = arith.constant 0 : i32
      %dma_wait3A_272 = arith.constant 0 : i32
      %dma_wait3A_273 = tpu.memref_slice %arg12[%dma_wait3A_271, %dma_wait3A_272] : memref<10240x128xf32, #tpu.memory_space<vmem_shared>> -> memref<10240x128xf32, #tpu.memory_space<vmem_shared>>
      tpu.wait_indirect_dma semaphore(%arg15 : memref<!tpu.dma_semaphore, #tpu.memory_space<semaphore_mem>>) src(%arg10 : memref<128x128xf32, #tpu.memory_space<vmem>>) dst(%dma_wait3A_273 : memref<10240x128xf32, #tpu.memory_space<vmem_shared>>)
      %mul3A_274 = arith.constant 2 : i32
      %mul3A_275 = arith.muli %mul3A_274, %scan3A_173 : i32
      %add3A_276 = arith.constant 1 : i32
      %add3A_277 = arith.addi %mul3A_275, %add3A_276 : i32
      %dma_wait3A_278 = arith.constant 0 : i32
      %dma_wait3A_279 = arith.constant 0 : i32
      %dma_wait3A_280 = tpu.memref_slice %arg3[%add3A, %add3A_277, %dma_wait3A_278, %dma_wait3A_279] : memref<32x40x4x128xi32, #tpu.memory_space<hbm>> -> memref<1x1x4x128xi32, #tpu.memory_space<hbm>>
      %dma_wait3A_281 = tpu.memref_squeeze %dma_wait3A_280 : memref<1x1x4x128xi32, #tpu.memory_space<hbm>> -> memref<4x128xi32, #tpu.memory_space<hbm>>
      %dma_wait3A_282 = arith.constant 0 : i32
      %dma_wait3A_283 = arith.constant 0 : i32
      %dma_wait3A_284 = tpu.memref_slice %arg3[%add3A, %add3A_277, %dma_wait3A_282, %dma_wait3A_283] : memref<32x40x4x128xi32, #tpu.memory_space<hbm>> -> memref<1x1x4x128xi32, #tpu.memory_space<hbm>>
      %dma_wait3A_285 = tpu.memref_squeeze %dma_wait3A_284 : memref<1x1x4x128xi32, #tpu.memory_space<hbm>> -> memref<4x128xi32, #tpu.memory_space<hbm>>
      tpu.wait_dma2 semaphore(%arg18 : memref<!tpu.dma_semaphore, #tpu.memory_space<semaphore_mem>>) src(%dma_wait3A_285 : memref<4x128xi32, #tpu.memory_space<hbm>>) dst(%arg8 : memref<4x128xi32, #tpu.memory_space<vmem>>)
      %dma_wait3A_286 = arith.constant 0 : i32
      %dma_wait3A_287 = arith.constant 0 : i32
      %dma_wait3A_288 = tpu.memref_slice %arg4[%add3A, %add3A_277, %dma_wait3A_286, %dma_wait3A_287] : memref<32x40x4x128xi32, #tpu.memory_space<hbm>> -> memref<1x1x4x128xi32, #tpu.memory_space<hbm>>
      %dma_wait3A_289 = tpu.memref_squeeze %dma_wait3A_288 : memref<1x1x4x128xi32, #tpu.memory_space<hbm>> -> memref<4x128xi32, #tpu.memory_space<hbm>>
      %dma_wait3A_290 = arith.constant 0 : i32
      %dma_wait3A_291 = arith.constant 0 : i32
      %dma_wait3A_292 = tpu.memref_slice %arg4[%add3A, %add3A_277, %dma_wait3A_290, %dma_wait3A_291] : memref<32x40x4x128xi32, #tpu.memory_space<hbm>> -> memref<1x1x4x128xi32, #tpu.memory_space<hbm>>
      %dma_wait3A_293 = tpu.memref_squeeze %dma_wait3A_292 : memref<1x1x4x128xi32, #tpu.memory_space<hbm>> -> memref<4x128xi32, #tpu.memory_space<hbm>>
      tpu.wait_dma2 semaphore(%arg19 : memref<!tpu.dma_semaphore, #tpu.memory_space<semaphore_mem>>) src(%dma_wait3A_293 : memref<4x128xi32, #tpu.memory_space<hbm>>) dst(%arg9 : memref<4x128xi32, #tpu.memory_space<vmem>>)
      %dma_start3A_294 = arith.constant 0 : i32
      %dma_start3A_295 = arith.constant 0 : i32
      %dma_start3A_296 = tpu.memref_slice %arg8[%dma_start3A_294, %dma_start3A_295] : memref<4x128xi32, #tpu.memory_space<vmem>> -> memref<1x128xi32, #tpu.memory_space<vmem>>
      %dma_start3A_297 = tpu.memref_squeeze %dma_start3A_296 : memref<1x128xi32, #tpu.memory_space<vmem>> -> memref<128xi32, #tpu.memory_space<vmem>>
      %dma_start3A_298 = arith.constant 0 : i32
      %dma_start3A_299 = arith.constant 0 : i32
      %dma_start3A_300 = tpu.memref_slice %arg2[%dma_start3A_298, %dma_start3A_299] : memref<10240x128xf32, #tpu.memory_space<hbm>> -> memref<10240x128xf32, #tpu.memory_space<hbm>>
      tpu.enqueue_indirect_dma source(%dma_start3A_300 : memref<10240x128xf32, #tpu.memory_space<hbm>>) target(%arg10 : memref<128x128xf32, #tpu.memory_space<vmem>>) offsets(%dma_start3A_297 : memref<128xi32, #tpu.memory_space<vmem>>) semaphore(%arg13 : memref<!tpu.dma_semaphore, #tpu.memory_space<semaphore_mem>>)
      %dma_start3A_301 = arith.constant 3 : i32
      %dma_start3A_302 = arith.constant 0 : i32
      %dma_start3A_303 = tpu.memref_slice %arg7[%dma_start3A_301, %dma_start3A_302] : memref<4x128xi32, #tpu.memory_space<vmem>> -> memref<1x128xi32, #tpu.memory_space<vmem>>
      %dma_start3A_304 = tpu.memref_squeeze %dma_start3A_303 : memref<1x128xi32, #tpu.memory_space<vmem>> -> memref<128xi32, #tpu.memory_space<vmem>>
      %dma_start3A_305 = arith.constant 0 : i32
      %dma_start3A_306 = arith.constant 0 : i32
      %dma_start3A_307 = tpu.memref_slice %arg12[%dma_start3A_305, %dma_start3A_306] : memref<10240x128xf32, #tpu.memory_space<vmem_shared>> -> memref<10240x128xf32, #tpu.memory_space<vmem_shared>>
      tpu.enqueue_indirect_dma source(%arg11 : memref<128x128xf32, #tpu.memory_space<vmem>>) target(%dma_start3A_307 : memref<10240x128xf32, #tpu.memory_space<vmem_shared>>) offsets(%dma_start3A_304 : memref<128xi32, #tpu.memory_space<vmem>>) semaphore(%arg16 : memref<!tpu.dma_semaphore, #tpu.memory_space<semaphore_mem>>) {add = true}
      %convert_element_type3A = arith.extui %lt3A_175 : i1 to i32
      %cond3A = arith.constant 0 : i32
      %cond3A_308 = arith.cmpi ne, %convert_element_type3A, %cond3A : i32
      scf.if %cond3A_308 {
        %mul3A_421 = arith.constant 2 : i32
        %mul3A_422 = arith.muli %mul3A_421, %scan3A_173 : i32
        %add3A_423 = arith.constant 2 : i32
        %add3A_424 = arith.addi %mul3A_422, %add3A_423 : i32
        %dma_start3A_425 = arith.constant 0 : i32
        %dma_start3A_426 = arith.constant 0 : i32
        %dma_start3A_427 = tpu.memref_slice %arg3[%add3A, %add3A_424, %dma_start3A_425, %dma_start3A_426] : memref<32x40x4x128xi32, #tpu.memory_space<hbm>> -> memref<1x1x4x128xi32, #tpu.memory_space<hbm>>
        %dma_start3A_428 = tpu.memref_squeeze %dma_start3A_427 : memref<1x1x4x128xi32, #tpu.memory_space<hbm>> -> memref<4x128xi32, #tpu.memory_space<hbm>>
        %dma_start3A_429 = arith.constant 0 : i32
        %dma_start3A_430 = arith.constant 0 : i32
        %dma_start3A_431 = tpu.memref_slice %arg3[%add3A, %add3A_424, %dma_start3A_429, %dma_start3A_430] : memref<32x40x4x128xi32, #tpu.memory_space<hbm>> -> memref<1x1x4x128xi32, #tpu.memory_space<hbm>>
        %dma_start3A_432 = tpu.memref_squeeze %dma_start3A_431 : memref<1x1x4x128xi32, #tpu.memory_space<hbm>> -> memref<4x128xi32, #tpu.memory_space<hbm>>
        tpu.enqueue_dma source(%dma_start3A_432 : memref<4x128xi32, #tpu.memory_space<hbm>>) target(%arg6 : memref<4x128xi32, #tpu.memory_space<vmem>>) target_semaphore(%arg18 : memref<!tpu.dma_semaphore, #tpu.memory_space<semaphore_mem>>)
        %dma_start3A_433 = arith.constant 0 : i32
        %dma_start3A_434 = arith.constant 0 : i32
        %dma_start3A_435 = tpu.memref_slice %arg4[%add3A, %add3A_424, %dma_start3A_433, %dma_start3A_434] : memref<32x40x4x128xi32, #tpu.memory_space<hbm>> -> memref<1x1x4x128xi32, #tpu.memory_space<hbm>>
        %dma_start3A_436 = tpu.memref_squeeze %dma_start3A_435 : memref<1x1x4x128xi32, #tpu.memory_space<hbm>> -> memref<4x128xi32, #tpu.memory_space<hbm>>
        %dma_start3A_437 = arith.constant 0 : i32
        %dma_start3A_438 = arith.constant 0 : i32
        %dma_start3A_439 = tpu.memref_slice %arg4[%add3A, %add3A_424, %dma_start3A_437, %dma_start3A_438] : memref<32x40x4x128xi32, #tpu.memory_space<hbm>> -> memref<1x1x4x128xi32, #tpu.memory_space<hbm>>
        %dma_start3A_440 = tpu.memref_squeeze %dma_start3A_439 : memref<1x1x4x128xi32, #tpu.memory_space<hbm>> -> memref<4x128xi32, #tpu.memory_space<hbm>>
        tpu.enqueue_dma source(%dma_start3A_440 : memref<4x128xi32, #tpu.memory_space<hbm>>) target(%arg7 : memref<4x128xi32, #tpu.memory_space<vmem>>) target_semaphore(%arg19 : memref<!tpu.dma_semaphore, #tpu.memory_space<semaphore_mem>>)
      } else {
      }
      %dma_wait3A_309 = arith.constant 0 : i32
      %dma_wait3A_310 = arith.constant 0 : i32
      %dma_wait3A_311 = tpu.memref_slice %arg8[%dma_wait3A_309, %dma_wait3A_310] : memref<4x128xi32, #tpu.memory_space<vmem>> -> memref<1x128xi32, #tpu.memory_space<vmem>>
      %dma_wait3A_312 = tpu.memref_squeeze %dma_wait3A_311 : memref<1x128xi32, #tpu.memory_space<vmem>> -> memref<128xi32, #tpu.memory_space<vmem>>
      %dma_wait3A_313 = arith.constant 0 : i32
      %dma_wait3A_314 = arith.constant 0 : i32
      %dma_wait3A_315 = tpu.memref_slice %arg2[%dma_wait3A_313, %dma_wait3A_314] : memref<10240x128xf32, #tpu.memory_space<hbm>> -> memref<10240x128xf32, #tpu.memory_space<hbm>>
      tpu.wait_indirect_dma semaphore(%arg13 : memref<!tpu.dma_semaphore, #tpu.memory_space<semaphore_mem>>) src(%dma_wait3A_315 : memref<10240x128xf32, #tpu.memory_space<hbm>>) dst(%arg10 : memref<128x128xf32, #tpu.memory_space<vmem>>)
      %dma_wait3A_316 = arith.constant 0 : i32
      %dma_wait3A_317 = arith.constant 0 : i32
      %dma_wait3A_318 = tpu.memref_slice %arg9[%dma_wait3A_316, %dma_wait3A_317] : memref<4x128xi32, #tpu.memory_space<vmem>> -> memref<1x128xi32, #tpu.memory_space<vmem>>
      %dma_wait3A_319 = tpu.memref_squeeze %dma_wait3A_318 : memref<1x128xi32, #tpu.memory_space<vmem>> -> memref<128xi32, #tpu.memory_space<vmem>>
      %dma_wait3A_320 = arith.constant 0 : i32
      %dma_wait3A_321 = arith.constant 0 : i32
      %dma_wait3A_322 = tpu.memref_slice %arg12[%dma_wait3A_320, %dma_wait3A_321] : memref<10240x128xf32, #tpu.memory_space<vmem_shared>> -> memref<10240x128xf32, #tpu.memory_space<vmem_shared>>
      tpu.wait_indirect_dma semaphore(%arg16 : memref<!tpu.dma_semaphore, #tpu.memory_space<semaphore_mem>>) src(%arg11 : memref<128x128xf32, #tpu.memory_space<vmem>>) dst(%dma_wait3A_322 : memref<10240x128xf32, #tpu.memory_space<vmem_shared>>)
      %dma_start3A_323 = arith.constant 1 : i32
      %dma_start3A_324 = arith.constant 0 : i32
      %dma_start3A_325 = tpu.memref_slice %arg8[%dma_start3A_323, %dma_start3A_324] : memref<4x128xi32, #tpu.memory_space<vmem>> -> memref<1x128xi32, #tpu.memory_space<vmem>>
      %dma_start3A_326 = tpu.memref_squeeze %dma_start3A_325 : memref<1x128xi32, #tpu.memory_space<vmem>> -> memref<128xi32, #tpu.memory_space<vmem>>
      %dma_start3A_327 = arith.constant 0 : i32
      %dma_start3A_328 = arith.constant 0 : i32
      %dma_start3A_329 = tpu.memref_slice %arg2[%dma_start3A_327, %dma_start3A_328] : memref<10240x128xf32, #tpu.memory_space<hbm>> -> memref<10240x128xf32, #tpu.memory_space<hbm>>
      tpu.enqueue_indirect_dma source(%dma_start3A_329 : memref<10240x128xf32, #tpu.memory_space<hbm>>) target(%arg11 : memref<128x128xf32, #tpu.memory_space<vmem>>) offsets(%dma_start3A_326 : memref<128xi32, #tpu.memory_space<vmem>>) semaphore(%arg14 : memref<!tpu.dma_semaphore, #tpu.memory_space<semaphore_mem>>)
      %dma_start3A_330 = arith.constant 0 : i32
      %dma_start3A_331 = arith.constant 0 : i32
      %dma_start3A_332 = tpu.memref_slice %arg9[%dma_start3A_330, %dma_start3A_331] : memref<4x128xi32, #tpu.memory_space<vmem>> -> memref<1x128xi32, #tpu.memory_space<vmem>>
      %dma_start3A_333 = tpu.memref_squeeze %dma_start3A_332 : memref<1x128xi32, #tpu.memory_space<vmem>> -> memref<128xi32, #tpu.memory_space<vmem>>
      %dma_start3A_334 = arith.constant 0 : i32
      %dma_start3A_335 = arith.constant 0 : i32
      %dma_start3A_336 = tpu.memref_slice %arg12[%dma_start3A_334, %dma_start3A_335] : memref<10240x128xf32, #tpu.memory_space<vmem_shared>> -> memref<10240x128xf32, #tpu.memory_space<vmem_shared>>
      tpu.enqueue_indirect_dma source(%arg10 : memref<128x128xf32, #tpu.memory_space<vmem>>) target(%dma_start3A_336 : memref<10240x128xf32, #tpu.memory_space<vmem_shared>>) offsets(%dma_start3A_333 : memref<128xi32, #tpu.memory_space<vmem>>) semaphore(%arg15 : memref<!tpu.dma_semaphore, #tpu.memory_space<semaphore_mem>>) {add = true}
      %dma_wait3A_337 = arith.constant 1 : i32
      %dma_wait3A_338 = arith.constant 0 : i32
      %dma_wait3A_339 = tpu.memref_slice %arg8[%dma_wait3A_337, %dma_wait3A_338] : memref<4x128xi32, #tpu.memory_space<vmem>> -> memref<1x128xi32, #tpu.memory_space<vmem>>
      %dma_wait3A_340 = tpu.memref_squeeze %dma_wait3A_339 : memref<1x128xi32, #tpu.memory_space<vmem>> -> memref<128xi32, #tpu.memory_space<vmem>>
      %dma_wait3A_341 = arith.constant 0 : i32
      %dma_wait3A_342 = arith.constant 0 : i32
      %dma_wait3A_343 = tpu.memref_slice %arg2[%dma_wait3A_341, %dma_wait3A_342] : memref<10240x128xf32, #tpu.memory_space<hbm>> -> memref<10240x128xf32, #tpu.memory_space<hbm>>
      tpu.wait_indirect_dma semaphore(%arg14 : memref<!tpu.dma_semaphore, #tpu.memory_space<semaphore_mem>>) src(%dma_wait3A_343 : memref<10240x128xf32, #tpu.memory_space<hbm>>) dst(%arg11 : memref<128x128xf32, #tpu.memory_space<vmem>>)
      %dma_wait3A_344 = arith.constant 1 : i32
      %dma_wait3A_345 = arith.constant 0 : i32
      %dma_wait3A_346 = tpu.memref_slice %arg9[%dma_wait3A_344, %dma_wait3A_345] : memref<4x128xi32, #tpu.memory_space<vmem>> -> memref<1x128xi32, #tpu.memory_space<vmem>>
      %dma_wait3A_347 = tpu.memref_squeeze %dma_wait3A_346 : memref<1x128xi32, #tpu.memory_space<vmem>> -> memref<128xi32, #tpu.memory_space<vmem>>
      %dma_wait3A_348 = arith.constant 0 : i32
      %dma_wait3A_349 = arith.constant 0 : i32
      %dma_wait3A_350 = tpu.memref_slice %arg12[%dma_wait3A_348, %dma_wait3A_349] : memref<10240x128xf32, #tpu.memory_space<vmem_shared>> -> memref<10240x128xf32, #tpu.memory_space<vmem_shared>>
      tpu.wait_indirect_dma semaphore(%arg15 : memref<!tpu.dma_semaphore, #tpu.memory_space<semaphore_mem>>) src(%arg10 : memref<128x128xf32, #tpu.memory_space<vmem>>) dst(%dma_wait3A_350 : memref<10240x128xf32, #tpu.memory_space<vmem_shared>>)
      %dma_start3A_351 = arith.constant 2 : i32
      %dma_start3A_352 = arith.constant 0 : i32
      %dma_start3A_353 = tpu.memref_slice %arg8[%dma_start3A_351, %dma_start3A_352] : memref<4x128xi32, #tpu.memory_space<vmem>> -> memref<1x128xi32, #tpu.memory_space<vmem>>
      %dma_start3A_354 = tpu.memref_squeeze %dma_start3A_353 : memref<1x128xi32, #tpu.memory_space<vmem>> -> memref<128xi32, #tpu.memory_space<vmem>>
      %dma_start3A_355 = arith.constant 0 : i32
      %dma_start3A_356 = arith.constant 0 : i32
      %dma_start3A_357 = tpu.memref_slice %arg2[%dma_start3A_355, %dma_start3A_356] : memref<10240x128xf32, #tpu.memory_space<hbm>> -> memref<10240x128xf32, #tpu.memory_space<hbm>>
      tpu.enqueue_indirect_dma source(%dma_start3A_357 : memref<10240x128xf32, #tpu.memory_space<hbm>>) target(%arg10 : memref<128x128xf32, #tpu.memory_space<vmem>>) offsets(%dma_start3A_354 : memref<128xi32, #tpu.memory_space<vmem>>) semaphore(%arg13 : memref<!tpu.dma_semaphore, #tpu.memory_space<semaphore_mem>>)
      %dma_start3A_358 = arith.constant 1 : i32
      %dma_start3A_359 = arith.constant 0 : i32
      %dma_start3A_360 = tpu.memref_slice %arg9[%dma_start3A_358, %dma_start3A_359] : memref<4x128xi32, #tpu.memory_space<vmem>> -> memref<1x128xi32, #tpu.memory_space<vmem>>
      %dma_start3A_361 = tpu.memref_squeeze %dma_start3A_360 : memref<1x128xi32, #tpu.memory_space<vmem>> -> memref<128xi32, #tpu.memory_space<vmem>>
      %dma_start3A_362 = arith.constant 0 : i32
      %dma_start3A_363 = arith.constant 0 : i32
      %dma_start3A_364 = tpu.memref_slice %arg12[%dma_start3A_362, %dma_start3A_363] : memref<10240x128xf32, #tpu.memory_space<vmem_shared>> -> memref<10240x128xf32, #tpu.memory_space<vmem_shared>>
      tpu.enqueue_indirect_dma source(%arg11 : memref<128x128xf32, #tpu.memory_space<vmem>>) target(%dma_start3A_364 : memref<10240x128xf32, #tpu.memory_space<vmem_shared>>) offsets(%dma_start3A_361 : memref<128xi32, #tpu.memory_space<vmem>>) semaphore(%arg16 : memref<!tpu.dma_semaphore, #tpu.memory_space<semaphore_mem>>) {add = true}
      %dma_wait3A_365 = arith.constant 2 : i32
      %dma_wait3A_366 = arith.constant 0 : i32
      %dma_wait3A_367 = tpu.memref_slice %arg8[%dma_wait3A_365, %dma_wait3A_366] : memref<4x128xi32, #tpu.memory_space<vmem>> -> memref<1x128xi32, #tpu.memory_space<vmem>>
      %dma_wait3A_368 = tpu.memref_squeeze %dma_wait3A_367 : memref<1x128xi32, #tpu.memory_space<vmem>> -> memref<128xi32, #tpu.memory_space<vmem>>
      %dma_wait3A_369 = arith.constant 0 : i32
      %dma_wait3A_370 = arith.constant 0 : i32
      %dma_wait3A_371 = tpu.memref_slice %arg2[%dma_wait3A_369, %dma_wait3A_370] : memref<10240x128xf32, #tpu.memory_space<hbm>> -> memref<10240x128xf32, #tpu.memory_space<hbm>>
      tpu.wait_indirect_dma semaphore(%arg13 : memref<!tpu.dma_semaphore, #tpu.memory_space<semaphore_mem>>) src(%dma_wait3A_371 : memref<10240x128xf32, #tpu.memory_space<hbm>>) dst(%arg10 : memref<128x128xf32, #tpu.memory_space<vmem>>)
      %dma_wait3A_372 = arith.constant 2 : i32
      %dma_wait3A_373 = arith.constant 0 : i32
      %dma_wait3A_374 = tpu.memref_slice %arg9[%dma_wait3A_372, %dma_wait3A_373] : memref<4x128xi32, #tpu.memory_space<vmem>> -> memref<1x128xi32, #tpu.memory_space<vmem>>
      %dma_wait3A_375 = tpu.memref_squeeze %dma_wait3A_374 : memref<1x128xi32, #tpu.memory_space<vmem>> -> memref<128xi32, #tpu.memory_space<vmem>>
      %dma_wait3A_376 = arith.constant 0 : i32
      %dma_wait3A_377 = arith.constant 0 : i32
      %dma_wait3A_378 = tpu.memref_slice %arg12[%dma_wait3A_376, %dma_wait3A_377] : memref<10240x128xf32, #tpu.memory_space<vmem_shared>> -> memref<10240x128xf32, #tpu.memory_space<vmem_shared>>
      tpu.wait_indirect_dma semaphore(%arg16 : memref<!tpu.dma_semaphore, #tpu.memory_space<semaphore_mem>>) src(%arg11 : memref<128x128xf32, #tpu.memory_space<vmem>>) dst(%dma_wait3A_378 : memref<10240x128xf32, #tpu.memory_space<vmem_shared>>)
      %dma_start3A_379 = arith.constant 3 : i32
      %dma_start3A_380 = arith.constant 0 : i32
      %dma_start3A_381 = tpu.memref_slice %arg8[%dma_start3A_379, %dma_start3A_380] : memref<4x128xi32, #tpu.memory_space<vmem>> -> memref<1x128xi32, #tpu.memory_space<vmem>>
      %dma_start3A_382 = tpu.memref_squeeze %dma_start3A_381 : memref<1x128xi32, #tpu.memory_space<vmem>> -> memref<128xi32, #tpu.memory_space<vmem>>
      %dma_start3A_383 = arith.constant 0 : i32
      %dma_start3A_384 = arith.constant 0 : i32
      %dma_start3A_385 = tpu.memref_slice %arg2[%dma_start3A_383, %dma_start3A_384] : memref<10240x128xf32, #tpu.memory_space<hbm>> -> memref<10240x128xf32, #tpu.memory_space<hbm>>
      tpu.enqueue_indirect_dma source(%dma_start3A_385 : memref<10240x128xf32, #tpu.memory_space<hbm>>) target(%arg11 : memref<128x128xf32, #tpu.memory_space<vmem>>) offsets(%dma_start3A_382 : memref<128xi32, #tpu.memory_space<vmem>>) semaphore(%arg14 : memref<!tpu.dma_semaphore, #tpu.memory_space<semaphore_mem>>)
      %dma_start3A_386 = arith.constant 2 : i32
      %dma_start3A_387 = arith.constant 0 : i32
      %dma_start3A_388 = tpu.memref_slice %arg9[%dma_start3A_386, %dma_start3A_387] : memref<4x128xi32, #tpu.memory_space<vmem>> -> memref<1x128xi32, #tpu.memory_space<vmem>>
      %dma_start3A_389 = tpu.memref_squeeze %dma_start3A_388 : memref<1x128xi32, #tpu.memory_space<vmem>> -> memref<128xi32, #tpu.memory_space<vmem>>
      %dma_start3A_390 = arith.constant 0 : i32
      %dma_start3A_391 = arith.constant 0 : i32
      %dma_start3A_392 = tpu.memref_slice %arg12[%dma_start3A_390, %dma_start3A_391] : memref<10240x128xf32, #tpu.memory_space<vmem_shared>> -> memref<10240x128xf32, #tpu.memory_space<vmem_shared>>
      tpu.enqueue_indirect_dma source(%arg10 : memref<128x128xf32, #tpu.memory_space<vmem>>) target(%dma_start3A_392 : memref<10240x128xf32, #tpu.memory_space<vmem_shared>>) offsets(%dma_start3A_389 : memref<128xi32, #tpu.memory_space<vmem>>) semaphore(%arg15 : memref<!tpu.dma_semaphore, #tpu.memory_space<semaphore_mem>>) {add = true}
      %dma_wait3A_393 = arith.constant 3 : i32
      %dma_wait3A_394 = arith.constant 0 : i32
      %dma_wait3A_395 = tpu.memref_slice %arg8[%dma_wait3A_393, %dma_wait3A_394] : memref<4x128xi32, #tpu.memory_space<vmem>> -> memref<1x128xi32, #tpu.memory_space<vmem>>
      %dma_wait3A_396 = tpu.memref_squeeze %dma_wait3A_395 : memref<1x128xi32, #tpu.memory_space<vmem>> -> memref<128xi32, #tpu.memory_space<vmem>>
      %dma_wait3A_397 = arith.constant 0 : i32
      %dma_wait3A_398 = arith.constant 0 : i32
      %dma_wait3A_399 = tpu.memref_slice %arg2[%dma_wait3A_397, %dma_wait3A_398] : memref<10240x128xf32, #tpu.memory_space<hbm>> -> memref<10240x128xf32, #tpu.memory_space<hbm>>
      tpu.wait_indirect_dma semaphore(%arg14 : memref<!tpu.dma_semaphore, #tpu.memory_space<semaphore_mem>>) src(%dma_wait3A_399 : memref<10240x128xf32, #tpu.memory_space<hbm>>) dst(%arg11 : memref<128x128xf32, #tpu.memory_space<vmem>>)
      %dma_wait3A_400 = arith.constant 3 : i32
      %dma_wait3A_401 = arith.constant 0 : i32
      %dma_wait3A_402 = tpu.memref_slice %arg9[%dma_wait3A_400, %dma_wait3A_401] : memref<4x128xi32, #tpu.memory_space<vmem>> -> memref<1x128xi32, #tpu.memory_space<vmem>>
      %dma_wait3A_403 = tpu.memref_squeeze %dma_wait3A_402 : memref<1x128xi32, #tpu.memory_space<vmem>> -> memref<128xi32, #tpu.memory_space<vmem>>
      %dma_wait3A_404 = arith.constant 0 : i32
      %dma_wait3A_405 = arith.constant 0 : i32
      %dma_wait3A_406 = tpu.memref_slice %arg12[%dma_wait3A_404, %dma_wait3A_405] : memref<10240x128xf32, #tpu.memory_space<vmem_shared>> -> memref<10240x128xf32, #tpu.memory_space<vmem_shared>>
      tpu.wait_indirect_dma semaphore(%arg15 : memref<!tpu.dma_semaphore, #tpu.memory_space<semaphore_mem>>) src(%arg10 : memref<128x128xf32, #tpu.memory_space<vmem>>) dst(%dma_wait3A_406 : memref<10240x128xf32, #tpu.memory_space<vmem_shared>>)
      %convert_element_type3A_407 = arith.extui %lt3A_175 : i1 to i32
      %cond3A_408 = arith.constant 0 : i32
      %cond3A_409 = arith.cmpi ne, %convert_element_type3A_407, %cond3A_408 : i32
      scf.if %cond3A_409 {
        %mul3A_421 = arith.constant 2 : i32
        %mul3A_422 = arith.muli %mul3A_421, %scan3A_173 : i32
        %add3A_423 = arith.constant 2 : i32
        %add3A_424 = arith.addi %mul3A_422, %add3A_423 : i32
        %dma_wait3A_425 = arith.constant 0 : i32
        %dma_wait3A_426 = arith.constant 0 : i32
        %dma_wait3A_427 = tpu.memref_slice %arg3[%add3A, %add3A_424, %dma_wait3A_425, %dma_wait3A_426] : memref<32x40x4x128xi32, #tpu.memory_space<hbm>> -> memref<1x1x4x128xi32, #tpu.memory_space<hbm>>
        %dma_wait3A_428 = tpu.memref_squeeze %dma_wait3A_427 : memref<1x1x4x128xi32, #tpu.memory_space<hbm>> -> memref<4x128xi32, #tpu.memory_space<hbm>>
        %dma_wait3A_429 = arith.constant 0 : i32
        %dma_wait3A_430 = arith.constant 0 : i32
        %dma_wait3A_431 = tpu.memref_slice %arg3[%add3A, %add3A_424, %dma_wait3A_429, %dma_wait3A_430] : memref<32x40x4x128xi32, #tpu.memory_space<hbm>> -> memref<1x1x4x128xi32, #tpu.memory_space<hbm>>
        %dma_wait3A_432 = tpu.memref_squeeze %dma_wait3A_431 : memref<1x1x4x128xi32, #tpu.memory_space<hbm>> -> memref<4x128xi32, #tpu.memory_space<hbm>>
        tpu.wait_dma2 semaphore(%arg18 : memref<!tpu.dma_semaphore, #tpu.memory_space<semaphore_mem>>) src(%dma_wait3A_432 : memref<4x128xi32, #tpu.memory_space<hbm>>) dst(%arg6 : memref<4x128xi32, #tpu.memory_space<vmem>>)
        %dma_wait3A_433 = arith.constant 0 : i32
        %dma_wait3A_434 = arith.constant 0 : i32
        %dma_wait3A_435 = tpu.memref_slice %arg4[%add3A, %add3A_424, %dma_wait3A_433, %dma_wait3A_434] : memref<32x40x4x128xi32, #tpu.memory_space<hbm>> -> memref<1x1x4x128xi32, #tpu.memory_space<hbm>>
        %dma_wait3A_436 = tpu.memref_squeeze %dma_wait3A_435 : memref<1x1x4x128xi32, #tpu.memory_space<hbm>> -> memref<4x128xi32, #tpu.memory_space<hbm>>
        %dma_wait3A_437 = arith.constant 0 : i32
        %dma_wait3A_438 = arith.constant 0 : i32
        %dma_wait3A_439 = tpu.memref_slice %arg4[%add3A, %add3A_424, %dma_wait3A_437, %dma_wait3A_438] : memref<32x40x4x128xi32, #tpu.memory_space<hbm>> -> memref<1x1x4x128xi32, #tpu.memory_space<hbm>>
        %dma_wait3A_440 = tpu.memref_squeeze %dma_wait3A_439 : memref<1x1x4x128xi32, #tpu.memory_space<hbm>> -> memref<4x128xi32, #tpu.memory_space<hbm>>
        tpu.wait_dma2 semaphore(%arg19 : memref<!tpu.dma_semaphore, #tpu.memory_space<semaphore_mem>>) src(%dma_wait3A_440 : memref<4x128xi32, #tpu.memory_space<hbm>>) dst(%arg7 : memref<4x128xi32, #tpu.memory_space<vmem>>)
        %dma_start3A_441 = arith.constant 0 : i32
        %dma_start3A_442 = arith.constant 0 : i32
        %dma_start3A_443 = tpu.memref_slice %arg6[%dma_start3A_441, %dma_start3A_442] : memref<4x128xi32, #tpu.memory_space<vmem>> -> memref<1x128xi32, #tpu.memory_space<vmem>>
        %dma_start3A_444 = tpu.memref_squeeze %dma_start3A_443 : memref<1x128xi32, #tpu.memory_space<vmem>> -> memref<128xi32, #tpu.memory_space<vmem>>
        %dma_start3A_445 = arith.constant 0 : i32
        %dma_start3A_446 = arith.constant 0 : i32
        %dma_start3A_447 = tpu.memref_slice %arg2[%dma_start3A_445, %dma_start3A_446] : memref<10240x128xf32, #tpu.memory_space<hbm>> -> memref<10240x128xf32, #tpu.memory_space<hbm>>
        tpu.enqueue_indirect_dma source(%dma_start3A_447 : memref<10240x128xf32, #tpu.memory_space<hbm>>) target(%arg10 : memref<128x128xf32, #tpu.memory_space<vmem>>) offsets(%dma_start3A_444 : memref<128xi32, #tpu.memory_space<vmem>>) semaphore(%arg13 : memref<!tpu.dma_semaphore, #tpu.memory_space<semaphore_mem>>)
      } else {
      }
      %dma_start3A_410 = arith.constant 3 : i32
      %dma_start3A_411 = arith.constant 0 : i32
      %dma_start3A_412 = tpu.memref_slice %arg9[%dma_start3A_410, %dma_start3A_411] : memref<4x128xi32, #tpu.memory_space<vmem>> -> memref<1x128xi32, #tpu.memory_space<vmem>>
      %dma_start3A_413 = tpu.memref_squeeze %dma_start3A_412 : memref<1x128xi32, #tpu.memory_space<vmem>> -> memref<128xi32, #tpu.memory_space<vmem>>
      %dma_start3A_414 = arith.constant 0 : i32
      %dma_start3A_415 = arith.constant 0 : i32
      %dma_start3A_416 = tpu.memref_slice %arg12[%dma_start3A_414, %dma_start3A_415] : memref<10240x128xf32, #tpu.memory_space<vmem_shared>> -> memref<10240x128xf32, #tpu.memory_space<vmem_shared>>
      tpu.enqueue_indirect_dma source(%arg11 : memref<128x128xf32, #tpu.memory_space<vmem>>) target(%dma_start3A_416 : memref<10240x128xf32, #tpu.memory_space<vmem_shared>>) offsets(%dma_start3A_413 : memref<128xi32, #tpu.memory_space<vmem>>) semaphore(%arg16 : memref<!tpu.dma_semaphore, #tpu.memory_space<semaphore_mem>>) {add = true}
      %convert_element_type3A_417 = arith.extui %lt3A_175 : i1 to i32
      %cond3A_418 = arith.constant 0 : i32
      %cond3A_419 = arith.cmpi ne, %convert_element_type3A_417, %cond3A_418 : i32
      scf.if %cond3A_419 {
        %mul3A_421 = arith.constant 2 : i32
        %mul3A_422 = arith.muli %mul3A_421, %scan3A_173 : i32
        %add3A_423 = arith.constant 3 : i32
        %add3A_424 = arith.addi %mul3A_422, %add3A_423 : i32
        %dma_start3A_425 = arith.constant 0 : i32
        %dma_start3A_426 = arith.constant 0 : i32
        %dma_start3A_427 = tpu.memref_slice %arg3[%add3A, %add3A_424, %dma_start3A_425, %dma_start3A_426] : memref<32x40x4x128xi32, #tpu.memory_space<hbm>> -> memref<1x1x4x128xi32, #tpu.memory_space<hbm>>
        %dma_start3A_428 = tpu.memref_squeeze %dma_start3A_427 : memref<1x1x4x128xi32, #tpu.memory_space<hbm>> -> memref<4x128xi32, #tpu.memory_space<hbm>>
        %dma_start3A_429 = arith.constant 0 : i32
        %dma_start3A_430 = arith.constant 0 : i32
        %dma_start3A_431 = tpu.memref_slice %arg3[%add3A, %add3A_424, %dma_start3A_429, %dma_start3A_430] : memref<32x40x4x128xi32, #tpu.memory_space<hbm>> -> memref<1x1x4x128xi32, #tpu.memory_space<hbm>>
        %dma_start3A_432 = tpu.memref_squeeze %dma_start3A_431 : memref<1x1x4x128xi32, #tpu.memory_space<hbm>> -> memref<4x128xi32, #tpu.memory_space<hbm>>
        tpu.enqueue_dma source(%dma_start3A_432 : memref<4x128xi32, #tpu.memory_space<hbm>>) target(%arg8 : memref<4x128xi32, #tpu.memory_space<vmem>>) target_semaphore(%arg18 : memref<!tpu.dma_semaphore, #tpu.memory_space<semaphore_mem>>)
        %dma_start3A_433 = arith.constant 0 : i32
        %dma_start3A_434 = arith.constant 0 : i32
        %dma_start3A_435 = tpu.memref_slice %arg4[%add3A, %add3A_424, %dma_start3A_433, %dma_start3A_434] : memref<32x40x4x128xi32, #tpu.memory_space<hbm>> -> memref<1x1x4x128xi32, #tpu.memory_space<hbm>>
        %dma_start3A_436 = tpu.memref_squeeze %dma_start3A_435 : memref<1x1x4x128xi32, #tpu.memory_space<hbm>> -> memref<4x128xi32, #tpu.memory_space<hbm>>
        %dma_start3A_437 = arith.constant 0 : i32
        %dma_start3A_438 = arith.constant 0 : i32
        %dma_start3A_439 = tpu.memref_slice %arg4[%add3A, %add3A_424, %dma_start3A_437, %dma_start3A_438] : memref<32x40x4x128xi32, #tpu.memory_space<hbm>> -> memref<1x1x4x128xi32, #tpu.memory_space<hbm>>
        %dma_start3A_440 = tpu.memref_squeeze %dma_start3A_439 : memref<1x1x4x128xi32, #tpu.memory_space<hbm>> -> memref<4x128xi32, #tpu.memory_space<hbm>>
        tpu.enqueue_dma source(%dma_start3A_440 : memref<4x128xi32, #tpu.memory_space<hbm>>) target(%arg9 : memref<4x128xi32, #tpu.memory_space<vmem>>) target_semaphore(%arg19 : memref<!tpu.dma_semaphore, #tpu.memory_space<semaphore_mem>>)
      } else {
      }
      %scan3A_420 = arith.constant 0 : i32
      scf.yield %scan3A_420 : i32
    }
    %scan3A_160 = arith.constant 20 : i32
    %dma_wait3A_161 = arith.constant 3 : i32
    %dma_wait3A_162 = arith.constant 0 : i32
    %dma_wait3A_163 = tpu.memref_slice %arg9[%dma_wait3A_161, %dma_wait3A_162] : memref<4x128xi32, #tpu.memory_space<vmem>> -> memref<1x128xi32, #tpu.memory_space<vmem>>
    %dma_wait3A_164 = tpu.memref_squeeze %dma_wait3A_163 : memref<1x128xi32, #tpu.memory_space<vmem>> -> memref<128xi32, #tpu.memory_space<vmem>>
    %dma_wait3A_165 = arith.constant 0 : i32
    %dma_wait3A_166 = arith.constant 0 : i32
    %dma_wait3A_167 = tpu.memref_slice %arg12[%dma_wait3A_165, %dma_wait3A_166] : memref<10240x128xf32, #tpu.memory_space<vmem_shared>> -> memref<10240x128xf32, #tpu.memory_space<vmem_shared>>
    tpu.wait_indirect_dma semaphore(%arg16 : memref<!tpu.dma_semaphore, #tpu.memory_space<semaphore_mem>>) src(%arg11 : memref<128x128xf32, #tpu.memory_space<vmem>>) dst(%dma_wait3A_167 : memref<10240x128xf32, #tpu.memory_space<vmem_shared>>)
    %barrier3A_168 = arith.constant 0 : index
    tpu.barrier barrier_id(%barrier3A_168)
    %mul3A_169 = arith.constant 640 : i32
    %mul3A_170 = arith.muli %arg1, %mul3A_169 : i32
    %mul3A_171 = arith.constant 640 : i32
    %mul3A_172 = arith.muli %arg1, %mul3A_171 : i32
    "tpu.region"() ({
      %run_scoped3A = tpu.sem_alloc : memref<!tpu.dma_semaphore, #tpu.memory_space<semaphore_mem>>
      %dma_start3A_173 = arith.constant 0 : i32
      %dma_start3A_174 = tpu.memref_slice %arg5[%arg0, %mul3A_172, %dma_start3A_173] : memref<2x10240x128xf32, #tpu.memory_space<hbm>> -> memref<1x640x128xf32, #tpu.memory_space<hbm>>
      %dma_start3A_175 = tpu.memref_squeeze %dma_start3A_174 : memref<1x640x128xf32, #tpu.memory_space<hbm>> -> memref<640x128xf32, #tpu.memory_space<hbm>>
      %dma_start3A_176 = arith.constant 0 : i32
      %dma_start3A_177 = tpu.memref_slice %arg12[%mul3A_170, %dma_start3A_176] : memref<10240x128xf32, #tpu.memory_space<vmem_shared>> -> memref<640x128xf32, #tpu.memory_space<vmem_shared>>
      tpu.enqueue_dma source(%dma_start3A_177 : memref<640x128xf32, #tpu.memory_space<vmem_shared>>) target(%dma_start3A_175 : memref<640x128xf32, #tpu.memory_space<hbm>>) target_semaphore(%run_scoped3A : memref<!tpu.dma_semaphore, #tpu.memory_space<semaphore_mem>>)
      %dma_wait3A_178 = arith.constant 0 : i32
      %dma_wait3A_179 = tpu.memref_slice %arg5[%arg0, %mul3A_172, %dma_wait3A_178] : memref<2x10240x128xf32, #tpu.memory_space<hbm>> -> memref<1x640x128xf32, #tpu.memory_space<hbm>>
      %dma_wait3A_180 = tpu.memref_squeeze %dma_wait3A_179 : memref<1x640x128xf32, #tpu.memory_space<hbm>> -> memref<640x128xf32, #tpu.memory_space<hbm>>
      %dma_wait3A_181 = arith.constant 0 : i32
      %dma_wait3A_182 = tpu.memref_slice %arg12[%mul3A_170, %dma_wait3A_181] : memref<10240x128xf32, #tpu.memory_space<vmem_shared>> -> memref<640x128xf32, #tpu.memory_space<vmem_shared>>
      tpu.wait_dma2 semaphore(%run_scoped3A : memref<!tpu.dma_semaphore, #tpu.memory_space<semaphore_mem>>) src(%dma_wait3A_182 : memref<640x128xf32, #tpu.memory_space<vmem_shared>>) dst(%dma_wait3A_180 : memref<640x128xf32, #tpu.memory_space<hbm>>)
      tpu.yield
    }) : () -> ()
    return
  }
}

#map = affine_map<(d0, d1) -> (0, 0)>
#map1 = affine_map<(d0, d1) -> (0, 0, 0, 0)>
#map2 = affine_map<(d0, d1) -> (0, 0, 0)>
module attributes {stable_mosaic.version = 14 : i64} {
  func.func @_agg_kernel(%arg0: i32, %arg1: i32, %arg2: memref<10240x128xf32, #tpu.memory_space<hbm>>, %arg3: memref<32x40x4x128xi32, #tpu.memory_space<hbm>>, %arg4: memref<32x40x4x128xi32, #tpu.memory_space<hbm>>, %arg5: memref<2x10240x128xf32, #tpu.memory_space<hbm>>, %arg6: memref<4x128xi32, #tpu.memory_space<vmem>>, %arg7: memref<4x128xi32, #tpu.memory_space<vmem>>, %arg8: memref<4x128xi32, #tpu.memory_space<vmem>>, %arg9: memref<4x128xi32, #tpu.memory_space<vmem>>, %arg10: memref<128x128xf32, #tpu.memory_space<vmem>>, %arg11: memref<128x128xf32, #tpu.memory_space<vmem>>, %arg12: memref<10240x128xf32, #tpu.memory_space<vmem_shared>>, %arg13: memref<!tpu.dma_semaphore, #tpu.memory_space<semaphore_mem>>, %arg14: memref<!tpu.dma_semaphore, #tpu.memory_space<semaphore_mem>>, %arg15: memref<!tpu.dma_semaphore, #tpu.memory_space<semaphore_mem>>, %arg16: memref<!tpu.dma_semaphore, #tpu.memory_space<semaphore_mem>>, %arg17: memref<!tpu.dma_semaphore, #tpu.memory_space<semaphore_mem>>, %arg18: memref<!tpu.dma_semaphore, #tpu.memory_space<semaphore_mem>>, %arg19: memref<!tpu.dma_semaphore, #tpu.memory_space<semaphore_mem>>) attributes {dimension_semantics = [#tpu.dimension_semantics<core_parallel>, #tpu.dimension_semantics<subcore_parallel>], iteration_bounds = array<i64: 2, 16>, scalar_prefetch = 0 : i64, scratch_operands = 14 : i64, tpu.core_type = #tpu.core_type<sc_vector_subcore>, window_params = [{transform_indices = #map}, {transform_indices = #map1}, {transform_indices = #map1}, {transform_indices = #map2}]} {
    %mul3A = arith.constant 16 : i32
    %mul3A_0 = arith.muli %arg0, %mul3A : i32
    %add3A = arith.addi %mul3A_0, %arg1 : i32
    %broadcast_in_dim3A = arith.constant 0.000000e+00 : f32
    %broadcast_in_dim3A_1 = vector.broadcast %broadcast_in_dim3A : f32 to vector<16xf32>
    %scan3A = arith.constant 0 : i32
    %scan3A_2 = arith.constant 0 : i32
    %scan3A_3 = arith.constant 128 : i32
    %scan3A_4 = arith.addi %scan3A_2, %scan3A_3 : i32
    %scan3A_5 = arith.constant 1 : i32
    %scan3A_6 = scf.for %scan3A_173 = %scan3A_2 to %scan3A_4 step %scan3A_5 iter_args(%scan3A_174 = %scan3A) -> (i32)  : i32 {
      %swap3A = arith.index_cast %scan3A_173 : i32 to index
      %swap3A_175 = arith.constant 0 : index
      %swap3A_176 = tpu.vector_load %arg10[%swap3A, %swap3A_175] {strides = array<i32>} : memref<128x128xf32, #tpu.memory_space<vmem>>, vector<16xf32>,
      tpu.vector_store %arg10[%swap3A, %swap3A_175], %broadcast_in_dim3A_1 {strides = array<i32>} : memref<128x128xf32, #tpu.memory_space<vmem>>, vector<16xf32>,
      %swap3A_177 = arith.index_cast %scan3A_173 : i32 to index
      %swap3A_178 = arith.constant 0 : index
      %swap3A_179 = tpu.vector_load %arg11[%swap3A_177, %swap3A_178] {strides = array<i32>} : memref<128x128xf32, #tpu.memory_space<vmem>>, vector<16xf32>,
      tpu.vector_store %arg11[%swap3A_177, %swap3A_178], %broadcast_in_dim3A_1 {strides = array<i32>} : memref<128x128xf32, #tpu.memory_space<vmem>>, vector<16xf32>,
      %swap3A_180 = arith.index_cast %scan3A_173 : i32 to index
      %swap3A_181 = arith.constant 16 : index
      %swap3A_182 = tpu.vector_load %arg10[%swap3A_180, %swap3A_181] {strides = array<i32>} : memref<128x128xf32, #tpu.memory_space<vmem>>, vector<16xf32>,
      tpu.vector_store %arg10[%swap3A_180, %swap3A_181], %broadcast_in_dim3A_1 {strides = array<i32>} : memref<128x128xf32, #tpu.memory_space<vmem>>, vector<16xf32>,
      %swap3A_183 = arith.index_cast %scan3A_173 : i32 to index
      %swap3A_184 = arith.constant 16 : index
      %swap3A_185 = tpu.vector_load %arg11[%swap3A_183, %swap3A_184] {strides = array<i32>} : memref<128x128xf32, #tpu.memory_space<vmem>>, vector<16xf32>,
      tpu.vector_store %arg11[%swap3A_183, %swap3A_184], %broadcast_in_dim3A_1 {strides = array<i32>} : memref<128x128xf32, #tpu.memory_space<vmem>>, vector<16xf32>,
      %swap3A_186 = arith.index_cast %scan3A_173 : i32 to index
      %swap3A_187 = arith.constant 32 : index
      %swap3A_188 = tpu.vector_load %arg10[%swap3A_186, %swap3A_187] {strides = array<i32>} : memref<128x128xf32, #tpu.memory_space<vmem>>, vector<16xf32>,
      tpu.vector_store %arg10[%swap3A_186, %swap3A_187], %broadcast_in_dim3A_1 {strides = array<i32>} : memref<128x128xf32, #tpu.memory_space<vmem>>, vector<16xf32>,
      %swap3A_189 = arith.index_cast %scan3A_173 : i32 to index
      %swap3A_190 = arith.constant 32 : index
      %swap3A_191 = tpu.vector_load %arg11[%swap3A_189, %swap3A_190] {strides = array<i32>} : memref<128x128xf32, #tpu.memory_space<vmem>>, vector<16xf32>,
      tpu.vector_store %arg11[%swap3A_189, %swap3A_190], %broadcast_in_dim3A_1 {strides = array<i32>} : memref<128x128xf32, #tpu.memory_space<vmem>>, vector<16xf32>,
      %swap3A_192 = arith.index_cast %scan3A_173 : i32 to index
      %swap3A_193 = arith.constant 48 : index
      %swap3A_194 = tpu.vector_load %arg10[%swap3A_192, %swap3A_193] {strides = array<i32>} : memref<128x128xf32, #tpu.memory_space<vmem>>, vector<16xf32>,
      tpu.vector_store %arg10[%swap3A_192, %swap3A_193], %broadcast_in_dim3A_1 {strides = array<i32>} : memref<128x128xf32, #tpu.memory_space<vmem>>, vector<16xf32>,
      %swap3A_195 = arith.index_cast %scan3A_173 : i32 to index
      %swap3A_196 = arith.constant 48 : index
      %swap3A_197 = tpu.vector_load %arg11[%swap3A_195, %swap3A_196] {strides = array<i32>} : memref<128x128xf32, #tpu.memory_space<vmem>>, vector<16xf32>,
      tpu.vector_store %arg11[%swap3A_195, %swap3A_196], %broadcast_in_dim3A_1 {strides = array<i32>} : memref<128x128xf32, #tpu.memory_space<vmem>>, vector<16xf32>,
      %swap3A_198 = arith.index_cast %scan3A_173 : i32 to index
      %swap3A_199 = arith.constant 64 : index
      %swap3A_200 = tpu.vector_load %arg10[%swap3A_198, %swap3A_199] {strides = array<i32>} : memref<128x128xf32, #tpu.memory_space<vmem>>, vector<16xf32>,
      tpu.vector_store %arg10[%swap3A_198, %swap3A_199], %broadcast_in_dim3A_1 {strides = array<i32>} : memref<128x128xf32, #tpu.memory_space<vmem>>, vector<16xf32>,
      %swap3A_201 = arith.index_cast %scan3A_173 : i32 to index
      %swap3A_202 = arith.constant 64 : index
      %swap3A_203 = tpu.vector_load %arg11[%swap3A_201, %swap3A_202] {strides = array<i32>} : memref<128x128xf32, #tpu.memory_space<vmem>>, vector<16xf32>,
      tpu.vector_store %arg11[%swap3A_201, %swap3A_202], %broadcast_in_dim3A_1 {strides = array<i32>} : memref<128x128xf32, #tpu.memory_space<vmem>>, vector<16xf32>,
      %swap3A_204 = arith.index_cast %scan3A_173 : i32 to index
      %swap3A_205 = arith.constant 80 : index
      %swap3A_206 = tpu.vector_load %arg10[%swap3A_204, %swap3A_205] {strides = array<i32>} : memref<128x128xf32, #tpu.memory_space<vmem>>, vector<16xf32>,
      tpu.vector_store %arg10[%swap3A_204, %swap3A_205], %broadcast_in_dim3A_1 {strides = array<i32>} : memref<128x128xf32, #tpu.memory_space<vmem>>, vector<16xf32>,
      %swap3A_207 = arith.index_cast %scan3A_173 : i32 to index
      %swap3A_208 = arith.constant 80 : index
      %swap3A_209 = tpu.vector_load %arg11[%swap3A_207, %swap3A_208] {strides = array<i32>} : memref<128x128xf32, #tpu.memory_space<vmem>>, vector<16xf32>,
      tpu.vector_store %arg11[%swap3A_207, %swap3A_208], %broadcast_in_dim3A_1 {strides = array<i32>} : memref<128x128xf32, #tpu.memory_space<vmem>>, vector<16xf32>,
      %swap3A_210 = arith.index_cast %scan3A_173 : i32 to index
      %swap3A_211 = arith.constant 96 : index
      %swap3A_212 = tpu.vector_load %arg10[%swap3A_210, %swap3A_211] {strides = array<i32>} : memref<128x128xf32, #tpu.memory_space<vmem>>, vector<16xf32>,
      tpu.vector_store %arg10[%swap3A_210, %swap3A_211], %broadcast_in_dim3A_1 {strides = array<i32>} : memref<128x128xf32, #tpu.memory_space<vmem>>, vector<16xf32>,
      %swap3A_213 = arith.index_cast %scan3A_173 : i32 to index
      %swap3A_214 = arith.constant 96 : index
      %swap3A_215 = tpu.vector_load %arg11[%swap3A_213, %swap3A_214] {strides = array<i32>} : memref<128x128xf32, #tpu.memory_space<vmem>>, vector<16xf32>,
      tpu.vector_store %arg11[%swap3A_213, %swap3A_214], %broadcast_in_dim3A_1 {strides = array<i32>} : memref<128x128xf32, #tpu.memory_space<vmem>>, vector<16xf32>,
      %swap3A_216 = arith.index_cast %scan3A_173 : i32 to index
      %swap3A_217 = arith.constant 112 : index
      %swap3A_218 = tpu.vector_load %arg10[%swap3A_216, %swap3A_217] {strides = array<i32>} : memref<128x128xf32, #tpu.memory_space<vmem>>, vector<16xf32>,
      tpu.vector_store %arg10[%swap3A_216, %swap3A_217], %broadcast_in_dim3A_1 {strides = array<i32>} : memref<128x128xf32, #tpu.memory_space<vmem>>, vector<16xf32>,
      %swap3A_219 = arith.index_cast %scan3A_173 : i32 to index
      %swap3A_220 = arith.constant 112 : index
      %swap3A_221 = tpu.vector_load %arg11[%swap3A_219, %swap3A_220] {strides = array<i32>} : memref<128x128xf32, #tpu.memory_space<vmem>>, vector<16xf32>,
      tpu.vector_store %arg11[%swap3A_219, %swap3A_220], %broadcast_in_dim3A_1 {strides = array<i32>} : memref<128x128xf32, #tpu.memory_space<vmem>>, vector<16xf32>,
      %scan3A_222 = arith.constant 0 : i32
      scf.yield %scan3A_222 : i32
    }
    %scan3A_7 = arith.constant 128 : i32
    %mul3A_8 = arith.constant 640 : i32
    %mul3A_9 = arith.muli %arg1, %mul3A_8 : i32
    %add3A_10 = arith.constant 0 : i32
    %add3A_11 = arith.addi %mul3A_9, %add3A_10 : i32
    %dma_start3A = arith.constant 0 : i32
    %dma_start3A_12 = tpu.memref_slice %arg12[%add3A_11, %dma_start3A] : memref<10240x128xf32, #tpu.memory_space<vmem_shared>> -> memref<128x128xf32, #tpu.memory_space<vmem_shared>>
    %dma_start3A_13 = arith.constant 0 : i32
    %dma_start3A_14 = tpu.memref_slice %arg12[%add3A_11, %dma_start3A_13] : memref<10240x128xf32, #tpu.memory_space<vmem_shared>> -> memref<128x128xf32, #tpu.memory_space<vmem_shared>>
    tpu.enqueue_dma source(%arg10 : memref<128x128xf32, #tpu.memory_space<vmem>>) target(%dma_start3A_14 : memref<128x128xf32, #tpu.memory_space<vmem_shared>>) target_semaphore(%arg17 : memref<!tpu.dma_semaphore, #tpu.memory_space<semaphore_mem>>)
    %mul3A_15 = arith.constant 640 : i32
    %mul3A_16 = arith.muli %arg1, %mul3A_15 : i32
    %add3A_17 = arith.constant 128 : i32
    %add3A_18 = arith.addi %mul3A_16, %add3A_17 : i32
    %dma_start3A_19 = arith.constant 0 : i32
    %dma_start3A_20 = tpu.memref_slice %arg12[%add3A_18, %dma_start3A_19] : memref<10240x128xf32, #tpu.memory_space<vmem_shared>> -> memref<128x128xf32, #tpu.memory_space<vmem_shared>>
    %dma_start3A_21 = arith.constant 0 : i32
    %dma_start3A_22 = tpu.memref_slice %arg12[%add3A_18, %dma_start3A_21] : memref<10240x128xf32, #tpu.memory_space<vmem_shared>> -> memref<128x128xf32, #tpu.memory_space<vmem_shared>>
    tpu.enqueue_dma source(%arg10 : memref<128x128xf32, #tpu.memory_space<vmem>>) target(%dma_start3A_22 : memref<128x128xf32, #tpu.memory_space<vmem_shared>>) target_semaphore(%arg17 : memref<!tpu.dma_semaphore, #tpu.memory_space<semaphore_mem>>)
    %mul3A_23 = arith.constant 640 : i32
    %mul3A_24 = arith.muli %arg1, %mul3A_23 : i32
    %add3A_25 = arith.constant 256 : i32
    %add3A_26 = arith.addi %mul3A_24, %add3A_25 : i32
    %dma_start3A_27 = arith.constant 0 : i32
    %dma_start3A_28 = tpu.memref_slice %arg12[%add3A_26, %dma_start3A_27] : memref<10240x128xf32, #tpu.memory_space<vmem_shared>> -> memref<128x128xf32, #tpu.memory_space<vmem_shared>>
    %dma_start3A_29 = arith.constant 0 : i32
    %dma_start3A_30 = tpu.memref_slice %arg12[%add3A_26, %dma_start3A_29] : memref<10240x128xf32, #tpu.memory_space<vmem_shared>> -> memref<128x128xf32, #tpu.memory_space<vmem_shared>>
    tpu.enqueue_dma source(%arg10 : memref<128x128xf32, #tpu.memory_space<vmem>>) target(%dma_start3A_30 : memref<128x128xf32, #tpu.memory_space<vmem_shared>>) target_semaphore(%arg17 : memref<!tpu.dma_semaphore, #tpu.memory_space<semaphore_mem>>)
    %mul3A_31 = arith.constant 640 : i32
    %mul3A_32 = arith.muli %arg1, %mul3A_31 : i32
    %add3A_33 = arith.constant 384 : i32
    %add3A_34 = arith.addi %mul3A_32, %add3A_33 : i32
    %dma_start3A_35 = arith.constant 0 : i32
    %dma_start3A_36 = tpu.memref_slice %arg12[%add3A_34, %dma_start3A_35] : memref<10240x128xf32, #tpu.memory_space<vmem_shared>> -> memref<128x128xf32, #tpu.memory_space<vmem_shared>>
    %dma_start3A_37 = arith.constant 0 : i32
    %dma_start3A_38 = tpu.memref_slice %arg12[%add3A_34, %dma_start3A_37] : memref<10240x128xf32, #tpu.memory_space<vmem_shared>> -> memref<128x128xf32, #tpu.memory_space<vmem_shared>>
    tpu.enqueue_dma source(%arg10 : memref<128x128xf32, #tpu.memory_space<vmem>>) target(%dma_start3A_38 : memref<128x128xf32, #tpu.memory_space<vmem_shared>>) target_semaphore(%arg17 : memref<!tpu.dma_semaphore, #tpu.memory_space<semaphore_mem>>)
    %mul3A_39 = arith.constant 640 : i32
    %mul3A_40 = arith.muli %arg1, %mul3A_39 : i32
    %add3A_41 = arith.constant 512 : i32
    %add3A_42 = arith.addi %mul3A_40, %add3A_41 : i32
    %dma_start3A_43 = arith.constant 0 : i32
    %dma_start3A_44 = tpu.memref_slice %arg12[%add3A_42, %dma_start3A_43] : memref<10240x128xf32, #tpu.memory_space<vmem_shared>> -> memref<128x128xf32, #tpu.memory_space<vmem_shared>>
    %dma_start3A_45 = arith.constant 0 : i32
    %dma_start3A_46 = tpu.memref_slice %arg12[%add3A_42, %dma_start3A_45] : memref<10240x128xf32, #tpu.memory_space<vmem_shared>> -> memref<128x128xf32, #tpu.memory_space<vmem_shared>>
    tpu.enqueue_dma source(%arg10 : memref<128x128xf32, #tpu.memory_space<vmem>>) target(%dma_start3A_46 : memref<128x128xf32, #tpu.memory_space<vmem_shared>>) target_semaphore(%arg17 : memref<!tpu.dma_semaphore, #tpu.memory_space<semaphore_mem>>)
    %mul3A_47 = arith.constant 640 : i32
    %mul3A_48 = arith.muli %arg1, %mul3A_47 : i32
    %add3A_49 = arith.constant 0 : i32
    %add3A_50 = arith.addi %mul3A_48, %add3A_49 : i32
    %dma_wait3A = arith.constant 0 : i32
    %dma_wait3A_51 = tpu.memref_slice %arg12[%add3A_50, %dma_wait3A] : memref<10240x128xf32, #tpu.memory_space<vmem_shared>> -> memref<128x128xf32, #tpu.memory_space<vmem_shared>>
    %dma_wait3A_52 = arith.constant 0 : i32
    %dma_wait3A_53 = tpu.memref_slice %arg12[%add3A_50, %dma_wait3A_52] : memref<10240x128xf32, #tpu.memory_space<vmem_shared>> -> memref<128x128xf32, #tpu.memory_space<vmem_shared>>
    tpu.wait_dma2 semaphore(%arg17 : memref<!tpu.dma_semaphore, #tpu.memory_space<semaphore_mem>>) src(%arg10 : memref<128x128xf32, #tpu.memory_space<vmem>>) dst(%dma_wait3A_53 : memref<128x128xf32, #tpu.memory_space<vmem_shared>>)
    %mul3A_54 = arith.constant 640 : i32
    %mul3A_55 = arith.muli %arg1, %mul3A_54 : i32
    %add3A_56 = arith.constant 128 : i32
    %add3A_57 = arith.addi %mul3A_55, %add3A_56 : i32
    %dma_wait3A_58 = arith.constant 0 : i32
    %dma_wait3A_59 = tpu.memref_slice %arg12[%add3A_57, %dma_wait3A_58] : memref<10240x128xf32, #tpu.memory_space<vmem_shared>> -> memref<128x128xf32, #tpu.memory_space<vmem_shared>>
    %dma_wait3A_60 = arith.constant 0 : i32
    %dma_wait3A_61 = tpu.memref_slice %arg12[%add3A_57, %dma_wait3A_60] : memref<10240x128xf32, #tpu.memory_space<vmem_shared>> -> memref<128x128xf32, #tpu.memory_space<vmem_shared>>
    tpu.wait_dma2 semaphore(%arg17 : memref<!tpu.dma_semaphore, #tpu.memory_space<semaphore_mem>>) src(%arg10 : memref<128x128xf32, #tpu.memory_space<vmem>>) dst(%dma_wait3A_61 : memref<128x128xf32, #tpu.memory_space<vmem_shared>>)
    %mul3A_62 = arith.constant 640 : i32
    %mul3A_63 = arith.muli %arg1, %mul3A_62 : i32
    %add3A_64 = arith.constant 256 : i32
    %add3A_65 = arith.addi %mul3A_63, %add3A_64 : i32
    %dma_wait3A_66 = arith.constant 0 : i32
    %dma_wait3A_67 = tpu.memref_slice %arg12[%add3A_65, %dma_wait3A_66] : memref<10240x128xf32, #tpu.memory_space<vmem_shared>> -> memref<128x128xf32, #tpu.memory_space<vmem_shared>>
    %dma_wait3A_68 = arith.constant 0 : i32
    %dma_wait3A_69 = tpu.memref_slice %arg12[%add3A_65, %dma_wait3A_68] : memref<10240x128xf32, #tpu.memory_space<vmem_shared>> -> memref<128x128xf32, #tpu.memory_space<vmem_shared>>
    tpu.wait_dma2 semaphore(%arg17 : memref<!tpu.dma_semaphore, #tpu.memory_space<semaphore_mem>>) src(%arg10 : memref<128x128xf32, #tpu.memory_space<vmem>>) dst(%dma_wait3A_69 : memref<128x128xf32, #tpu.memory_space<vmem_shared>>)
    %mul3A_70 = arith.constant 640 : i32
    %mul3A_71 = arith.muli %arg1, %mul3A_70 : i32
    %add3A_72 = arith.constant 384 : i32
    %add3A_73 = arith.addi %mul3A_71, %add3A_72 : i32
    %dma_wait3A_74 = arith.constant 0 : i32
    %dma_wait3A_75 = tpu.memref_slice %arg12[%add3A_73, %dma_wait3A_74] : memref<10240x128xf32, #tpu.memory_space<vmem_shared>> -> memref<128x128xf32, #tpu.memory_space<vmem_shared>>
    %dma_wait3A_76 = arith.constant 0 : i32
    %dma_wait3A_77 = tpu.memref_slice %arg12[%add3A_73, %dma_wait3A_76] : memref<10240x128xf32, #tpu.memory_space<vmem_shared>> -> memref<128x128xf32, #tpu.memory_space<vmem_shared>>
    tpu.wait_dma2 semaphore(%arg17 : memref<!tpu.dma_semaphore, #tpu.memory_space<semaphore_mem>>) src(%arg10 : memref<128x128xf32, #tpu.memory_space<vmem>>) dst(%dma_wait3A_77 : memref<128x128xf32, #tpu.memory_space<vmem_shared>>)
    %mul3A_78 = arith.constant 640 : i32
    %mul3A_79 = arith.muli %arg1, %mul3A_78 : i32
    %add3A_80 = arith.constant 512 : i32
    %add3A_81 = arith.addi %mul3A_79, %add3A_80 : i32
    %dma_wait3A_82 = arith.constant 0 : i32
    %dma_wait3A_83 = tpu.memref_slice %arg12[%add3A_81, %dma_wait3A_82] : memref<10240x128xf32, #tpu.memory_space<vmem_shared>> -> memref<128x128xf32, #tpu.memory_space<vmem_shared>>
    %dma_wait3A_84 = arith.constant 0 : i32
    %dma_wait3A_85 = tpu.memref_slice %arg12[%add3A_81, %dma_wait3A_84] : memref<10240x128xf32, #tpu.memory_space<vmem_shared>> -> memref<128x128xf32, #tpu.memory_space<vmem_shared>>
    tpu.wait_dma2 semaphore(%arg17 : memref<!tpu.dma_semaphore, #tpu.memory_space<semaphore_mem>>) src(%arg10 : memref<128x128xf32, #tpu.memory_space<vmem>>) dst(%dma_wait3A_85 : memref<128x128xf32, #tpu.memory_space<vmem_shared>>)
    %barrier3A = arith.constant 0 : index
    tpu.barrier barrier_id(%barrier3A)
    %dma_start3A_86 = arith.constant 0 : i32
    %dma_start3A_87 = arith.constant 0 : i32
    %dma_start3A_88 = arith.constant 0 : i32
    %dma_start3A_89 = tpu.memref_slice %arg3[%add3A, %dma_start3A_86, %dma_start3A_87, %dma_start3A_88] : memref<32x40x4x128xi32, #tpu.memory_space<hbm>> -> memref<1x1x4x128xi32, #tpu.memory_space<hbm>>
    %dma_start3A_90 = tpu.memref_squeeze %dma_start3A_89 : memref<1x1x4x128xi32, #tpu.memory_space<hbm>> -> memref<4x128xi32, #tpu.memory_space<hbm>>
    %dma_start3A_91 = arith.constant 0 : i32
    %dma_start3A_92 = arith.constant 0 : i32
    %dma_start3A_93 = tpu.memref_slice %arg3[%add3A, %dma_start3A_86, %dma_start3A_91, %dma_start3A_92] : memref<32x40x4x128xi32, #tpu.memory_space<hbm>> -> memref<1x1x4x128xi32, #tpu.memory_space<hbm>>
    %dma_start3A_94 = tpu.memref_squeeze %dma_start3A_93 : memref<1x1x4x128xi32, #tpu.memory_space<hbm>> -> memref<4x128xi32, #tpu.memory_space<hbm>>
    tpu.enqueue_dma source(%dma_start3A_94 : memref<4x128xi32, #tpu.memory_space<hbm>>) target(%arg6 : memref<4x128xi32, #tpu.memory_space<vmem>>) target_semaphore(%arg18 : memref<!tpu.dma_semaphore, #tpu.memory_space<semaphore_mem>>)
    %dma_start3A_95 = arith.constant 0 : i32
    %dma_start3A_96 = arith.constant 0 : i32
    %dma_start3A_97 = arith.constant 0 : i32
    %dma_start3A_98 = tpu.memref_slice %arg4[%add3A, %dma_start3A_95, %dma_start3A_96, %dma_start3A_97] : memref<32x40x4x128xi32, #tpu.memory_space<hbm>> -> memref<1x1x4x128xi32, #tpu.memory_space<hbm>>
    %dma_start3A_99 = tpu.memref_squeeze %dma_start3A_98 : memref<1x1x4x128xi32, #tpu.memory_space<hbm>> -> memref<4x128xi32, #tpu.memory_space<hbm>>
    %dma_start3A_100 = arith.constant 0 : i32
    %dma_start3A_101 = arith.constant 0 : i32
    %dma_start3A_102 = tpu.memref_slice %arg4[%add3A, %dma_start3A_95, %dma_start3A_100, %dma_start3A_101] : memref<32x40x4x128xi32, #tpu.memory_space<hbm>> -> memref<1x1x4x128xi32, #tpu.memory_space<hbm>>
    %dma_start3A_103 = tpu.memref_squeeze %dma_start3A_102 : memref<1x1x4x128xi32, #tpu.memory_space<hbm>> -> memref<4x128xi32, #tpu.memory_space<hbm>>
    tpu.enqueue_dma source(%dma_start3A_103 : memref<4x128xi32, #tpu.memory_space<hbm>>) target(%arg7 : memref<4x128xi32, #tpu.memory_space<vmem>>) target_semaphore(%arg19 : memref<!tpu.dma_semaphore, #tpu.memory_space<semaphore_mem>>)
    %dma_wait3A_104 = arith.constant 0 : i32
    %dma_wait3A_105 = arith.constant 0 : i32
    %dma_wait3A_106 = arith.constant 0 : i32
    %dma_wait3A_107 = tpu.memref_slice %arg3[%add3A, %dma_wait3A_104, %dma_wait3A_105, %dma_wait3A_106] : memref<32x40x4x128xi32, #tpu.memory_space<hbm>> -> memref<1x1x4x128xi32, #tpu.memory_space<hbm>>
    %dma_wait3A_108 = tpu.memref_squeeze %dma_wait3A_107 : memref<1x1x4x128xi32, #tpu.memory_space<hbm>> -> memref<4x128xi32, #tpu.memory_space<hbm>>
    %dma_wait3A_109 = arith.constant 0 : i32
    %dma_wait3A_110 = arith.constant 0 : i32
    %dma_wait3A_111 = tpu.memref_slice %arg3[%add3A, %dma_wait3A_104, %dma_wait3A_109, %dma_wait3A_110] : memref<32x40x4x128xi32, #tpu.memory_space<hbm>> -> memref<1x1x4x128xi32, #tpu.memory_space<hbm>>
    %dma_wait3A_112 = tpu.memref_squeeze %dma_wait3A_111 : memref<1x1x4x128xi32, #tpu.memory_space<hbm>> -> memref<4x128xi32, #tpu.memory_space<hbm>>
    tpu.wait_dma2 semaphore(%arg18 : memref<!tpu.dma_semaphore, #tpu.memory_space<semaphore_mem>>) src(%dma_wait3A_112 : memref<4x128xi32, #tpu.memory_space<hbm>>) dst(%arg6 : memref<4x128xi32, #tpu.memory_space<vmem>>)
    %dma_wait3A_113 = arith.constant 0 : i32
    %dma_wait3A_114 = arith.constant 0 : i32
    %dma_wait3A_115 = arith.constant 0 : i32
    %dma_wait3A_116 = tpu.memref_slice %arg4[%add3A, %dma_wait3A_113, %dma_wait3A_114, %dma_wait3A_115] : memref<32x40x4x128xi32, #tpu.memory_space<hbm>> -> memref<1x1x4x128xi32, #tpu.memory_space<hbm>>
    %dma_wait3A_117 = tpu.memref_squeeze %dma_wait3A_116 : memref<1x1x4x128xi32, #tpu.memory_space<hbm>> -> memref<4x128xi32, #tpu.memory_space<hbm>>
    %dma_wait3A_118 = arith.constant 0 : i32
    %dma_wait3A_119 = arith.constant 0 : i32
    %dma_wait3A_120 = tpu.memref_slice %arg4[%add3A, %dma_wait3A_113, %dma_wait3A_118, %dma_wait3A_119] : memref<32x40x4x128xi32, #tpu.memory_space<hbm>> -> memref<1x1x4x128xi32, #tpu.memory_space<hbm>>
    %dma_wait3A_121 = tpu.memref_squeeze %dma_wait3A_120 : memref<1x1x4x128xi32, #tpu.memory_space<hbm>> -> memref<4x128xi32, #tpu.memory_space<hbm>>
    tpu.wait_dma2 semaphore(%arg19 : memref<!tpu.dma_semaphore, #tpu.memory_space<semaphore_mem>>) src(%dma_wait3A_121 : memref<4x128xi32, #tpu.memory_space<hbm>>) dst(%arg7 : memref<4x128xi32, #tpu.memory_space<vmem>>)
    %dma_start3A_122 = arith.constant 1 : i32
    %dma_start3A_123 = arith.constant 0 : i32
    %dma_start3A_124 = arith.constant 0 : i32
    %dma_start3A_125 = tpu.memref_slice %arg3[%add3A, %dma_start3A_122, %dma_start3A_123, %dma_start3A_124] : memref<32x40x4x128xi32, #tpu.memory_space<hbm>> -> memref<1x1x4x128xi32, #tpu.memory_space<hbm>>
    %dma_start3A_126 = tpu.memref_squeeze %dma_start3A_125 : memref<1x1x4x128xi32, #tpu.memory_space<hbm>> -> memref<4x128xi32, #tpu.memory_space<hbm>>
    %dma_start3A_127 = arith.constant 0 : i32
    %dma_start3A_128 = arith.constant 0 : i32
    %dma_start3A_129 = tpu.memref_slice %arg3[%add3A, %dma_start3A_122, %dma_start3A_127, %dma_start3A_128] : memref<32x40x4x128xi32, #tpu.memory_space<hbm>> -> memref<1x1x4x128xi32, #tpu.memory_space<hbm>>
    %dma_start3A_130 = tpu.memref_squeeze %dma_start3A_129 : memref<1x1x4x128xi32, #tpu.memory_space<hbm>> -> memref<4x128xi32, #tpu.memory_space<hbm>>
    tpu.enqueue_dma source(%dma_start3A_130 : memref<4x128xi32, #tpu.memory_space<hbm>>) target(%arg8 : memref<4x128xi32, #tpu.memory_space<vmem>>) target_semaphore(%arg18 : memref<!tpu.dma_semaphore, #tpu.memory_space<semaphore_mem>>)
    %dma_start3A_131 = arith.constant 1 : i32
    %dma_start3A_132 = arith.constant 0 : i32
    %dma_start3A_133 = arith.constant 0 : i32
    %dma_start3A_134 = tpu.memref_slice %arg4[%add3A, %dma_start3A_131, %dma_start3A_132, %dma_start3A_133] : memref<32x40x4x128xi32, #tpu.memory_space<hbm>> -> memref<1x1x4x128xi32, #tpu.memory_space<hbm>>
    %dma_start3A_135 = tpu.memref_squeeze %dma_start3A_134 : memref<1x1x4x128xi32, #tpu.memory_space<hbm>> -> memref<4x128xi32, #tpu.memory_space<hbm>>
    %dma_start3A_136 = arith.constant 0 : i32
    %dma_start3A_137 = arith.constant 0 : i32
    %dma_start3A_138 = tpu.memref_slice %arg4[%add3A, %dma_start3A_131, %dma_start3A_136, %dma_start3A_137] : memref<32x40x4x128xi32, #tpu.memory_space<hbm>> -> memref<1x1x4x128xi32, #tpu.memory_space<hbm>>
    %dma_start3A_139 = tpu.memref_squeeze %dma_start3A_138 : memref<1x1x4x128xi32, #tpu.memory_space<hbm>> -> memref<4x128xi32, #tpu.memory_space<hbm>>
    tpu.enqueue_dma source(%dma_start3A_139 : memref<4x128xi32, #tpu.memory_space<hbm>>) target(%arg9 : memref<4x128xi32, #tpu.memory_space<vmem>>) target_semaphore(%arg19 : memref<!tpu.dma_semaphore, #tpu.memory_space<semaphore_mem>>)
    %dma_start3A_140 = arith.constant 0 : i32
    %dma_start3A_141 = arith.constant 0 : i32
    %dma_start3A_142 = tpu.memref_slice %arg6[%dma_start3A_140, %dma_start3A_141] : memref<4x128xi32, #tpu.memory_space<vmem>> -> memref<1x128xi32, #tpu.memory_space<vmem>>
    %dma_start3A_143 = tpu.memref_squeeze %dma_start3A_142 : memref<1x128xi32, #tpu.memory_space<vmem>> -> memref<128xi32, #tpu.memory_space<vmem>>
    %dma_start3A_144 = arith.constant 0 : i32
    %dma_start3A_145 = arith.constant 0 : i32
    %dma_start3A_146 = tpu.memref_slice %arg2[%dma_start3A_144, %dma_start3A_145] : memref<10240x128xf32, #tpu.memory_space<hbm>> -> memref<10240x128xf32, #tpu.memory_space<hbm>>
    tpu.enqueue_indirect_dma source(%dma_start3A_146 : memref<10240x128xf32, #tpu.memory_space<hbm>>) target(%arg10 : memref<128x128xf32, #tpu.memory_space<vmem>>) offsets(%dma_start3A_143 : memref<128xi32, #tpu.memory_space<vmem>>) semaphore(%arg13 : memref<!tpu.dma_semaphore, #tpu.memory_space<semaphore_mem>>)
    %dma_start3A_147 = arith.constant 0 : i32
    %dma_start3A_148 = arith.constant 0 : i32
    %dma_start3A_149 = tpu.memref_slice %arg7[%dma_start3A_147, %dma_start3A_148] : memref<4x128xi32, #tpu.memory_space<vmem>> -> memref<1x128xi32, #tpu.memory_space<vmem>>
    %dma_start3A_150 = tpu.memref_squeeze %dma_start3A_149 : memref<1x128xi32, #tpu.memory_space<vmem>> -> memref<128xi32, #tpu.memory_space<vmem>>
    %dma_start3A_151 = arith.constant 0 : i32
    %dma_start3A_152 = arith.constant 0 : i32
    %dma_start3A_153 = tpu.memref_slice %arg12[%dma_start3A_151, %dma_start3A_152] : memref<10240x128xf32, #tpu.memory_space<vmem_shared>> -> memref<10240x128xf32, #tpu.memory_space<vmem_shared>>
    tpu.enqueue_indirect_dma source(%arg11 : memref<128x128xf32, #tpu.memory_space<vmem>>) target(%dma_start3A_153 : memref<10240x128xf32, #tpu.memory_space<vmem_shared>>) offsets(%dma_start3A_150 : memref<128xi32, #tpu.memory_space<vmem>>) semaphore(%arg16 : memref<!tpu.dma_semaphore, #tpu.memory_space<semaphore_mem>>) {add = true}
    %scan3A_154 = arith.constant 0 : i32
    %scan3A_155 = arith.constant 0 : i32
    %scan3A_156 = arith.constant 20 : i32
    %scan3A_157 = arith.addi %scan3A_155, %scan3A_156 : i32
    %scan3A_158 = arith.constant 1 : i32
    %scan3A_159 = scf.for %scan3A_173 = %scan3A_155 to %scan3A_157 step %scan3A_158 iter_args(%scan3A_174 = %scan3A_154) -> (i32)  : i32 {
      %lt3A = arith.constant 19 : i32
      %lt3A_175 = arith.cmpi slt, %scan3A_173, %lt3A : i32
      %dma_wait3A_176 = arith.constant 0 : i32
      %dma_wait3A_177 = arith.constant 0 : i32
      %dma_wait3A_178 = tpu.memref_slice %arg6[%dma_wait3A_176, %dma_wait3A_177] : memref<4x128xi32, #tpu.memory_space<vmem>> -> memref<1x128xi32, #tpu.memory_space<vmem>>
      %dma_wait3A_179 = tpu.memref_squeeze %dma_wait3A_178 : memref<1x128xi32, #tpu.memory_space<vmem>> -> memref<128xi32, #tpu.memory_space<vmem>>
      %dma_wait3A_180 = arith.constant 0 : i32
      %dma_wait3A_181 = arith.constant 0 : i32
      %dma_wait3A_182 = tpu.memref_slice %arg2[%dma_wait3A_180, %dma_wait3A_181] : memref<10240x128xf32, #tpu.memory_space<hbm>> -> memref<10240x128xf32, #tpu.memory_space<hbm>>
      tpu.wait_indirect_dma semaphore(%arg13 : memref<!tpu.dma_semaphore, #tpu.memory_space<semaphore_mem>>) src(%dma_wait3A_182 : memref<10240x128xf32, #tpu.memory_space<hbm>>) dst(%arg10 : memref<128x128xf32, #tpu.memory_space<vmem>>)
      %dma_wait3A_183 = arith.constant 0 : i32
      %dma_wait3A_184 = arith.constant 0 : i32
      %dma_wait3A_185 = tpu.memref_slice %arg7[%dma_wait3A_183, %dma_wait3A_184] : memref<4x128xi32, #tpu.memory_space<vmem>> -> memref<1x128xi32, #tpu.memory_space<vmem>>
      %dma_wait3A_186 = tpu.memref_squeeze %dma_wait3A_185 : memref<1x128xi32, #tpu.memory_space<vmem>> -> memref<128xi32, #tpu.memory_space<vmem>>
      %dma_wait3A_187 = arith.constant 0 : i32
      %dma_wait3A_188 = arith.constant 0 : i32
      %dma_wait3A_189 = tpu.memref_slice %arg12[%dma_wait3A_187, %dma_wait3A_188] : memref<10240x128xf32, #tpu.memory_space<vmem_shared>> -> memref<10240x128xf32, #tpu.memory_space<vmem_shared>>
      tpu.wait_indirect_dma semaphore(%arg16 : memref<!tpu.dma_semaphore, #tpu.memory_space<semaphore_mem>>) src(%arg11 : memref<128x128xf32, #tpu.memory_space<vmem>>) dst(%dma_wait3A_189 : memref<10240x128xf32, #tpu.memory_space<vmem_shared>>)
      %dma_start3A_190 = arith.constant 1 : i32
      %dma_start3A_191 = arith.constant 0 : i32
      %dma_start3A_192 = tpu.memref_slice %arg6[%dma_start3A_190, %dma_start3A_191] : memref<4x128xi32, #tpu.memory_space<vmem>> -> memref<1x128xi32, #tpu.memory_space<vmem>>
      %dma_start3A_193 = tpu.memref_squeeze %dma_start3A_192 : memref<1x128xi32, #tpu.memory_space<vmem>> -> memref<128xi32, #tpu.memory_space<vmem>>
      %dma_start3A_194 = arith.constant 0 : i32
      %dma_start3A_195 = arith.constant 0 : i32
      %dma_start3A_196 = tpu.memref_slice %arg2[%dma_start3A_194, %dma_start3A_195] : memref<10240x128xf32, #tpu.memory_space<hbm>> -> memref<10240x128xf32, #tpu.memory_space<hbm>>
      tpu.enqueue_indirect_dma source(%dma_start3A_196 : memref<10240x128xf32, #tpu.memory_space<hbm>>) target(%arg11 : memref<128x128xf32, #tpu.memory_space<vmem>>) offsets(%dma_start3A_193 : memref<128xi32, #tpu.memory_space<vmem>>) semaphore(%arg14 : memref<!tpu.dma_semaphore, #tpu.memory_space<semaphore_mem>>)
      %dma_start3A_197 = arith.constant 0 : i32
      %dma_start3A_198 = arith.constant 0 : i32
      %dma_start3A_199 = tpu.memref_slice %arg7[%dma_start3A_197, %dma_start3A_198] : memref<4x128xi32, #tpu.memory_space<vmem>> -> memref<1x128xi32, #tpu.memory_space<vmem>>
      %dma_start3A_200 = tpu.memref_squeeze %dma_start3A_199 : memref<1x128xi32, #tpu.memory_space<vmem>> -> memref<128xi32, #tpu.memory_space<vmem>>
      %dma_start3A_201 = arith.constant 0 : i32
      %dma_start3A_202 = arith.constant 0 : i32
      %dma_start3A_203 = tpu.memref_slice %arg12[%dma_start3A_201, %dma_start3A_202] : memref<10240x128xf32, #tpu.memory_space<vmem_shared>> -> memref<10240x128xf32, #tpu.memory_space<vmem_shared>>
      tpu.enqueue_indirect_dma source(%arg10 : memref<128x128xf32, #tpu.memory_space<vmem>>) target(%dma_start3A_203 : memref<10240x128xf32, #tpu.memory_space<vmem_shared>>) offsets(%dma_start3A_200 : memref<128xi32, #tpu.memory_space<vmem>>) semaphore(%arg15 : memref<!tpu.dma_semaphore, #tpu.memory_space<semaphore_mem>>) {add = true}
      %dma_wait3A_204 = arith.constant 1 : i32
      %dma_wait3A_205 = arith.constant 0 : i32
      %dma_wait3A_206 = tpu.memref_slice %arg6[%dma_wait3A_204, %dma_wait3A_205] : memref<4x128xi32, #tpu.memory_space<vmem>> -> memref<1x128xi32, #tpu.memory_space<vmem>>
      %dma_wait3A_207 = tpu.memref_squeeze %dma_wait3A_206 : memref<1x128xi32, #tpu.memory_space<vmem>> -> memref<128xi32, #tpu.memory_space<vmem>>
      %dma_wait3A_208 = arith.constant 0 : i32
      %dma_wait3A_209 = arith.constant 0 : i32
      %dma_wait3A_210 = tpu.memref_slice %arg2[%dma_wait3A_208, %dma_wait3A_209] : memref<10240x128xf32, #tpu.memory_space<hbm>> -> memref<10240x128xf32, #tpu.memory_space<hbm>>
      tpu.wait_indirect_dma semaphore(%arg14 : memref<!tpu.dma_semaphore, #tpu.memory_space<semaphore_mem>>) src(%dma_wait3A_210 : memref<10240x128xf32, #tpu.memory_space<hbm>>) dst(%arg11 : memref<128x128xf32, #tpu.memory_space<vmem>>)
      %dma_wait3A_211 = arith.constant 1 : i32
      %dma_wait3A_212 = arith.constant 0 : i32
      %dma_wait3A_213 = tpu.memref_slice %arg7[%dma_wait3A_211, %dma_wait3A_212] : memref<4x128xi32, #tpu.memory_space<vmem>> -> memref<1x128xi32, #tpu.memory_space<vmem>>
      %dma_wait3A_214 = tpu.memref_squeeze %dma_wait3A_213 : memref<1x128xi32, #tpu.memory_space<vmem>> -> memref<128xi32, #tpu.memory_space<vmem>>
      %dma_wait3A_215 = arith.constant 0 : i32
      %dma_wait3A_216 = arith.constant 0 : i32
      %dma_wait3A_217 = tpu.memref_slice %arg12[%dma_wait3A_215, %dma_wait3A_216] : memref<10240x128xf32, #tpu.memory_space<vmem_shared>> -> memref<10240x128xf32, #tpu.memory_space<vmem_shared>>
      tpu.wait_indirect_dma semaphore(%arg15 : memref<!tpu.dma_semaphore, #tpu.memory_space<semaphore_mem>>) src(%arg10 : memref<128x128xf32, #tpu.memory_space<vmem>>) dst(%dma_wait3A_217 : memref<10240x128xf32, #tpu.memory_space<vmem_shared>>)
      %dma_start3A_218 = arith.constant 2 : i32
      %dma_start3A_219 = arith.constant 0 : i32
      %dma_start3A_220 = tpu.memref_slice %arg6[%dma_start3A_218, %dma_start3A_219] : memref<4x128xi32, #tpu.memory_space<vmem>> -> memref<1x128xi32, #tpu.memory_space<vmem>>
      %dma_start3A_221 = tpu.memref_squeeze %dma_start3A_220 : memref<1x128xi32, #tpu.memory_space<vmem>> -> memref<128xi32, #tpu.memory_space<vmem>>
      %dma_start3A_222 = arith.constant 0 : i32
      %dma_start3A_223 = arith.constant 0 : i32
      %dma_start3A_224 = tpu.memref_slice %arg2[%dma_start3A_222, %dma_start3A_223] : memref<10240x128xf32, #tpu.memory_space<hbm>> -> memref<10240x128xf32, #tpu.memory_space<hbm>>
      tpu.enqueue_indirect_dma source(%dma_start3A_224 : memref<10240x128xf32, #tpu.memory_space<hbm>>) target(%arg10 : memref<128x128xf32, #tpu.memory_space<vmem>>) offsets(%dma_start3A_221 : memref<128xi32, #tpu.memory_space<vmem>>) semaphore(%arg13 : memref<!tpu.dma_semaphore, #tpu.memory_space<semaphore_mem>>)
      %dma_start3A_225 = arith.constant 1 : i32
      %dma_start3A_226 = arith.constant 0 : i32
      %dma_start3A_227 = tpu.memref_slice %arg7[%dma_start3A_225, %dma_start3A_226] : memref<4x128xi32, #tpu.memory_space<vmem>> -> memref<1x128xi32, #tpu.memory_space<vmem>>
      %dma_start3A_228 = tpu.memref_squeeze %dma_start3A_227 : memref<1x128xi32, #tpu.memory_space<vmem>> -> memref<128xi32, #tpu.memory_space<vmem>>
      %dma_start3A_229 = arith.constant 0 : i32
      %dma_start3A_230 = arith.constant 0 : i32
      %dma_start3A_231 = tpu.memref_slice %arg12[%dma_start3A_229, %dma_start3A_230] : memref<10240x128xf32, #tpu.memory_space<vmem_shared>> -> memref<10240x128xf32, #tpu.memory_space<vmem_shared>>
      tpu.enqueue_indirect_dma source(%arg11 : memref<128x128xf32, #tpu.memory_space<vmem>>) target(%dma_start3A_231 : memref<10240x128xf32, #tpu.memory_space<vmem_shared>>) offsets(%dma_start3A_228 : memref<128xi32, #tpu.memory_space<vmem>>) semaphore(%arg16 : memref<!tpu.dma_semaphore, #tpu.memory_space<semaphore_mem>>) {add = true}
      %dma_wait3A_232 = arith.constant 2 : i32
      %dma_wait3A_233 = arith.constant 0 : i32
      %dma_wait3A_234 = tpu.memref_slice %arg6[%dma_wait3A_232, %dma_wait3A_233] : memref<4x128xi32, #tpu.memory_space<vmem>> -> memref<1x128xi32, #tpu.memory_space<vmem>>
      %dma_wait3A_235 = tpu.memref_squeeze %dma_wait3A_234 : memref<1x128xi32, #tpu.memory_space<vmem>> -> memref<128xi32, #tpu.memory_space<vmem>>
      %dma_wait3A_236 = arith.constant 0 : i32
      %dma_wait3A_237 = arith.constant 0 : i32
      %dma_wait3A_238 = tpu.memref_slice %arg2[%dma_wait3A_236, %dma_wait3A_237] : memref<10240x128xf32, #tpu.memory_space<hbm>> -> memref<10240x128xf32, #tpu.memory_space<hbm>>
      tpu.wait_indirect_dma semaphore(%arg13 : memref<!tpu.dma_semaphore, #tpu.memory_space<semaphore_mem>>) src(%dma_wait3A_238 : memref<10240x128xf32, #tpu.memory_space<hbm>>) dst(%arg10 : memref<128x128xf32, #tpu.memory_space<vmem>>)
      %dma_wait3A_239 = arith.constant 2 : i32
      %dma_wait3A_240 = arith.constant 0 : i32
      %dma_wait3A_241 = tpu.memref_slice %arg7[%dma_wait3A_239, %dma_wait3A_240] : memref<4x128xi32, #tpu.memory_space<vmem>> -> memref<1x128xi32, #tpu.memory_space<vmem>>
      %dma_wait3A_242 = tpu.memref_squeeze %dma_wait3A_241 : memref<1x128xi32, #tpu.memory_space<vmem>> -> memref<128xi32, #tpu.memory_space<vmem>>
      %dma_wait3A_243 = arith.constant 0 : i32
      %dma_wait3A_244 = arith.constant 0 : i32
      %dma_wait3A_245 = tpu.memref_slice %arg12[%dma_wait3A_243, %dma_wait3A_244] : memref<10240x128xf32, #tpu.memory_space<vmem_shared>> -> memref<10240x128xf32, #tpu.memory_space<vmem_shared>>
      tpu.wait_indirect_dma semaphore(%arg16 : memref<!tpu.dma_semaphore, #tpu.memory_space<semaphore_mem>>) src(%arg11 : memref<128x128xf32, #tpu.memory_space<vmem>>) dst(%dma_wait3A_245 : memref<10240x128xf32, #tpu.memory_space<vmem_shared>>)
      %dma_start3A_246 = arith.constant 3 : i32
      %dma_start3A_247 = arith.constant 0 : i32
      %dma_start3A_248 = tpu.memref_slice %arg6[%dma_start3A_246, %dma_start3A_247] : memref<4x128xi32, #tpu.memory_space<vmem>> -> memref<1x128xi32, #tpu.memory_space<vmem>>
      %dma_start3A_249 = tpu.memref_squeeze %dma_start3A_248 : memref<1x128xi32, #tpu.memory_space<vmem>> -> memref<128xi32, #tpu.memory_space<vmem>>
      %dma_start3A_250 = arith.constant 0 : i32
      %dma_start3A_251 = arith.constant 0 : i32
      %dma_start3A_252 = tpu.memref_slice %arg2[%dma_start3A_250, %dma_start3A_251] : memref<10240x128xf32, #tpu.memory_space<hbm>> -> memref<10240x128xf32, #tpu.memory_space<hbm>>
      tpu.enqueue_indirect_dma source(%dma_start3A_252 : memref<10240x128xf32, #tpu.memory_space<hbm>>) target(%arg11 : memref<128x128xf32, #tpu.memory_space<vmem>>) offsets(%dma_start3A_249 : memref<128xi32, #tpu.memory_space<vmem>>) semaphore(%arg14 : memref<!tpu.dma_semaphore, #tpu.memory_space<semaphore_mem>>)
      %dma_start3A_253 = arith.constant 2 : i32
      %dma_start3A_254 = arith.constant 0 : i32
      %dma_start3A_255 = tpu.memref_slice %arg7[%dma_start3A_253, %dma_start3A_254] : memref<4x128xi32, #tpu.memory_space<vmem>> -> memref<1x128xi32, #tpu.memory_space<vmem>>
      %dma_start3A_256 = tpu.memref_squeeze %dma_start3A_255 : memref<1x128xi32, #tpu.memory_space<vmem>> -> memref<128xi32, #tpu.memory_space<vmem>>
      %dma_start3A_257 = arith.constant 0 : i32
      %dma_start3A_258 = arith.constant 0 : i32
      %dma_start3A_259 = tpu.memref_slice %arg12[%dma_start3A_257, %dma_start3A_258] : memref<10240x128xf32, #tpu.memory_space<vmem_shared>> -> memref<10240x128xf32, #tpu.memory_space<vmem_shared>>
      tpu.enqueue_indirect_dma source(%arg10 : memref<128x128xf32, #tpu.memory_space<vmem>>) target(%dma_start3A_259 : memref<10240x128xf32, #tpu.memory_space<vmem_shared>>) offsets(%dma_start3A_256 : memref<128xi32, #tpu.memory_space<vmem>>) semaphore(%arg15 : memref<!tpu.dma_semaphore, #tpu.memory_space<semaphore_mem>>) {add = true}
      %dma_wait3A_260 = arith.constant 3 : i32
      %dma_wait3A_261 = arith.constant 0 : i32
      %dma_wait3A_262 = tpu.memref_slice %arg6[%dma_wait3A_260, %dma_wait3A_261] : memref<4x128xi32, #tpu.memory_space<vmem>> -> memref<1x128xi32, #tpu.memory_space<vmem>>
      %dma_wait3A_263 = tpu.memref_squeeze %dma_wait3A_262 : memref<1x128xi32, #tpu.memory_space<vmem>> -> memref<128xi32, #tpu.memory_space<vmem>>
      %dma_wait3A_264 = arith.constant 0 : i32
      %dma_wait3A_265 = arith.constant 0 : i32
      %dma_wait3A_266 = tpu.memref_slice %arg2[%dma_wait3A_264, %dma_wait3A_265] : memref<10240x128xf32, #tpu.memory_space<hbm>> -> memref<10240x128xf32, #tpu.memory_space<hbm>>
      tpu.wait_indirect_dma semaphore(%arg14 : memref<!tpu.dma_semaphore, #tpu.memory_space<semaphore_mem>>) src(%dma_wait3A_266 : memref<10240x128xf32, #tpu.memory_space<hbm>>) dst(%arg11 : memref<128x128xf32, #tpu.memory_space<vmem>>)
      %dma_wait3A_267 = arith.constant 3 : i32
      %dma_wait3A_268 = arith.constant 0 : i32
      %dma_wait3A_269 = tpu.memref_slice %arg7[%dma_wait3A_267, %dma_wait3A_268] : memref<4x128xi32, #tpu.memory_space<vmem>> -> memref<1x128xi32, #tpu.memory_space<vmem>>
      %dma_wait3A_270 = tpu.memref_squeeze %dma_wait3A_269 : memref<1x128xi32, #tpu.memory_space<vmem>> -> memref<128xi32, #tpu.memory_space<vmem>>
      %dma_wait3A_271 = arith.constant 0 : i32
      %dma_wait3A_272 = arith.constant 0 : i32
      %dma_wait3A_273 = tpu.memref_slice %arg12[%dma_wait3A_271, %dma_wait3A_272] : memref<10240x128xf32, #tpu.memory_space<vmem_shared>> -> memref<10240x128xf32, #tpu.memory_space<vmem_shared>>
      tpu.wait_indirect_dma semaphore(%arg15 : memref<!tpu.dma_semaphore, #tpu.memory_space<semaphore_mem>>) src(%arg10 : memref<128x128xf32, #tpu.memory_space<vmem>>) dst(%dma_wait3A_273 : memref<10240x128xf32, #tpu.memory_space<vmem_shared>>)
      %mul3A_274 = arith.constant 2 : i32
      %mul3A_275 = arith.muli %mul3A_274, %scan3A_173 : i32
      %add3A_276 = arith.constant 1 : i32
      %add3A_277 = arith.addi %mul3A_275, %add3A_276 : i32
      %dma_wait3A_278 = arith.constant 0 : i32
      %dma_wait3A_279 = arith.constant 0 : i32
      %dma_wait3A_280 = tpu.memref_slice %arg3[%add3A, %add3A_277, %dma_wait3A_278, %dma_wait3A_279] : memref<32x40x4x128xi32, #tpu.memory_space<hbm>> -> memref<1x1x4x128xi32, #tpu.memory_space<hbm>>
      %dma_wait3A_281 = tpu.memref_squeeze %dma_wait3A_280 : memref<1x1x4x128xi32, #tpu.memory_space<hbm>> -> memref<4x128xi32, #tpu.memory_space<hbm>>
      %dma_wait3A_282 = arith.constant 0 : i32
      %dma_wait3A_283 = arith.constant 0 : i32
      %dma_wait3A_284 = tpu.memref_slice %arg3[%add3A, %add3A_277, %dma_wait3A_282, %dma_wait3A_283] : memref<32x40x4x128xi32, #tpu.memory_space<hbm>> -> memref<1x1x4x128xi32, #tpu.memory_space<hbm>>
      %dma_wait3A_285 = tpu.memref_squeeze %dma_wait3A_284 : memref<1x1x4x128xi32, #tpu.memory_space<hbm>> -> memref<4x128xi32, #tpu.memory_space<hbm>>
      tpu.wait_dma2 semaphore(%arg18 : memref<!tpu.dma_semaphore, #tpu.memory_space<semaphore_mem>>) src(%dma_wait3A_285 : memref<4x128xi32, #tpu.memory_space<hbm>>) dst(%arg8 : memref<4x128xi32, #tpu.memory_space<vmem>>)
      %dma_wait3A_286 = arith.constant 0 : i32
      %dma_wait3A_287 = arith.constant 0 : i32
      %dma_wait3A_288 = tpu.memref_slice %arg4[%add3A, %add3A_277, %dma_wait3A_286, %dma_wait3A_287] : memref<32x40x4x128xi32, #tpu.memory_space<hbm>> -> memref<1x1x4x128xi32, #tpu.memory_space<hbm>>
      %dma_wait3A_289 = tpu.memref_squeeze %dma_wait3A_288 : memref<1x1x4x128xi32, #tpu.memory_space<hbm>> -> memref<4x128xi32, #tpu.memory_space<hbm>>
      %dma_wait3A_290 = arith.constant 0 : i32
      %dma_wait3A_291 = arith.constant 0 : i32
      %dma_wait3A_292 = tpu.memref_slice %arg4[%add3A, %add3A_277, %dma_wait3A_290, %dma_wait3A_291] : memref<32x40x4x128xi32, #tpu.memory_space<hbm>> -> memref<1x1x4x128xi32, #tpu.memory_space<hbm>>
      %dma_wait3A_293 = tpu.memref_squeeze %dma_wait3A_292 : memref<1x1x4x128xi32, #tpu.memory_space<hbm>> -> memref<4x128xi32, #tpu.memory_space<hbm>>
      tpu.wait_dma2 semaphore(%arg19 : memref<!tpu.dma_semaphore, #tpu.memory_space<semaphore_mem>>) src(%dma_wait3A_293 : memref<4x128xi32, #tpu.memory_space<hbm>>) dst(%arg9 : memref<4x128xi32, #tpu.memory_space<vmem>>)
      %dma_start3A_294 = arith.constant 0 : i32
      %dma_start3A_295 = arith.constant 0 : i32
      %dma_start3A_296 = tpu.memref_slice %arg8[%dma_start3A_294, %dma_start3A_295] : memref<4x128xi32, #tpu.memory_space<vmem>> -> memref<1x128xi32, #tpu.memory_space<vmem>>
      %dma_start3A_297 = tpu.memref_squeeze %dma_start3A_296 : memref<1x128xi32, #tpu.memory_space<vmem>> -> memref<128xi32, #tpu.memory_space<vmem>>
      %dma_start3A_298 = arith.constant 0 : i32
      %dma_start3A_299 = arith.constant 0 : i32
      %dma_start3A_300 = tpu.memref_slice %arg2[%dma_start3A_298, %dma_start3A_299] : memref<10240x128xf32, #tpu.memory_space<hbm>> -> memref<10240x128xf32, #tpu.memory_space<hbm>>
      tpu.enqueue_indirect_dma source(%dma_start3A_300 : memref<10240x128xf32, #tpu.memory_space<hbm>>) target(%arg10 : memref<128x128xf32, #tpu.memory_space<vmem>>) offsets(%dma_start3A_297 : memref<128xi32, #tpu.memory_space<vmem>>) semaphore(%arg13 : memref<!tpu.dma_semaphore, #tpu.memory_space<semaphore_mem>>)
      %dma_start3A_301 = arith.constant 3 : i32
      %dma_start3A_302 = arith.constant 0 : i32
      %dma_start3A_303 = tpu.memref_slice %arg7[%dma_start3A_301, %dma_start3A_302] : memref<4x128xi32, #tpu.memory_space<vmem>> -> memref<1x128xi32, #tpu.memory_space<vmem>>
      %dma_start3A_304 = tpu.memref_squeeze %dma_start3A_303 : memref<1x128xi32, #tpu.memory_space<vmem>> -> memref<128xi32, #tpu.memory_space<vmem>>
      %dma_start3A_305 = arith.constant 0 : i32
      %dma_start3A_306 = arith.constant 0 : i32
      %dma_start3A_307 = tpu.memref_slice %arg12[%dma_start3A_305, %dma_start3A_306] : memref<10240x128xf32, #tpu.memory_space<vmem_shared>> -> memref<10240x128xf32, #tpu.memory_space<vmem_shared>>
      tpu.enqueue_indirect_dma source(%arg11 : memref<128x128xf32, #tpu.memory_space<vmem>>) target(%dma_start3A_307 : memref<10240x128xf32, #tpu.memory_space<vmem_shared>>) offsets(%dma_start3A_304 : memref<128xi32, #tpu.memory_space<vmem>>) semaphore(%arg16 : memref<!tpu.dma_semaphore, #tpu.memory_space<semaphore_mem>>) {add = true}
      %convert_element_type3A = arith.extui %lt3A_175 : i1 to i32
      %cond3A = arith.constant 0 : i32
      %cond3A_308 = arith.cmpi ne, %convert_element_type3A, %cond3A : i32
      scf.if %cond3A_308 {
        %mul3A_421 = arith.constant 2 : i32
        %mul3A_422 = arith.muli %mul3A_421, %scan3A_173 : i32
        %add3A_423 = arith.constant 2 : i32
        %add3A_424 = arith.addi %mul3A_422, %add3A_423 : i32
        %dma_start3A_425 = arith.constant 0 : i32
        %dma_start3A_426 = arith.constant 0 : i32
        %dma_start3A_427 = tpu.memref_slice %arg3[%add3A, %add3A_424, %dma_start3A_425, %dma_start3A_426] : memref<32x40x4x128xi32, #tpu.memory_space<hbm>> -> memref<1x1x4x128xi32, #tpu.memory_space<hbm>>
        %dma_start3A_428 = tpu.memref_squeeze %dma_start3A_427 : memref<1x1x4x128xi32, #tpu.memory_space<hbm>> -> memref<4x128xi32, #tpu.memory_space<hbm>>
        %dma_start3A_429 = arith.constant 0 : i32
        %dma_start3A_430 = arith.constant 0 : i32
        %dma_start3A_431 = tpu.memref_slice %arg3[%add3A, %add3A_424, %dma_start3A_429, %dma_start3A_430] : memref<32x40x4x128xi32, #tpu.memory_space<hbm>> -> memref<1x1x4x128xi32, #tpu.memory_space<hbm>>
        %dma_start3A_432 = tpu.memref_squeeze %dma_start3A_431 : memref<1x1x4x128xi32, #tpu.memory_space<hbm>> -> memref<4x128xi32, #tpu.memory_space<hbm>>
        tpu.enqueue_dma source(%dma_start3A_432 : memref<4x128xi32, #tpu.memory_space<hbm>>) target(%arg6 : memref<4x128xi32, #tpu.memory_space<vmem>>) target_semaphore(%arg18 : memref<!tpu.dma_semaphore, #tpu.memory_space<semaphore_mem>>)
        %dma_start3A_433 = arith.constant 0 : i32
        %dma_start3A_434 = arith.constant 0 : i32
        %dma_start3A_435 = tpu.memref_slice %arg4[%add3A, %add3A_424, %dma_start3A_433, %dma_start3A_434] : memref<32x40x4x128xi32, #tpu.memory_space<hbm>> -> memref<1x1x4x128xi32, #tpu.memory_space<hbm>>
        %dma_start3A_436 = tpu.memref_squeeze %dma_start3A_435 : memref<1x1x4x128xi32, #tpu.memory_space<hbm>> -> memref<4x128xi32, #tpu.memory_space<hbm>>
        %dma_start3A_437 = arith.constant 0 : i32
        %dma_start3A_438 = arith.constant 0 : i32
        %dma_start3A_439 = tpu.memref_slice %arg4[%add3A, %add3A_424, %dma_start3A_437, %dma_start3A_438] : memref<32x40x4x128xi32, #tpu.memory_space<hbm>> -> memref<1x1x4x128xi32, #tpu.memory_space<hbm>>
        %dma_start3A_440 = tpu.memref_squeeze %dma_start3A_439 : memref<1x1x4x128xi32, #tpu.memory_space<hbm>> -> memref<4x128xi32, #tpu.memory_space<hbm>>
        tpu.enqueue_dma source(%dma_start3A_440 : memref<4x128xi32, #tpu.memory_space<hbm>>) target(%arg7 : memref<4x128xi32, #tpu.memory_space<vmem>>) target_semaphore(%arg19 : memref<!tpu.dma_semaphore, #tpu.memory_space<semaphore_mem>>)
      } else {
      }
      %dma_wait3A_309 = arith.constant 0 : i32
      %dma_wait3A_310 = arith.constant 0 : i32
      %dma_wait3A_311 = tpu.memref_slice %arg8[%dma_wait3A_309, %dma_wait3A_310] : memref<4x128xi32, #tpu.memory_space<vmem>> -> memref<1x128xi32, #tpu.memory_space<vmem>>
      %dma_wait3A_312 = tpu.memref_squeeze %dma_wait3A_311 : memref<1x128xi32, #tpu.memory_space<vmem>> -> memref<128xi32, #tpu.memory_space<vmem>>
      %dma_wait3A_313 = arith.constant 0 : i32
      %dma_wait3A_314 = arith.constant 0 : i32
      %dma_wait3A_315 = tpu.memref_slice %arg2[%dma_wait3A_313, %dma_wait3A_314] : memref<10240x128xf32, #tpu.memory_space<hbm>> -> memref<10240x128xf32, #tpu.memory_space<hbm>>
      tpu.wait_indirect_dma semaphore(%arg13 : memref<!tpu.dma_semaphore, #tpu.memory_space<semaphore_mem>>) src(%dma_wait3A_315 : memref<10240x128xf32, #tpu.memory_space<hbm>>) dst(%arg10 : memref<128x128xf32, #tpu.memory_space<vmem>>)
      %dma_wait3A_316 = arith.constant 0 : i32
      %dma_wait3A_317 = arith.constant 0 : i32
      %dma_wait3A_318 = tpu.memref_slice %arg9[%dma_wait3A_316, %dma_wait3A_317] : memref<4x128xi32, #tpu.memory_space<vmem>> -> memref<1x128xi32, #tpu.memory_space<vmem>>
      %dma_wait3A_319 = tpu.memref_squeeze %dma_wait3A_318 : memref<1x128xi32, #tpu.memory_space<vmem>> -> memref<128xi32, #tpu.memory_space<vmem>>
      %dma_wait3A_320 = arith.constant 0 : i32
      %dma_wait3A_321 = arith.constant 0 : i32
      %dma_wait3A_322 = tpu.memref_slice %arg12[%dma_wait3A_320, %dma_wait3A_321] : memref<10240x128xf32, #tpu.memory_space<vmem_shared>> -> memref<10240x128xf32, #tpu.memory_space<vmem_shared>>
      tpu.wait_indirect_dma semaphore(%arg16 : memref<!tpu.dma_semaphore, #tpu.memory_space<semaphore_mem>>) src(%arg11 : memref<128x128xf32, #tpu.memory_space<vmem>>) dst(%dma_wait3A_322 : memref<10240x128xf32, #tpu.memory_space<vmem_shared>>)
      %dma_start3A_323 = arith.constant 1 : i32
      %dma_start3A_324 = arith.constant 0 : i32
      %dma_start3A_325 = tpu.memref_slice %arg8[%dma_start3A_323, %dma_start3A_324] : memref<4x128xi32, #tpu.memory_space<vmem>> -> memref<1x128xi32, #tpu.memory_space<vmem>>
      %dma_start3A_326 = tpu.memref_squeeze %dma_start3A_325 : memref<1x128xi32, #tpu.memory_space<vmem>> -> memref<128xi32, #tpu.memory_space<vmem>>
      %dma_start3A_327 = arith.constant 0 : i32
      %dma_start3A_328 = arith.constant 0 : i32
      %dma_start3A_329 = tpu.memref_slice %arg2[%dma_start3A_327, %dma_start3A_328] : memref<10240x128xf32, #tpu.memory_space<hbm>> -> memref<10240x128xf32, #tpu.memory_space<hbm>>
      tpu.enqueue_indirect_dma source(%dma_start3A_329 : memref<10240x128xf32, #tpu.memory_space<hbm>>) target(%arg11 : memref<128x128xf32, #tpu.memory_space<vmem>>) offsets(%dma_start3A_326 : memref<128xi32, #tpu.memory_space<vmem>>) semaphore(%arg14 : memref<!tpu.dma_semaphore, #tpu.memory_space<semaphore_mem>>)
      %dma_start3A_330 = arith.constant 0 : i32
      %dma_start3A_331 = arith.constant 0 : i32
      %dma_start3A_332 = tpu.memref_slice %arg9[%dma_start3A_330, %dma_start3A_331] : memref<4x128xi32, #tpu.memory_space<vmem>> -> memref<1x128xi32, #tpu.memory_space<vmem>>
      %dma_start3A_333 = tpu.memref_squeeze %dma_start3A_332 : memref<1x128xi32, #tpu.memory_space<vmem>> -> memref<128xi32, #tpu.memory_space<vmem>>
      %dma_start3A_334 = arith.constant 0 : i32
      %dma_start3A_335 = arith.constant 0 : i32
      %dma_start3A_336 = tpu.memref_slice %arg12[%dma_start3A_334, %dma_start3A_335] : memref<10240x128xf32, #tpu.memory_space<vmem_shared>> -> memref<10240x128xf32, #tpu.memory_space<vmem_shared>>
      tpu.enqueue_indirect_dma source(%arg10 : memref<128x128xf32, #tpu.memory_space<vmem>>) target(%dma_start3A_336 : memref<10240x128xf32, #tpu.memory_space<vmem_shared>>) offsets(%dma_start3A_333 : memref<128xi32, #tpu.memory_space<vmem>>) semaphore(%arg15 : memref<!tpu.dma_semaphore, #tpu.memory_space<semaphore_mem>>) {add = true}
      %dma_wait3A_337 = arith.constant 1 : i32
      %dma_wait3A_338 = arith.constant 0 : i32
      %dma_wait3A_339 = tpu.memref_slice %arg8[%dma_wait3A_337, %dma_wait3A_338] : memref<4x128xi32, #tpu.memory_space<vmem>> -> memref<1x128xi32, #tpu.memory_space<vmem>>
      %dma_wait3A_340 = tpu.memref_squeeze %dma_wait3A_339 : memref<1x128xi32, #tpu.memory_space<vmem>> -> memref<128xi32, #tpu.memory_space<vmem>>
      %dma_wait3A_341 = arith.constant 0 : i32
      %dma_wait3A_342 = arith.constant 0 : i32
      %dma_wait3A_343 = tpu.memref_slice %arg2[%dma_wait3A_341, %dma_wait3A_342] : memref<10240x128xf32, #tpu.memory_space<hbm>> -> memref<10240x128xf32, #tpu.memory_space<hbm>>
      tpu.wait_indirect_dma semaphore(%arg14 : memref<!tpu.dma_semaphore, #tpu.memory_space<semaphore_mem>>) src(%dma_wait3A_343 : memref<10240x128xf32, #tpu.memory_space<hbm>>) dst(%arg11 : memref<128x128xf32, #tpu.memory_space<vmem>>)
      %dma_wait3A_344 = arith.constant 1 : i32
      %dma_wait3A_345 = arith.constant 0 : i32
      %dma_wait3A_346 = tpu.memref_slice %arg9[%dma_wait3A_344, %dma_wait3A_345] : memref<4x128xi32, #tpu.memory_space<vmem>> -> memref<1x128xi32, #tpu.memory_space<vmem>>
      %dma_wait3A_347 = tpu.memref_squeeze %dma_wait3A_346 : memref<1x128xi32, #tpu.memory_space<vmem>> -> memref<128xi32, #tpu.memory_space<vmem>>
      %dma_wait3A_348 = arith.constant 0 : i32
      %dma_wait3A_349 = arith.constant 0 : i32
      %dma_wait3A_350 = tpu.memref_slice %arg12[%dma_wait3A_348, %dma_wait3A_349] : memref<10240x128xf32, #tpu.memory_space<vmem_shared>> -> memref<10240x128xf32, #tpu.memory_space<vmem_shared>>
      tpu.wait_indirect_dma semaphore(%arg15 : memref<!tpu.dma_semaphore, #tpu.memory_space<semaphore_mem>>) src(%arg10 : memref<128x128xf32, #tpu.memory_space<vmem>>) dst(%dma_wait3A_350 : memref<10240x128xf32, #tpu.memory_space<vmem_shared>>)
      %dma_start3A_351 = arith.constant 2 : i32
      %dma_start3A_352 = arith.constant 0 : i32
      %dma_start3A_353 = tpu.memref_slice %arg8[%dma_start3A_351, %dma_start3A_352] : memref<4x128xi32, #tpu.memory_space<vmem>> -> memref<1x128xi32, #tpu.memory_space<vmem>>
      %dma_start3A_354 = tpu.memref_squeeze %dma_start3A_353 : memref<1x128xi32, #tpu.memory_space<vmem>> -> memref<128xi32, #tpu.memory_space<vmem>>
      %dma_start3A_355 = arith.constant 0 : i32
      %dma_start3A_356 = arith.constant 0 : i32
      %dma_start3A_357 = tpu.memref_slice %arg2[%dma_start3A_355, %dma_start3A_356] : memref<10240x128xf32, #tpu.memory_space<hbm>> -> memref<10240x128xf32, #tpu.memory_space<hbm>>
      tpu.enqueue_indirect_dma source(%dma_start3A_357 : memref<10240x128xf32, #tpu.memory_space<hbm>>) target(%arg10 : memref<128x128xf32, #tpu.memory_space<vmem>>) offsets(%dma_start3A_354 : memref<128xi32, #tpu.memory_space<vmem>>) semaphore(%arg13 : memref<!tpu.dma_semaphore, #tpu.memory_space<semaphore_mem>>)
      %dma_start3A_358 = arith.constant 1 : i32
      %dma_start3A_359 = arith.constant 0 : i32
      %dma_start3A_360 = tpu.memref_slice %arg9[%dma_start3A_358, %dma_start3A_359] : memref<4x128xi32, #tpu.memory_space<vmem>> -> memref<1x128xi32, #tpu.memory_space<vmem>>
      %dma_start3A_361 = tpu.memref_squeeze %dma_start3A_360 : memref<1x128xi32, #tpu.memory_space<vmem>> -> memref<128xi32, #tpu.memory_space<vmem>>
      %dma_start3A_362 = arith.constant 0 : i32
      %dma_start3A_363 = arith.constant 0 : i32
      %dma_start3A_364 = tpu.memref_slice %arg12[%dma_start3A_362, %dma_start3A_363] : memref<10240x128xf32, #tpu.memory_space<vmem_shared>> -> memref<10240x128xf32, #tpu.memory_space<vmem_shared>>
      tpu.enqueue_indirect_dma source(%arg11 : memref<128x128xf32, #tpu.memory_space<vmem>>) target(%dma_start3A_364 : memref<10240x128xf32, #tpu.memory_space<vmem_shared>>) offsets(%dma_start3A_361 : memref<128xi32, #tpu.memory_space<vmem>>) semaphore(%arg16 : memref<!tpu.dma_semaphore, #tpu.memory_space<semaphore_mem>>) {add = true}
      %dma_wait3A_365 = arith.constant 2 : i32
      %dma_wait3A_366 = arith.constant 0 : i32
      %dma_wait3A_367 = tpu.memref_slice %arg8[%dma_wait3A_365, %dma_wait3A_366] : memref<4x128xi32, #tpu.memory_space<vmem>> -> memref<1x128xi32, #tpu.memory_space<vmem>>
      %dma_wait3A_368 = tpu.memref_squeeze %dma_wait3A_367 : memref<1x128xi32, #tpu.memory_space<vmem>> -> memref<128xi32, #tpu.memory_space<vmem>>
      %dma_wait3A_369 = arith.constant 0 : i32
      %dma_wait3A_370 = arith.constant 0 : i32
      %dma_wait3A_371 = tpu.memref_slice %arg2[%dma_wait3A_369, %dma_wait3A_370] : memref<10240x128xf32, #tpu.memory_space<hbm>> -> memref<10240x128xf32, #tpu.memory_space<hbm>>
      tpu.wait_indirect_dma semaphore(%arg13 : memref<!tpu.dma_semaphore, #tpu.memory_space<semaphore_mem>>) src(%dma_wait3A_371 : memref<10240x128xf32, #tpu.memory_space<hbm>>) dst(%arg10 : memref<128x128xf32, #tpu.memory_space<vmem>>)
      %dma_wait3A_372 = arith.constant 2 : i32
      %dma_wait3A_373 = arith.constant 0 : i32
      %dma_wait3A_374 = tpu.memref_slice %arg9[%dma_wait3A_372, %dma_wait3A_373] : memref<4x128xi32, #tpu.memory_space<vmem>> -> memref<1x128xi32, #tpu.memory_space<vmem>>
      %dma_wait3A_375 = tpu.memref_squeeze %dma_wait3A_374 : memref<1x128xi32, #tpu.memory_space<vmem>> -> memref<128xi32, #tpu.memory_space<vmem>>
      %dma_wait3A_376 = arith.constant 0 : i32
      %dma_wait3A_377 = arith.constant 0 : i32
      %dma_wait3A_378 = tpu.memref_slice %arg12[%dma_wait3A_376, %dma_wait3A_377] : memref<10240x128xf32, #tpu.memory_space<vmem_shared>> -> memref<10240x128xf32, #tpu.memory_space<vmem_shared>>
      tpu.wait_indirect_dma semaphore(%arg16 : memref<!tpu.dma_semaphore, #tpu.memory_space<semaphore_mem>>) src(%arg11 : memref<128x128xf32, #tpu.memory_space<vmem>>) dst(%dma_wait3A_378 : memref<10240x128xf32, #tpu.memory_space<vmem_shared>>)
      %dma_start3A_379 = arith.constant 3 : i32
      %dma_start3A_380 = arith.constant 0 : i32
      %dma_start3A_381 = tpu.memref_slice %arg8[%dma_start3A_379, %dma_start3A_380] : memref<4x128xi32, #tpu.memory_space<vmem>> -> memref<1x128xi32, #tpu.memory_space<vmem>>
      %dma_start3A_382 = tpu.memref_squeeze %dma_start3A_381 : memref<1x128xi32, #tpu.memory_space<vmem>> -> memref<128xi32, #tpu.memory_space<vmem>>
      %dma_start3A_383 = arith.constant 0 : i32
      %dma_start3A_384 = arith.constant 0 : i32
      %dma_start3A_385 = tpu.memref_slice %arg2[%dma_start3A_383, %dma_start3A_384] : memref<10240x128xf32, #tpu.memory_space<hbm>> -> memref<10240x128xf32, #tpu.memory_space<hbm>>
      tpu.enqueue_indirect_dma source(%dma_start3A_385 : memref<10240x128xf32, #tpu.memory_space<hbm>>) target(%arg11 : memref<128x128xf32, #tpu.memory_space<vmem>>) offsets(%dma_start3A_382 : memref<128xi32, #tpu.memory_space<vmem>>) semaphore(%arg14 : memref<!tpu.dma_semaphore, #tpu.memory_space<semaphore_mem>>)
      %dma_start3A_386 = arith.constant 2 : i32
      %dma_start3A_387 = arith.constant 0 : i32
      %dma_start3A_388 = tpu.memref_slice %arg9[%dma_start3A_386, %dma_start3A_387] : memref<4x128xi32, #tpu.memory_space<vmem>> -> memref<1x128xi32, #tpu.memory_space<vmem>>
      %dma_start3A_389 = tpu.memref_squeeze %dma_start3A_388 : memref<1x128xi32, #tpu.memory_space<vmem>> -> memref<128xi32, #tpu.memory_space<vmem>>
      %dma_start3A_390 = arith.constant 0 : i32
      %dma_start3A_391 = arith.constant 0 : i32
      %dma_start3A_392 = tpu.memref_slice %arg12[%dma_start3A_390, %dma_start3A_391] : memref<10240x128xf32, #tpu.memory_space<vmem_shared>> -> memref<10240x128xf32, #tpu.memory_space<vmem_shared>>
      tpu.enqueue_indirect_dma source(%arg10 : memref<128x128xf32, #tpu.memory_space<vmem>>) target(%dma_start3A_392 : memref<10240x128xf32, #tpu.memory_space<vmem_shared>>) offsets(%dma_start3A_389 : memref<128xi32, #tpu.memory_space<vmem>>) semaphore(%arg15 : memref<!tpu.dma_semaphore, #tpu.memory_space<semaphore_mem>>) {add = true}
      %dma_wait3A_393 = arith.constant 3 : i32
      %dma_wait3A_394 = arith.constant 0 : i32
      %dma_wait3A_395 = tpu.memref_slice %arg8[%dma_wait3A_393, %dma_wait3A_394] : memref<4x128xi32, #tpu.memory_space<vmem>> -> memref<1x128xi32, #tpu.memory_space<vmem>>
      %dma_wait3A_396 = tpu.memref_squeeze %dma_wait3A_395 : memref<1x128xi32, #tpu.memory_space<vmem>> -> memref<128xi32, #tpu.memory_space<vmem>>
      %dma_wait3A_397 = arith.constant 0 : i32
      %dma_wait3A_398 = arith.constant 0 : i32
      %dma_wait3A_399 = tpu.memref_slice %arg2[%dma_wait3A_397, %dma_wait3A_398] : memref<10240x128xf32, #tpu.memory_space<hbm>> -> memref<10240x128xf32, #tpu.memory_space<hbm>>
      tpu.wait_indirect_dma semaphore(%arg14 : memref<!tpu.dma_semaphore, #tpu.memory_space<semaphore_mem>>) src(%dma_wait3A_399 : memref<10240x128xf32, #tpu.memory_space<hbm>>) dst(%arg11 : memref<128x128xf32, #tpu.memory_space<vmem>>)
      %dma_wait3A_400 = arith.constant 3 : i32
      %dma_wait3A_401 = arith.constant 0 : i32
      %dma_wait3A_402 = tpu.memref_slice %arg9[%dma_wait3A_400, %dma_wait3A_401] : memref<4x128xi32, #tpu.memory_space<vmem>> -> memref<1x128xi32, #tpu.memory_space<vmem>>
      %dma_wait3A_403 = tpu.memref_squeeze %dma_wait3A_402 : memref<1x128xi32, #tpu.memory_space<vmem>> -> memref<128xi32, #tpu.memory_space<vmem>>
      %dma_wait3A_404 = arith.constant 0 : i32
      %dma_wait3A_405 = arith.constant 0 : i32
      %dma_wait3A_406 = tpu.memref_slice %arg12[%dma_wait3A_404, %dma_wait3A_405] : memref<10240x128xf32, #tpu.memory_space<vmem_shared>> -> memref<10240x128xf32, #tpu.memory_space<vmem_shared>>
      tpu.wait_indirect_dma semaphore(%arg15 : memref<!tpu.dma_semaphore, #tpu.memory_space<semaphore_mem>>) src(%arg10 : memref<128x128xf32, #tpu.memory_space<vmem>>) dst(%dma_wait3A_406 : memref<10240x128xf32, #tpu.memory_space<vmem_shared>>)
      %convert_element_type3A_407 = arith.extui %lt3A_175 : i1 to i32
      %cond3A_408 = arith.constant 0 : i32
      %cond3A_409 = arith.cmpi ne, %convert_element_type3A_407, %cond3A_408 : i32
      scf.if %cond3A_409 {
        %mul3A_421 = arith.constant 2 : i32
        %mul3A_422 = arith.muli %mul3A_421, %scan3A_173 : i32
        %add3A_423 = arith.constant 2 : i32
        %add3A_424 = arith.addi %mul3A_422, %add3A_423 : i32
        %dma_wait3A_425 = arith.constant 0 : i32
        %dma_wait3A_426 = arith.constant 0 : i32
        %dma_wait3A_427 = tpu.memref_slice %arg3[%add3A, %add3A_424, %dma_wait3A_425, %dma_wait3A_426] : memref<32x40x4x128xi32, #tpu.memory_space<hbm>> -> memref<1x1x4x128xi32, #tpu.memory_space<hbm>>
        %dma_wait3A_428 = tpu.memref_squeeze %dma_wait3A_427 : memref<1x1x4x128xi32, #tpu.memory_space<hbm>> -> memref<4x128xi32, #tpu.memory_space<hbm>>
        %dma_wait3A_429 = arith.constant 0 : i32
        %dma_wait3A_430 = arith.constant 0 : i32
        %dma_wait3A_431 = tpu.memref_slice %arg3[%add3A, %add3A_424, %dma_wait3A_429, %dma_wait3A_430] : memref<32x40x4x128xi32, #tpu.memory_space<hbm>> -> memref<1x1x4x128xi32, #tpu.memory_space<hbm>>
        %dma_wait3A_432 = tpu.memref_squeeze %dma_wait3A_431 : memref<1x1x4x128xi32, #tpu.memory_space<hbm>> -> memref<4x128xi32, #tpu.memory_space<hbm>>
        tpu.wait_dma2 semaphore(%arg18 : memref<!tpu.dma_semaphore, #tpu.memory_space<semaphore_mem>>) src(%dma_wait3A_432 : memref<4x128xi32, #tpu.memory_space<hbm>>) dst(%arg6 : memref<4x128xi32, #tpu.memory_space<vmem>>)
        %dma_wait3A_433 = arith.constant 0 : i32
        %dma_wait3A_434 = arith.constant 0 : i32
        %dma_wait3A_435 = tpu.memref_slice %arg4[%add3A, %add3A_424, %dma_wait3A_433, %dma_wait3A_434] : memref<32x40x4x128xi32, #tpu.memory_space<hbm>> -> memref<1x1x4x128xi32, #tpu.memory_space<hbm>>
        %dma_wait3A_436 = tpu.memref_squeeze %dma_wait3A_435 : memref<1x1x4x128xi32, #tpu.memory_space<hbm>> -> memref<4x128xi32, #tpu.memory_space<hbm>>
        %dma_wait3A_437 = arith.constant 0 : i32
        %dma_wait3A_438 = arith.constant 0 : i32
        %dma_wait3A_439 = tpu.memref_slice %arg4[%add3A, %add3A_424, %dma_wait3A_437, %dma_wait3A_438] : memref<32x40x4x128xi32, #tpu.memory_space<hbm>> -> memref<1x1x4x128xi32, #tpu.memory_space<hbm>>
        %dma_wait3A_440 = tpu.memref_squeeze %dma_wait3A_439 : memref<1x1x4x128xi32, #tpu.memory_space<hbm>> -> memref<4x128xi32, #tpu.memory_space<hbm>>
        tpu.wait_dma2 semaphore(%arg19 : memref<!tpu.dma_semaphore, #tpu.memory_space<semaphore_mem>>) src(%dma_wait3A_440 : memref<4x128xi32, #tpu.memory_space<hbm>>) dst(%arg7 : memref<4x128xi32, #tpu.memory_space<vmem>>)
        %dma_start3A_441 = arith.constant 0 : i32
        %dma_start3A_442 = arith.constant 0 : i32
        %dma_start3A_443 = tpu.memref_slice %arg6[%dma_start3A_441, %dma_start3A_442] : memref<4x128xi32, #tpu.memory_space<vmem>> -> memref<1x128xi32, #tpu.memory_space<vmem>>
        %dma_start3A_444 = tpu.memref_squeeze %dma_start3A_443 : memref<1x128xi32, #tpu.memory_space<vmem>> -> memref<128xi32, #tpu.memory_space<vmem>>
        %dma_start3A_445 = arith.constant 0 : i32
        %dma_start3A_446 = arith.constant 0 : i32
        %dma_start3A_447 = tpu.memref_slice %arg2[%dma_start3A_445, %dma_start3A_446] : memref<10240x128xf32, #tpu.memory_space<hbm>> -> memref<10240x128xf32, #tpu.memory_space<hbm>>
        tpu.enqueue_indirect_dma source(%dma_start3A_447 : memref<10240x128xf32, #tpu.memory_space<hbm>>) target(%arg10 : memref<128x128xf32, #tpu.memory_space<vmem>>) offsets(%dma_start3A_444 : memref<128xi32, #tpu.memory_space<vmem>>) semaphore(%arg13 : memref<!tpu.dma_semaphore, #tpu.memory_space<semaphore_mem>>)
      } else {
      }
      %dma_start3A_410 = arith.constant 3 : i32
      %dma_start3A_411 = arith.constant 0 : i32
      %dma_start3A_412 = tpu.memref_slice %arg9[%dma_start3A_410, %dma_start3A_411] : memref<4x128xi32, #tpu.memory_space<vmem>> -> memref<1x128xi32, #tpu.memory_space<vmem>>
      %dma_start3A_413 = tpu.memref_squeeze %dma_start3A_412 : memref<1x128xi32, #tpu.memory_space<vmem>> -> memref<128xi32, #tpu.memory_space<vmem>>
      %dma_start3A_414 = arith.constant 0 : i32
      %dma_start3A_415 = arith.constant 0 : i32
      %dma_start3A_416 = tpu.memref_slice %arg12[%dma_start3A_414, %dma_start3A_415] : memref<10240x128xf32, #tpu.memory_space<vmem_shared>> -> memref<10240x128xf32, #tpu.memory_space<vmem_shared>>
      tpu.enqueue_indirect_dma source(%arg11 : memref<128x128xf32, #tpu.memory_space<vmem>>) target(%dma_start3A_416 : memref<10240x128xf32, #tpu.memory_space<vmem_shared>>) offsets(%dma_start3A_413 : memref<128xi32, #tpu.memory_space<vmem>>) semaphore(%arg16 : memref<!tpu.dma_semaphore, #tpu.memory_space<semaphore_mem>>) {add = true}
      %convert_element_type3A_417 = arith.extui %lt3A_175 : i1 to i32
      %cond3A_418 = arith.constant 0 : i32
      %cond3A_419 = arith.cmpi ne, %convert_element_type3A_417, %cond3A_418 : i32
      scf.if %cond3A_419 {
        %mul3A_421 = arith.constant 2 : i32
        %mul3A_422 = arith.muli %mul3A_421, %scan3A_173 : i32
        %add3A_423 = arith.constant 3 : i32
        %add3A_424 = arith.addi %mul3A_422, %add3A_423 : i32
        %dma_start3A_425 = arith.constant 0 : i32
        %dma_start3A_426 = arith.constant 0 : i32
        %dma_start3A_427 = tpu.memref_slice %arg3[%add3A, %add3A_424, %dma_start3A_425, %dma_start3A_426] : memref<32x40x4x128xi32, #tpu.memory_space<hbm>> -> memref<1x1x4x128xi32, #tpu.memory_space<hbm>>
        %dma_start3A_428 = tpu.memref_squeeze %dma_start3A_427 : memref<1x1x4x128xi32, #tpu.memory_space<hbm>> -> memref<4x128xi32, #tpu.memory_space<hbm>>
        %dma_start3A_429 = arith.constant 0 : i32
        %dma_start3A_430 = arith.constant 0 : i32
        %dma_start3A_431 = tpu.memref_slice %arg3[%add3A, %add3A_424, %dma_start3A_429, %dma_start3A_430] : memref<32x40x4x128xi32, #tpu.memory_space<hbm>> -> memref<1x1x4x128xi32, #tpu.memory_space<hbm>>
        %dma_start3A_432 = tpu.memref_squeeze %dma_start3A_431 : memref<1x1x4x128xi32, #tpu.memory_space<hbm>> -> memref<4x128xi32, #tpu.memory_space<hbm>>
        tpu.enqueue_dma source(%dma_start3A_432 : memref<4x128xi32, #tpu.memory_space<hbm>>) target(%arg8 : memref<4x128xi32, #tpu.memory_space<vmem>>) target_semaphore(%arg18 : memref<!tpu.dma_semaphore, #tpu.memory_space<semaphore_mem>>)
        %dma_start3A_433 = arith.constant 0 : i32
        %dma_start3A_434 = arith.constant 0 : i32
        %dma_start3A_435 = tpu.memref_slice %arg4[%add3A, %add3A_424, %dma_start3A_433, %dma_start3A_434] : memref<32x40x4x128xi32, #tpu.memory_space<hbm>> -> memref<1x1x4x128xi32, #tpu.memory_space<hbm>>
        %dma_start3A_436 = tpu.memref_squeeze %dma_start3A_435 : memref<1x1x4x128xi32, #tpu.memory_space<hbm>> -> memref<4x128xi32, #tpu.memory_space<hbm>>
        %dma_start3A_437 = arith.constant 0 : i32
        %dma_start3A_438 = arith.constant 0 : i32
        %dma_start3A_439 = tpu.memref_slice %arg4[%add3A, %add3A_424, %dma_start3A_437, %dma_start3A_438] : memref<32x40x4x128xi32, #tpu.memory_space<hbm>> -> memref<1x1x4x128xi32, #tpu.memory_space<hbm>>
        %dma_start3A_440 = tpu.memref_squeeze %dma_start3A_439 : memref<1x1x4x128xi32, #tpu.memory_space<hbm>> -> memref<4x128xi32, #tpu.memory_space<hbm>>
        tpu.enqueue_dma source(%dma_start3A_440 : memref<4x128xi32, #tpu.memory_space<hbm>>) target(%arg9 : memref<4x128xi32, #tpu.memory_space<vmem>>) target_semaphore(%arg19 : memref<!tpu.dma_semaphore, #tpu.memory_space<semaphore_mem>>)
      } else {
      }
      %scan3A_420 = arith.constant 0 : i32
      scf.yield %scan3A_420 : i32
    }
    %scan3A_160 = arith.constant 20 : i32
    %dma_wait3A_161 = arith.constant 3 : i32
    %dma_wait3A_162 = arith.constant 0 : i32
    %dma_wait3A_163 = tpu.memref_slice %arg9[%dma_wait3A_161, %dma_wait3A_162] : memref<4x128xi32, #tpu.memory_space<vmem>> -> memref<1x128xi32, #tpu.memory_space<vmem>>
    %dma_wait3A_164 = tpu.memref_squeeze %dma_wait3A_163 : memref<1x128xi32, #tpu.memory_space<vmem>> -> memref<128xi32, #tpu.memory_space<vmem>>
    %dma_wait3A_165 = arith.constant 0 : i32
    %dma_wait3A_166 = arith.constant 0 : i32
    %dma_wait3A_167 = tpu.memref_slice %arg12[%dma_wait3A_165, %dma_wait3A_166] : memref<10240x128xf32, #tpu.memory_space<vmem_shared>> -> memref<10240x128xf32, #tpu.memory_space<vmem_shared>>
    tpu.wait_indirect_dma semaphore(%arg16 : memref<!tpu.dma_semaphore, #tpu.memory_space<semaphore_mem>>) src(%arg11 : memref<128x128xf32, #tpu.memory_space<vmem>>) dst(%dma_wait3A_167 : memref<10240x128xf32, #tpu.memory_space<vmem_shared>>)
    %barrier3A_168 = arith.constant 0 : index
    tpu.barrier barrier_id(%barrier3A_168)
    %mul3A_169 = arith.constant 640 : i32
    %mul3A_170 = arith.muli %arg1, %mul3A_169 : i32
    %mul3A_171 = arith.constant 640 : i32
    %mul3A_172 = arith.muli %arg1, %mul3A_171 : i32
    "tpu.region"() ({
      %run_scoped3A = tpu.sem_alloc : memref<!tpu.dma_semaphore, #tpu.memory_space<semaphore_mem>>
      %dma_start3A_173 = arith.constant 0 : i32
      %dma_start3A_174 = tpu.memref_slice %arg5[%arg0, %mul3A_172, %dma_start3A_173] : memref<2x10240x128xf32, #tpu.memory_space<hbm>> -> memref<1x640x128xf32, #tpu.memory_space<hbm>>
      %dma_start3A_175 = tpu.memref_squeeze %dma_start3A_174 : memref<1x640x128xf32, #tpu.memory_space<hbm>> -> memref<640x128xf32, #tpu.memory_space<hbm>>
      %dma_start3A_176 = arith.constant 0 : i32
      %dma_start3A_177 = tpu.memref_slice %arg12[%mul3A_170, %dma_start3A_176] : memref<10240x128xf32, #tpu.memory_space<vmem_shared>> -> memref<640x128xf32, #tpu.memory_space<vmem_shared>>
      tpu.enqueue_dma source(%dma_start3A_177 : memref<640x128xf32, #tpu.memory_space<vmem_shared>>) target(%dma_start3A_175 : memref<640x128xf32, #tpu.memory_space<hbm>>) target_semaphore(%run_scoped3A : memref<!tpu.dma_semaphore, #tpu.memory_space<semaphore_mem>>)
      %dma_wait3A_178 = arith.constant 0 : i32
      %dma_wait3A_179 = tpu.memref_slice %arg5[%arg0, %mul3A_172, %dma_wait3A_178] : memref<2x10240x128xf32, #tpu.memory_space<hbm>> -> memref<1x640x128xf32, #tpu.memory_space<hbm>>
      %dma_wait3A_180 = tpu.memref_squeeze %dma_wait3A_179 : memref<1x640x128xf32, #tpu.memory_space<hbm>> -> memref<640x128xf32, #tpu.memory_space<hbm>>
      %dma_wait3A_181 = arith.constant 0 : i32
      %dma_wait3A_182 = tpu.memref_slice %arg12[%mul3A_170, %dma_wait3A_181] : memref<10240x128xf32, #tpu.memory_space<vmem_shared>> -> memref<640x128xf32, #tpu.memory_space<vmem_shared>>
      tpu.wait_dma2 semaphore(%run_scoped3A : memref<!tpu.dma_semaphore, #tpu.memory_space<semaphore_mem>>) src(%dma_wait3A_182 : memref<640x128xf32, #tpu.memory_space<vmem_shared>>) dst(%dma_wait3A_180 : memref<640x128xf32, #tpu.memory_space<hbm>>)
      tpu.yield
    }) : () -> ()
    return
  }
}

module attributes {stable_mosaic.version = 14 : i64} {
  func.func @_mm1_body(%arg0: i32, %arg1: memref<32x512xf32, #tpu.memory_space<vmem>>, %arg2: memref<512x128xf32, #tpu.memory_space<vmem>>, %arg3: memref<128x128xf32, #tpu.memory_space<vmem>>, %arg4: memref<512x128xf32, #tpu.memory_space<vmem>>) attributes {dimension_semantics = [#tpu.dimension_semantics<arbitrary>], iteration_bounds = array<i64: 20>, scalar_prefetch = 0 : i64, scratch_operands = 0 : i64, tpu.core_type = #tpu.core_type<tc>, window_params = [{transform_indices = @transform_0, window_bounds = array<i64: 32, 512>}, {transform_indices = @transform_1, window_bounds = array<i64: 512, 128>}, {pipeline_mode = #tpu.pipeline_mode<synchronous>, transform_indices = @transform_2, window_bounds = array<i64: 128, 128>}, {transform_indices = @transform_3, window_bounds = array<i64: 512, 128>}]} {
    %get3A = arith.constant 0 : index
    %get3A_0 = arith.constant 0 : index
    %get3A_1 = vector.load %arg1[%get3A, %get3A_0] : memref<32x512xf32, #tpu.memory_space<vmem>>, vector<32x512xf32>
    %reduce_sum3A = arith.constant dense<0.000000e+00> : vector<512xf32>
    %reduce_sum3A_2 = vector.multi_reduction <add>, %get3A_1, %reduce_sum3A [0] : vector<32x512xf32> to vector<512xf32>
    %add3A = arith.constant 1.000000e+00 : f32
    %add3A_3 = vector.broadcast %add3A : f32 to vector<512xf32>
    %add3A_4 = arith.addf %add3A_3, %reduce_sum3A_2 : vector<512xf32>
    %rsqrt3A = math.rsqrt %add3A_4 : vector<512xf32>
    %broadcast_in_dim3A = vector.shape_cast %rsqrt3A : vector<512xf32> to vector<512x1xf32>
    %get3A_5 = arith.constant 0 : index
    %get3A_6 = arith.constant 0 : index
    %get3A_7 = vector.load %arg2[%get3A_5, %get3A_6] : memref<512x128xf32, #tpu.memory_space<vmem>>, vector<512x128xf32>
    %get3A_8 = arith.constant 0 : index
    %get3A_9 = arith.constant 0 : index
    %get3A_10 = vector.load %arg3[%get3A_8, %get3A_9] : memref<128x128xf32, #tpu.memory_space<vmem>>, vector<128x128xf32>
    %dot_general3A = arith.constant dense<0.000000e+00> : vector<512x128xf32>
    %dot_general3A_11 = tpu.matmul %get3A_7, %get3A_10, %dot_general3A {dimension_numbers = #tpu.dot_dimension_numbers<[1], [0], [0], [1], [0, 0, 1, 1], [], []>, transpose_lhs_hint = false} : vector<512x128xf32>, vector<128x128xf32>, vector<512x128xf32> -> vector<512x128xf32>
    %mul3A = vector.broadcast %broadcast_in_dim3A : vector<512x1xf32> to vector<512x128xf32>
    %mul3A_12 = arith.mulf %mul3A, %dot_general3A_11 : vector<512x128xf32>
    %swap3A = arith.constant 0 : index
    %swap3A_13 = arith.constant 0 : index
    %swap3A_14 = vector.load %arg4[%swap3A, %swap3A_13] : memref<512x128xf32, #tpu.memory_space<vmem>>, vector<512x128xf32>
    tpu.vector_store %arg4[%swap3A, %swap3A_13], %mul3A_12 {strides = array<i32>} : memref<512x128xf32, #tpu.memory_space<vmem>>, vector<512x128xf32>,
    return
  }
  func.func @transform_0(%arg0: i32) -> (i32, i32) {
    %c0_i32 = arith.constant 0 : i32
    %c0_i32_0 = arith.constant 0 : i32
    return %c0_i32, %arg0 : i32, i32
  }
  func.func @transform_1(%arg0: i32) -> (i32, i32) {
    %c0_i32 = arith.constant 0 : i32
    %c0_i32_0 = arith.constant 0 : i32
    return %arg0, %c0_i32 : i32, i32
  }
  func.func @transform_2(%arg0: i32) -> (i32, i32) {
    %c0_i32 = arith.constant 0 : i32
    %c0_i32_0 = arith.constant 0 : i32
    %c0_i32_1 = arith.constant 0 : i32
    return %c0_i32, %c0_i32_0 : i32, i32
  }
  func.func @transform_3(%arg0: i32) -> (i32, i32) {
    %c0_i32 = arith.constant 0 : i32
    %c0_i32_0 = arith.constant 0 : i32
    return %arg0, %c0_i32 : i32, i32
  }
}

module attributes {stable_mosaic.version = 14 : i64} {
  func.func @_mid_body(%arg0: i32, %arg1: memref<32x512xf32, #tpu.memory_space<vmem>>, %arg2: memref<2x512x128xf32, #tpu.memory_space<vmem>>, %arg3: memref<512x128xf32, #tpu.memory_space<vmem>>, %arg4: memref<1x128xf32, #tpu.memory_space<vmem>>, %arg5: memref<128x128xf32, #tpu.memory_space<vmem>>, %arg6: memref<512x128xf32, #tpu.memory_space<vmem>>) attributes {dimension_semantics = [#tpu.dimension_semantics<arbitrary>], iteration_bounds = array<i64: 20>, scalar_prefetch = 0 : i64, scratch_operands = 0 : i64, tpu.core_type = #tpu.core_type<tc>, window_params = [{transform_indices = @transform_0, window_bounds = array<i64: 32, 512>}, {transform_indices = @transform_1, window_bounds = array<i64: 2, 512, 128>}, {transform_indices = @transform_2, window_bounds = array<i64: 512, 128>}, {pipeline_mode = #tpu.pipeline_mode<synchronous>, transform_indices = @transform_3, window_bounds = array<i64: 1, 128>}, {pipeline_mode = #tpu.pipeline_mode<synchronous>, transform_indices = @transform_4, window_bounds = array<i64: 128, 128>}, {transform_indices = @transform_5, window_bounds = array<i64: 512, 128>}]} {
    %get3A = arith.constant 0 : index
    %get3A_0 = arith.constant 0 : index
    %get3A_1 = vector.load %arg1[%get3A, %get3A_0] : memref<32x512xf32, #tpu.memory_space<vmem>>, vector<32x512xf32>
    %reduce_sum3A = arith.constant dense<0.000000e+00> : vector<512xf32>
    %reduce_sum3A_2 = vector.multi_reduction <add>, %get3A_1, %reduce_sum3A [0] : vector<32x512xf32> to vector<512xf32>
    %add3A = arith.constant 1.000000e+00 : f32
    %add3A_3 = vector.broadcast %add3A : f32 to vector<512xf32>
    %add3A_4 = arith.addf %add3A_3, %reduce_sum3A_2 : vector<512xf32>
    %rsqrt3A = math.rsqrt %add3A_4 : vector<512xf32>
    %broadcast_in_dim3A = vector.shape_cast %rsqrt3A : vector<512xf32> to vector<512x1xf32>
    %get3A_5 = arith.constant 0 : index
    %get3A_6 = arith.constant 0 : index
    %get3A_7 = arith.constant 0 : index
    %get3A_8 = vector.load %arg2[%get3A_5, %get3A_6, %get3A_7] : memref<2x512x128xf32, #tpu.memory_space<vmem>>, vector<1x512x128xf32>
    %get3A_9 = vector.shape_cast %get3A_8 : vector<1x512x128xf32> to vector<512x128xf32>
    %get3A_10 = arith.constant 1 : index
    %get3A_11 = arith.constant 0 : index
    %get3A_12 = arith.constant 0 : index
    %get3A_13 = vector.load %arg2[%get3A_10, %get3A_11, %get3A_12] : memref<2x512x128xf32, #tpu.memory_space<vmem>>, vector<1x512x128xf32>
    %get3A_14 = vector.shape_cast %get3A_13 : vector<1x512x128xf32> to vector<512x128xf32>
    %add3A_15 = arith.addf %get3A_9, %get3A_14 : vector<512x128xf32>
    %get3A_16 = arith.constant 0 : index
    %get3A_17 = arith.constant 0 : index
    %get3A_18 = vector.load %arg3[%get3A_16, %get3A_17] : memref<512x128xf32, #tpu.memory_space<vmem>>, vector<512x128xf32>
    %add3A_19 = arith.addf %add3A_15, %get3A_18 : vector<512x128xf32>
    %mul3A = vector.broadcast %broadcast_in_dim3A : vector<512x1xf32> to vector<512x128xf32>
    %mul3A_20 = arith.mulf %mul3A, %add3A_19 : vector<512x128xf32>
    %get3A_21 = arith.constant 0 : index
    %get3A_22 = arith.constant 0 : index
    %get3A_23 = vector.load %arg4[%get3A_21, %get3A_22] : memref<1x128xf32, #tpu.memory_space<vmem>>, vector<1x128xf32>
    %get3A_24 = vector.shape_cast %get3A_23 : vector<1x128xf32> to vector<128xf32>
    %broadcast_in_dim3A_25 = vector.shape_cast %get3A_24 : vector<128xf32> to vector<1x128xf32>
    %add3A_26 = vector.broadcast %broadcast_in_dim3A_25 : vector<1x128xf32> to vector<512x128xf32>
    %add3A_27 = arith.addf %mul3A_20, %add3A_26 : vector<512x128xf32>
    %max3A = arith.constant 0.000000e+00 : f32
    %max3A_28 = vector.broadcast %max3A : f32 to vector<512x128xf32>
    %max3A_29 = arith.maximumf %add3A_27, %max3A_28 : vector<512x128xf32>
    %get3A_30 = arith.constant 0 : index
    %get3A_31 = arith.constant 0 : index
    %get3A_32 = vector.load %arg5[%get3A_30, %get3A_31] : memref<128x128xf32, #tpu.memory_space<vmem>>, vector<128x128xf32>
    %dot_general3A = arith.constant dense<0.000000e+00> : vector<512x128xf32>
    %dot_general3A_33 = tpu.matmul %max3A_29, %get3A_32, %dot_general3A {dimension_numbers = #tpu.dot_dimension_numbers<[1], [0], [0], [1], [0, 0, 1, 1], [], []>, transpose_lhs_hint = false} : vector<512x128xf32>, vector<128x128xf32>, vector<512x128xf32> -> vector<512x128xf32>
    %mul3A_34 = vector.broadcast %broadcast_in_dim3A : vector<512x1xf32> to vector<512x128xf32>
    %mul3A_35 = arith.mulf %mul3A_34, %dot_general3A_33 : vector<512x128xf32>
    %swap3A = arith.constant 0 : index
    %swap3A_36 = arith.constant 0 : index
    %swap3A_37 = vector.load %arg6[%swap3A, %swap3A_36] : memref<512x128xf32, #tpu.memory_space<vmem>>, vector<512x128xf32>
    tpu.vector_store %arg6[%swap3A, %swap3A_36], %mul3A_35 {strides = array<i32>} : memref<512x128xf32, #tpu.memory_space<vmem>>, vector<512x128xf32>,
    return
  }
  func.func @transform_0(%arg0: i32) -> (i32, i32) {
    %c0_i32 = arith.constant 0 : i32
    %c0_i32_0 = arith.constant 0 : i32
    return %c0_i32, %arg0 : i32, i32
  }
  func.func @transform_1(%arg0: i32) -> (i32, i32, i32) {
    %c0_i32 = arith.constant 0 : i32
    %c0_i32_0 = arith.constant 0 : i32
    %c0_i32_1 = arith.constant 0 : i32
    return %c0_i32, %arg0, %c0_i32_0 : i32, i32, i32
  }
  func.func @transform_2(%arg0: i32) -> (i32, i32) {
    %c0_i32 = arith.constant 0 : i32
    %c0_i32_0 = arith.constant 0 : i32
    return %arg0, %c0_i32 : i32, i32
  }
  func.func @transform_3(%arg0: i32) -> (i32, i32) {
    %c0_i32 = arith.constant 0 : i32
    %c0_i32_0 = arith.constant 0 : i32
    %c0_i32_1 = arith.constant 0 : i32
    return %c0_i32, %c0_i32_0 : i32, i32
  }
  func.func @transform_4(%arg0: i32) -> (i32, i32) {
    %c0_i32 = arith.constant 0 : i32
    %c0_i32_0 = arith.constant 0 : i32
    %c0_i32_1 = arith.constant 0 : i32
    return %c0_i32, %c0_i32_0 : i32, i32
  }
  func.func @transform_5(%arg0: i32) -> (i32, i32) {
    %c0_i32 = arith.constant 0 : i32
    %c0_i32_0 = arith.constant 0 : i32
    return %arg0, %c0_i32 : i32, i32
  }
}

module attributes {stable_mosaic.version = 14 : i64} {
  func.func @_final_body(%arg0: i32, %arg1: memref<32x512xf32, #tpu.memory_space<vmem>>, %arg2: memref<2x512x128xf32, #tpu.memory_space<vmem>>, %arg3: memref<512x128xf32, #tpu.memory_space<vmem>>, %arg4: memref<1x128xf32, #tpu.memory_space<vmem>>, %arg5: memref<512x128xf32, #tpu.memory_space<vmem>>) attributes {dimension_semantics = [#tpu.dimension_semantics<arbitrary>], iteration_bounds = array<i64: 20>, scalar_prefetch = 0 : i64, scratch_operands = 0 : i64, tpu.core_type = #tpu.core_type<tc>, window_params = [{transform_indices = @transform_0, window_bounds = array<i64: 32, 512>}, {transform_indices = @transform_1, window_bounds = array<i64: 2, 512, 128>}, {transform_indices = @transform_2, window_bounds = array<i64: 512, 128>}, {pipeline_mode = #tpu.pipeline_mode<synchronous>, transform_indices = @transform_3, window_bounds = array<i64: 1, 128>}, {transform_indices = @transform_4, window_bounds = array<i64: 512, 128>}]} {
    %get3A = arith.constant 0 : index
    %get3A_0 = arith.constant 0 : index
    %get3A_1 = vector.load %arg1[%get3A, %get3A_0] : memref<32x512xf32, #tpu.memory_space<vmem>>, vector<32x512xf32>
    %reduce_sum3A = arith.constant dense<0.000000e+00> : vector<512xf32>
    %reduce_sum3A_2 = vector.multi_reduction <add>, %get3A_1, %reduce_sum3A [0] : vector<32x512xf32> to vector<512xf32>
    %add3A = arith.constant 1.000000e+00 : f32
    %add3A_3 = vector.broadcast %add3A : f32 to vector<512xf32>
    %add3A_4 = arith.addf %add3A_3, %reduce_sum3A_2 : vector<512xf32>
    %rsqrt3A = math.rsqrt %add3A_4 : vector<512xf32>
    %broadcast_in_dim3A = vector.shape_cast %rsqrt3A : vector<512xf32> to vector<512x1xf32>
    %get3A_5 = arith.constant 0 : index
    %get3A_6 = arith.constant 0 : index
    %get3A_7 = arith.constant 0 : index
    %get3A_8 = vector.load %arg2[%get3A_5, %get3A_6, %get3A_7] : memref<2x512x128xf32, #tpu.memory_space<vmem>>, vector<1x512x128xf32>
    %get3A_9 = vector.shape_cast %get3A_8 : vector<1x512x128xf32> to vector<512x128xf32>
    %get3A_10 = arith.constant 1 : index
    %get3A_11 = arith.constant 0 : index
    %get3A_12 = arith.constant 0 : index
    %get3A_13 = vector.load %arg2[%get3A_10, %get3A_11, %get3A_12] : memref<2x512x128xf32, #tpu.memory_space<vmem>>, vector<1x512x128xf32>
    %get3A_14 = vector.shape_cast %get3A_13 : vector<1x512x128xf32> to vector<512x128xf32>
    %add3A_15 = arith.addf %get3A_9, %get3A_14 : vector<512x128xf32>
    %get3A_16 = arith.constant 0 : index
    %get3A_17 = arith.constant 0 : index
    %get3A_18 = vector.load %arg3[%get3A_16, %get3A_17] : memref<512x128xf32, #tpu.memory_space<vmem>>, vector<512x128xf32>
    %add3A_19 = arith.addf %add3A_15, %get3A_18 : vector<512x128xf32>
    %mul3A = vector.broadcast %broadcast_in_dim3A : vector<512x1xf32> to vector<512x128xf32>
    %mul3A_20 = arith.mulf %mul3A, %add3A_19 : vector<512x128xf32>
    %get3A_21 = arith.constant 0 : index
    %get3A_22 = arith.constant 0 : index
    %get3A_23 = vector.load %arg4[%get3A_21, %get3A_22] : memref<1x128xf32, #tpu.memory_space<vmem>>, vector<1x128xf32>
    %get3A_24 = vector.shape_cast %get3A_23 : vector<1x128xf32> to vector<128xf32>
    %broadcast_in_dim3A_25 = vector.shape_cast %get3A_24 : vector<128xf32> to vector<1x128xf32>
    %add3A_26 = vector.broadcast %broadcast_in_dim3A_25 : vector<1x128xf32> to vector<512x128xf32>
    %add3A_27 = arith.addf %mul3A_20, %add3A_26 : vector<512x128xf32>
    %iota3A = tpu.iota {dimensions = array<i32: 1>} : vector<512x128xi32>
    %lt3A = arith.constant 125 : i32
    %lt3A_28 = vector.broadcast %lt3A : i32 to vector<512x128xi32>
    %lt3A_29 = arith.cmpi slt, %iota3A, %lt3A_28 : vector<512x128xi32>
    %jit3A = arith.constant -1.000000e+30 : f32
    %broadcast_in_dim3A_30 = vector.broadcast %jit3A : f32 to vector<512x128xf32>
    %select_n3A = arith.select %lt3A_29, %add3A_27, %broadcast_in_dim3A_30 : vector<512x128xi1>, vector<512x128xf32>
    %reduce_max3A = arith.constant dense<0xFF800000> : vector<512xf32>
    %reduce_max3A_31 = vector.multi_reduction <maximumf>, %select_n3A, %reduce_max3A [1] : vector<512x128xf32> to vector<512xf32>
    %broadcast_in_dim3A_32 = vector.shape_cast %reduce_max3A_31 : vector<512xf32> to vector<512x1xf32>
    %sub3A = vector.broadcast %broadcast_in_dim3A_32 : vector<512x1xf32> to vector<512x128xf32>
    %sub3A_33 = arith.subf %select_n3A, %sub3A : vector<512x128xf32>
    %exp3A = math.exp %sub3A_33 : vector<512x128xf32>
    %reduce_sum3A_34 = arith.constant dense<0.000000e+00> : vector<512xf32>
    %reduce_sum3A_35 = vector.multi_reduction <add>, %exp3A, %reduce_sum3A_34 [1] : vector<512x128xf32> to vector<512xf32>
    %broadcast_in_dim3A_36 = vector.shape_cast %reduce_sum3A_35 : vector<512xf32> to vector<512x1xf32>
    %sub3A_37 = vector.broadcast %broadcast_in_dim3A_32 : vector<512x1xf32> to vector<512x128xf32>
    %sub3A_38 = arith.subf %add3A_27, %sub3A_37 : vector<512x128xf32>
    %log3A = math.log %broadcast_in_dim3A_36 : vector<512x1xf32>
    %sub3A_39 = vector.broadcast %log3A : vector<512x1xf32> to vector<512x128xf32>
    %sub3A_40 = arith.subf %sub3A_38, %sub3A_39 : vector<512x128xf32>
    %swap3A = arith.constant 0 : index
    %swap3A_41 = arith.constant 0 : index
    %swap3A_42 = vector.load %arg5[%swap3A, %swap3A_41] : memref<512x128xf32, #tpu.memory_space<vmem>>, vector<512x128xf32>
    tpu.vector_store %arg5[%swap3A, %swap3A_41], %sub3A_40 {strides = array<i32>} : memref<512x128xf32, #tpu.memory_space<vmem>>, vector<512x128xf32>,
    return
  }
  func.func @transform_0(%arg0: i32) -> (i32, i32) {
    %c0_i32 = arith.constant 0 : i32
    %c0_i32_0 = arith.constant 0 : i32
    return %c0_i32, %arg0 : i32, i32
  }
  func.func @transform_1(%arg0: i32) -> (i32, i32, i32) {
    %c0_i32 = arith.constant 0 : i32
    %c0_i32_0 = arith.constant 0 : i32
    %c0_i32_1 = arith.constant 0 : i32
    return %c0_i32, %arg0, %c0_i32_0 : i32, i32, i32
  }
  func.func @transform_2(%arg0: i32) -> (i32, i32) {
    %c0_i32 = arith.constant 0 : i32
    %c0_i32_0 = arith.constant 0 : i32
    return %arg0, %c0_i32 : i32, i32
  }
  func.func @transform_3(%arg0: i32) -> (i32, i32) {
    %c0_i32 = arith.constant 0 : i32
    %c0_i32_0 = arith.constant 0 : i32
    %c0_i32_1 = arith.constant 0 : i32
    return %c0_i32, %c0_i32_0 : i32, i32
  }
  func.func @transform_4(%arg0: i32) -> (i32, i32) {
    %c0_i32 = arith.constant 0 : i32
    %c0_i32_0 = arith.constant 0 : i32
    return %arg0, %c0_i32 : i32, i32
  }
}

</mosaic_0001>

<sc_bundles>
// kernel: kernel.11.cloned.1.call-start
scs
__scs_entry_jumppad:
0x0: {  	(pc) =	sbr.rel $0x88, $3  }
0x1: {  	(tag) =	ssettag $0x0;
	lr =	simm.s32 $0x1  }
0x2: {  	[smem:$0x3F9B] =	sst lr;
	_ =	strace $0xD0000000  }
0x3: {  	_ = 	snop  }
0x4: {  	_ = 	snop  }
0x5: {  	_ = 	snop  }
0x6: {  	_ = 	snop  }
0x7: {  	_ = 	snop  }
__scs_overlays_trampoline_lowered:
0x8: {  	[smem:$0x3FAA] =	sst s0  }
0x9: {  	[smem:$0x3FAB] =	sst s1  }
0xa: {  	[smem:$0x3FAC] =	sst s2  }
0xb: {  	[smem:$0x3FAD] =	sst s3  }
0xc: {  	[smem:$0x3FAE] =	sst s4  }
0xd: {  	[smem:$0x3FAF] =	sst s5  }
0xe: {  	[smem:$0x3FB0] =	sst s6  }
0xf: {  	[smem:$0x3FB1] =	sst s7  }
0x10: {  	[smem:$0x3FB2] =	sst s8  }
0x11: {  	[smem:$0x3FB3] =	sst s9;
	s0 =	simm.s32 @!p0 $0x0  }
0x12: {  	s1 =	sld [smem:$0x3F99];
	s0 =	simm.s32 @p0 $0x1  }
0x13: {  	[smem:$0x3FB4] =	sst s0;
	s0 =	simm.s32 @!p1 $0x0  }
0x14: {  	s2 =	sld [smem:$0x3F98];
	s0 =	simm.s32 @p1 $0x1  }
0x15: {  	[smem:$0x3FB5] =	sst s0;
	s0 =	simm.s32 @!p2 $0x0  }
0x16: {  	s3 =	sld [smem:$0x3FDB];
	s0 =	simm.s32 @p2 $0x1  }
0x17: {  	s4 =	simm.s32 $0x1BF5;
	[smem:$0x3FB7] =	sst s0  }
0x18: {  	s0 =	sld [smem:$0x3F9A];
	_ =	swait.ge [sflag:s4], $0x0  }
0x19: {  	s7 =	sld [smem:$0x3F9B]  }
0x1a: {  	s8 =	sadd.s32 $0xFFFFE003, lr  }
0x1b: {  	s9 =	sadd.s32 $0xFFFFFEF7, lr;
	s5 =	simm.s32 $0xFFFFFFFF;
	p2 =	slt.u32 s8, $0xFFFFF086  }
0x1c: {  	p1 =	slt.u32 s9, $0xF7A;
	s5 =	simm.s32 @!p2 $0x0  }
0x1d: {  	s5 =	simm.s32 @p1 $0x1;
	p0 =	seq.s32 s7, s2  }
0x1e: {  	s7 =	smul.u32 @!p0 $0xF7A, s2;
	p2 =	seq.s32 @!p0 s5, $0x0  }
0x1f: {  	s9 =	smul.u32 $0xF7A, s1;
	s8 =	simm.s32 @!p0 $0x1BF5;
	p2 =	por !p2, p0  }
0x20: {  	[sflag:s8] =	ssyncset.s32 @!p0 $0xFFFFF086;
	s6 =	sadd.s32 @!p0 s3, s7;
	s7 =	simm.s32 @!p0 $0x108  }
0x21: {  	s3 =	sadd.s32 s3, s9;
	s6 =	sadd.s32 @!p0 $0x88, s6;
	s7 =	simm.s32 @p2 $0x1082  }
0x22: {  	[simem:s7], [sflag:s8] =	dma.local @!p0 [hbm:s6], $0xF7A  }
0x23: {  	s9 =	sor.u32 $0xD0000000, s2;
	s6 =	simm.s32 $0x108;
	_ =	swait.ge @!p0 [sflag:s8], $0x0  }
0x24: {  	s3 =	sadd.s32 $0x88, s3;
	s6 =	simm.s32 @!p1 $0x1082;
	[sflag:s4] =	ssyncset.s32 $0xFFFFF086  }
0x25: {  	[simem:s6], [sflag:s4] =	dma.local [hbm:s3], $0xF7A  }
0x26: {  	[smem:$0x3F9B] =	sst s1;
	(tag) =	ssettag s2;
	_ =	strace s9  }
0x27: {  	s1 =	sld [smem:$0x3FAB]  }
0x28: {  	s2 =	sld [smem:$0x3FAC]  }
0x29: {  	s4 =	sld [smem:$0x3FAE]  }
0x2a: {  	p0 =	seq.s32 s5, $0x0;
	s5 =	sld [smem:$0x3FAF]  }
0x2b: {  	s6 =	sld [smem:$0x3FB0]  }
0x2c: {  	s7 =	sld [smem:$0x3FB1]  }
0x2d: {  	s3 =	simm.s32 $0x108;
	s8 =	sld [smem:$0x3FB2]  }
0x2e: {  	s3 =	simm.s32 @!p0 $0x1082;
	s9 =	sld [smem:$0x3FB3]  }
0x2f: {  	lr =	sadd.s32 s0, s3;
	s0 =	sld [smem:$0x3FAA]  }
0x30: {  	s3 =	sld [smem:$0x3FAD]  }
0x31: {  	[smem:$0x3FB6] =	sst s10  }
0x32: {  	s10 =	sld [smem:$0x3FB4];
	_ =	sdelay $0x3  }
0x33: {  	p0 =	seq.s32 s10, $0x1;
	s10 =	sld [smem:$0x3FB6];
	_ =	sdelay $0x3  }
0x34: {  	[smem:$0x3FB6] =	sst s10  }
0x35: {  	s10 =	sld [smem:$0x3FB5];
	_ =	sdelay $0x3  }
0x36: {  	p1 =	seq.s32 s10, $0x1;
	s10 =	sld [smem:$0x3FB6];
	_ =	sdelay $0x3  }
0x37: {  	[smem:$0x3FB6] =	sst s10  }
0x38: {  	s10 =	sld [smem:$0x3FB7]  }
0x39: {  	_ = 	snop;
	(pc) =	sbr.ind lr, $3  }
0x3a: {  	_ = 	snop  }
0x3b: {  	_ = 	snop  }
0x3c: {  	p2 =	seq.s32 s10, $0x1;
	s10 =	sld [smem:$0x3FB6]  }
0x3d: {  	_ =	shalt  }
0x3e: {  	_ =	shalt  }
0x3f: {  	_ =	shalt  }
0x40: {  	_ =	shalt  }
0x41: {  	_ =	shalt  }
0x42: {  	_ =	shalt  }
0x43: {  	_ =	shalt  }
0x44: {  	_ =	shalt  }
0x45: {  	_ =	shalt  }
0x46: {  	_ =	shalt  }
0x47: {  	_ =	shalt  }
0x48: {  	_ =	shalt  }
0x49: {  	_ =	shalt  }
0x4a: {  	_ =	shalt  }
0x4b: {  	_ =	shalt  }
0x4c: {  	_ =	shalt  }
0x4d: {  	_ =	shalt  }
0x4e: {  	_ =	shalt  }
0x4f: {  	_ =	shalt  }
0x50: {  	_ =	shalt  }
0x51: {  	_ =	shalt  }
0x52: {  	_ =	shalt  }
0x53: {  	_ =	shalt  }
0x54: {  	_ =	shalt  }
0x55: {  	_ =	shalt  }
0x56: {  	_ =	shalt  }
0x57: {  	_ =	shalt  }
0x58: {  	_ =	shalt  }
0x59: {  	_ =	shalt  }
0x5a: {  	_ =	shalt  }
0x5b: {  	_ =	shalt  }
0x5c: {  	_ =	shalt  }
0x5d: {  	_ =	shalt  }
0x5e: {  	_ =	shalt  }
0x5f: {  	_ =	shalt  }
0x60: {  	_ =	shalt  }
0x61: {  	_ =	shalt  }
0x62: {  	_ =	shalt  }
0x63: {  	_ =	shalt  }
0x64: {  	_ =	shalt  }
0x65: {  	_ =	shalt  }
0x66: {  	_ =	shalt  }
0x67: {  	_ =	shalt  }
0x68: {  	_ =	shalt  }
0x69: {  	_ =	shalt  }
0x6a: {  	_ =	shalt  }
0x6b: {  	_ =	shalt  }
0x6c: {  	_ =	shalt  }
0x6d: {  	_ =	shalt  }
0x6e: {  	_ =	shalt  }
0x6f: {  	_ =	shalt  }
0x70: {  	_ =	shalt  }
0x71: {  	_ =	shalt  }
0x72: {  	_ =	shalt  }
0x73: {  	_ =	shalt  }
0x74: {  	_ =	shalt  }
0x75: {  	_ =	shalt  }
0x76: {  	_ =	shalt  }
0x77: {  	_ =	shalt  }
0x78: {  	_ =	shalt  }
0x79: {  	_ =	shalt  }
0x7a: {  	_ =	shalt  }
0x7b: {  	_ =	shalt  }
0x7c: {  	_ =	shalt  }
0x7d: {  	_ =	shalt  }
0x7e: {  	_ =	shalt  }
0x7f: {  	_ =	shalt  }
0x80: {  	_ =	shalt  }
0x81: {  	_ =	shalt  }
0x82: {  	_ =	shalt  }
0x83: {  	_ =	shalt  }
0x84: {  	_ =	shalt  }
0x85: {  	_ =	shalt  }
0x86: {  	_ =	shalt  }
0x87: {  	_ =	shalt  }
.Lfunc_end0:
.L_simem_size_0:
called_computation.1_lowered:
.L_overlay_start_0:
0x88: {  	s2 =	sld [smem:$0x3FD9]  }
0x89: {  	s3 =	sld [smem:$0x3FFE];
	_ =	sdelay $0x1  }
0x8a: {  	s1 =	srdreg.scid  }
0x8b: {  	s0 =	sand.u32 $0x1, s1  }
0x8c: {  	s17 =	sshll.u32 s0, $0xA;
	s2 =	sadd.s32 s3, s2  }
0x8d: {  	s2 =	sadd.s32 s2, s17  }
0x8e: {  	[smem:$0x3FC2] =	sst s2  }
0x8f: {  	_ = 	snop  }
0x90: {  	s2 =	sld [smem:$0x3FD0];
	(tm) =	ssettm $0x1  }
0x91: {  	s18 =	sld [smem:$0x3FFB];
	_ =	sdelay $0x3  }
0x92: {  	_ =	strace s18  }
0x93: {  	s3 =	sld [smem:$0x3FFC];
	_ =	sdelay $0x3  }
0x94: {  	_ =	strace s3  }
0x95: {  	s3 =	sld [smem:$0x3FFD];
	_ =	sdelay $0x3  }
0x96: {  	_ =	strace s3  }
0x97: {  	_ =	strace $0x8FFFFFFF  }
0x98: {  	s19 =	sld [smem:$0x3FDB];
	_ =	sdelay $0x1  }
0x99: {  	s4 =	simm.s32 $_scs_section_size  }
0x9a: {  	s5 =	simm.s32 $_size__tile_overlayer_lowered;
	s6 =	simm.s32 $_tile_overlayer_lowered  }
0x9b: {  	s22 =	simm.s32 $0x1BFF;
	s21 =	sshll.u32 s6, $0x1;
	s3 =	sadd.s32 s4, s19  }
0x9c: {  	s7 =	simm.s32 $0x0;
	s20 =	sshll.u32 s5, $0x1;
	s5 =	sadd.s32 s21, s3  }
0x9d: {  	[timem:s7], [sflag:s22] =	dma.local [hbm:s5], s20  }
0x9e: {  	_ =	swait.ge [sflag:s22], s20  }
0x9f: {  	s4 =	ssub.s32 $0x0, s20;
	[sflag:s22] =	ssyncset.done $0x0  }
0xa0: {  	[sflag:s22] =	ssyncadd.s32 s4;
	_ =	sdelay $0x1  }
0xa1: {  	s23 =	simm.s32 $0x1B8B  }
0xa2: {  	_ =	swait.ge [sflag:s23], $0x1  }
0xa3: {  	[sflag:s23] =	ssyncset.done $0x0  }
0xa4: {  	s25 =	simm.s32 $0x1B8E;
	s24 =	sld [smem:$0x3FFE];
	[sflag:s23] =	ssyncadd.s32 $0xFFFFFFFF  }
0xa5: {  	s26 =	simm.s32 $execute0_lowered;
	[smem:$0x3FD2] =	sst s25  }
0xa6: {  	s5 =	sshll.u32 s26, $0x1;
	_ =	strace $0x80000049;
	[dreg:$0x1] =	wrdreg $0xFFFFFFFF  }
0xa7: {  	s28 =	simm.s32 $_size_execute0_lowered;
	s3 =	sadd.s32 s3, s5;
	[dreg:$0x0] =	wrdreg $0x0  }
0xa8: {  	s5 =	sshll.u32 s28, $0x1;
	[dreg:$0x2] =	wrdreg s3  }
0xa9: {  	[dreg:$0x3] =	wrdreg s5  }
0xaa: {  	[dreg:$0x4] =	wrdreg $0xC0  }
0xab: {  	_ =	task [dreg:s7], $0x5FFFF  }
0xac: {  	[dreg:$0x1] =	wrdreg $0xFFFFFFFF  }
0xad: {  	[dreg:$0x0] =	wrdreg $0x60  }
0xae: {  	[dreg:$0x2] =	wrdreg s24  }
0xaf: {  	[dreg:$0x3] =	wrdreg s2  }
0xb0: {  	[dreg:$0x4] =	wrdreg $0x88000  }
0xb1: {  	[dreg:$0x5] =	wrdreg $0x9  }
0xb2: {  	_ =	task.clear_ibuf [dreg:s7], $0x6FFFF;
	_ =	strace $0x90000049  }
0xb3: {  	s29 =	simm.s32 $0x9;
	_ =	strace $0x8000004B  }
0xb4: {  	_ =	swait.ge [sflag:s29], $0x1  }
0xb5: {  	[sflag:s29] =	ssyncadd.s32 $0xFFFFFFFF  }
0xb6: {  	_ =	strace $0x9000004B  }
0xb7: {  	_ =	sfence  }
0xb8: {  	s30 =	sld [smem:$0x0];
	_ =	sdelay $0x2  }
0xb9: {  	s31 =	sshll.u32 s1, $0xD;
	s1 =	sshrl.u32 s1, $0x2  }
0xba: {  	s3 =	sand.u32 $0x4000, s31;
	s1 =	sadd.s32 s1, s30  }
0xbb: {  	s0 =	sor.u32 s3, s0;
	s1 =	sshll.u32 s1, $0x11  }
0xbc: {  	s0 =	sor.u32 s1, s0  }
0xbd: {  	s0 =	sadd.s32 $0x8F2B, s0  }
0xbe: {  	[sflag:s0] =	ssyncadd.remote.s32 $0x1  }
0xbf: {  	_ =	sfence.sel $0xFFFF  }
0xc0: {  	[dreg:$0x0] =	wrdreg $0xFFFFFFFF;
	(pc) =	sbr.abs _section_cstart, $3  }
0xc1: {  	[dreg:$0x1] =	wrdreg $0xFFFFFFFF  }
0xc2: {  	_ =	task.clear_ibuf [dreg:s7], $0x2FFFF;
	_ =	strace $0x9FFFFFFF  }
0xc3: {  	(tm) =	ssettm $0x7FFFFFFF  }
tec
execute0_lowered:
.L_overlay_start_1:
0x0: {  	(tag) =	ssettag $0x1  }
0x1: {  	s0 =	rddreg [dreg:$0x0]  }
0x2: {  	s1 =	srdreg.scid;
	s5 =	rddreg [dreg:$0x1]  }
0x3: {  	s11 =	stileid.u32;
	s2 =	rddreg [dreg:$0x2];
	s3 =	simm.s32 $0x0  }
0x4: {  	s28 =	simm.s32 $0x80;
	s29 =	simm.s32 $0x4800;
	s30 =	simm.s32 $0x1  }
0x5: {  	s31 =	simm.s32 $0x4;
	s13 =	simm.s32 $0x680;
	s6 =	smul.u32 $0x14000, s11  }
0x6: {  	s14 =	simm.s32 $0x580;
	s15 =	simm.s32 $0x700;
	s7 =	smul.u32 $0x50000, s11  }
0x7: {  	s1 =	sand.u32 $0x1, s1;
	[smem:$0x7FF] =	sst s3;
	s22 =	smul.u32 $0x5000, s11  }
0x8: {  	s8 =	sadd.s32 $0x3200, s0;
	s4 =	smul.u32 $0x140000, s1;
	_ =	strace $0x8000004A  }
0x9: {  	s17 =	ssub.s32 $0x2, s1;
	s9 =	sshll.u32 s1, $0x4;
	s1 =	smul.u32 $0x50000, s1  }
0xa: {  	s7 =	sshrl.u32 s7, $0x2;
	s10 =	sshrl.u32 s17, $0x1;
	s9 =	sor.u32 s11, s9  }
0xb: {  	s11 =	simm.s32 $0x480;
	s4 =	sadd.s32 s6, s4;
	s12 =	sadd.s32 s7, s2  }
0xc: {  	s18 =	smul.u32 $0x5000, s9;
	s1 =	sadd.s32 s22, s1;
	s22 =	simm.s32 $0x200  }
0xd: {  	s9 =	simm.s32 $0x300;
	s6 =	sshrl.u32 s4, $0x3;
	s4 =	sadd.s32 $0x17200, s0  }
0xe: {  	s7 =	sadd.s32 $0x4000, s12;
	s19 =	sadd.s32 $0x8000, s12;
	[dreg:$0x4] =	wrdreg s12  }
0xf: {  	s20 =	sadd.s32 $0xC000, s12;
	s21 =	sadd.s32 $0x10000, s12;
	[dreg:$0x5] =	wrdreg s7  }
0x10: {  	s26 =	sor.u32 $0x600, s1;
	s1 =	sor.u32 $0x400, s1;
	[dreg:$0x6] =	wrdreg s19  }
0x11: {  	s12 =	simm.s32 $0x500;
	s0 =	sadd.s32 s6, s0;
	[dreg:$0x7] =	wrdreg s20  }
0x12: {  	s6 =	ssub.s32 s17, s10;
	[dreg:$0x8] =	wrdreg s21;
	s7 =	sshrl.u32 s18, $0x3  }
0x13: {  	s1 =	sshrl.u32 s1, $0x3;
	s20 =	simm.s32 $0x800;
	s10 =	simm.s32 $0x380  }
0x14: {  	s23 =	sadd.s32 s5, s7;
	s24 =	sadd.s32 s8, s7;
	s7 =	sor.u32 $0x40, s7  }
0x15: {  	s0 =	sadd.s32 $0x3F200, s0;
	s6 =	smax.u32 s6, $0x1;
	[dreg:$0x9] =	wrdreg s23  }
0x16: {  	s18 =	sadd.s32 s1, s8;
	s19 =	sadd.s32 s1, s5;
	[dreg:$0xa] =	wrdreg s24  }
0x17: {  	s1 =	simm.s32 $0x2;
	s25 =	sadd.s32 s5, s7;
	[dreg:$0xd] =	wrdreg s0  }
.Ltmp0:
0x18: {  	s7 =	sadd.s32 s8, s7;
	[dreg:$0xe] =	wrdreg s6;
	(pc) =	sbr.rel .LBB2_1-.Ltmp0, $4  }
0x19: {  	s0 =	sshrl.u32 s26, $0x3;
	s23 =	simm.s32 $0x6;
	[dreg:$0xb] =	wrdreg s25  }
0x1a: {  	s24 =	simm.s32 $0x7;
	s26 =	simm.s32 $0x600;
	[dreg:$0xc] =	wrdreg s7  }
0x1b: {  	s16 =	sadd.s32 s0, s8;
	s17 =	sadd.s32 s0, s5;
	s25 =	simm.s32 $0x400  }
0x1c: {  	v0 =	vimm.f32 $0.0e+00;
	s0 =	simm.s32 $0x3;
	s5 =	simm.s32 $0x780;
	s8 =	simm.s32 $0x0  }
.LBB2_6:
0x1d: {  	[spmem:s2] =	stream.indirect.scatter.add.f32 [tilespmem:s29], [sflag:$0x4], $0x80, s5, s28, $0xb8;
	[tilespmem:$0x1C800] =	vst v63  }
0x1e: {  	_ =	swait.ge [sflag:s31], $0x4000  }
0x1f: {  	[sflag:s31] =	ssyncset.done $0x0  }
0x20: {  	[sflag:s31] =	ssyncadd.s32 $0xFFFFC000  }
0x21: {  	s6 =	stileid.u32;
	[bflag:$0x0] =	sbarrier.arrive $0xFFFF  }
0x22: {  	s6 =	sshll.u32 s6, $0x6;
	s7 =	rddreg [dreg:$0x4]  }
0x23: {  	s6 =	sor.u32 $0x1C08, s6;
	s8 =	rddreg [dreg:$0xd];
	s7 =	sshrl.u32 s7, $0x3  }
0x24: {  	[hbm:s8], [sflag:s6] =	dma.local [spmem:s7], $0x2800  }
0x25: {  	s7 =	simm.s32 $0x8  }
0x26: {  	_ =	swait.ge [sflag:s7], $0x2800  }
0x27: {  	s6 =	rddreg [dreg:$0xf]  }
0x28: {  	s21 =	rddreg [dreg:$0xe];
	s8 =	sadd.s32 $0x1, s6  }
0x29: {  	p0 =	sne.s32 s8, s21  }
.Ltmp1:
0x2a: {  	_ = 	snop;
	(pc) =	sbr.rel @!p0 .LBB2_7-.Ltmp1, $3  }
0x2b: {  	_ =	sdelay $0x1  }
0x2c: {  	[sflag:s7] =	ssyncset.done $0x0  }
0x2d: {  	[sflag:s7] =	ssyncadd.s32 $0xFFFFD800  }
.LBB2_1:
0x2e: {  	[dreg:$0xf] =	wrdreg s8;
	s21 =	simm.s32 $0x0;
	s6 =	simm.s32 $0x200  }
.LBB2_2:
0x2f: {  	p0 =	sne.s32 s6, $0xFE00;
	[tilespmem:s21+$0x4870] =	vst v0  }
0x30: {  	[tilespmem:s21+$0x800] =	vst v0  }
0x31: {  	[tilespmem:s21+$0x4800] =	vst v0  }
0x32: {  	[tilespmem:s21+$0x810] =	vst v0  }
0x33: {  	[tilespmem:s21+$0x4810] =	vst v0  }
0x34: {  	[tilespmem:s21+$0x820] =	vst v0  }
0x35: {  	[tilespmem:s21+$0x4820] =	vst v0  }
0x36: {  	[tilespmem:s21+$0x830] =	vst v0  }
0x37: {  	[tilespmem:s21+$0x4830] =	vst v0  }
0x38: {  	[tilespmem:s21+$0x840] =	vst v0  }
0x39: {  	[tilespmem:s21+$0x4840] =	vst v0  }
.Ltmp2:
0x3a: {  	[tilespmem:s21+$0x850] =	vst v0;
	(pc) =	sbr.rel @p0 .LBB2_2-.Ltmp2, $4  }
0x3b: {  	[tilespmem:s21+$0x4850] =	vst v0  }
0x3c: {  	[tilespmem:s21+$0x860] =	vst v0  }
0x3d: {  	[tilespmem:s21+$0x4860] =	vst v0  }
0x3e: {  	[tilespmem:s21+$0x870] =	vst v0;
	s21 =	sshra.s32 s6, $0x2;
	s6 =	sadd.s32 $0x200, s6  }
0x3f: {  	[tilespmem:s21+$0x4870] =	vst v0  }
0x40: {  	[tilespmem:s21+$0x800] =	vst v0  }
0x41: {  	[tilespmem:s21+$0x4800] =	vst v0  }
0x42: {  	[tilespmem:s21+$0x810] =	vst v0  }
0x43: {  	[tilespmem:s21+$0x4810] =	vst v0  }
0x44: {  	[tilespmem:s21+$0x820] =	vst v0  }
0x45: {  	[tilespmem:s21+$0x4820] =	vst v0  }
0x46: {  	[tilespmem:s21+$0x830] =	vst v0  }
0x47: {  	[tilespmem:s21+$0x4830] =	vst v0  }
0x48: {  	[tilespmem:s21+$0x840] =	vst v0  }
0x49: {  	[tilespmem:s21+$0x4840] =	vst v0  }
0x4a: {  	[tilespmem:s21+$0x850] =	vst v0  }
0x4b: {  	[tilespmem:s21+$0x4850] =	vst v0  }
0x4c: {  	[tilespmem:s21+$0x860] =	vst v0  }
0x4d: {  	[tilespmem:s21+$0x4860] =	vst v0  }
0x4e: {  	[tilespmem:s21+$0x870] =	vst v0;
	s6 =	rddreg [dreg:$0x4]  }
0x4f: {  	[spmem:s6] =	stream.linear.scatter [tilespmem:s20], [sflag:$0x5], $0x4000, $0x38;
	[tilespmem:$0x1C800] =	vst v63  }
0x50: {  	s8 =	rddreg [dreg:$0x5]  }
0x51: {  	[spmem:s8] =	stream.linear.scatter [tilespmem:s20], [sflag:$0x5], $0x4000, $0x38;
	[tilespmem:$0x1C800] =	vst v63  }
0x52: {  	s21 =	rddreg [dreg:$0x6]  }
0x53: {  	[spmem:s21] =	stream.linear.scatter [tilespmem:s20], [sflag:$0x5], $0x4000, $0x38;
	[tilespmem:$0x1C800] =	vst v63  }
0x54: {  	s7 =	rddreg [dreg:$0x7]  }
0x55: {  	[spmem:s7] =	stream.linear.scatter [tilespmem:s20], [sflag:$0x5], $0x4000, $0x38;
	[tilespmem:$0x1C800] =	vst v63  }
0x56: {  	s8 =	rddreg [dreg:$0x8];
	s21 =	simm.s32 $0x5  }
0x57: {  	[spmem:s8] =	stream.linear.scatter [tilespmem:s20], [sflag:$0x5], $0x4000, $0x38;
	[tilespmem:$0x1C800] =	vst v63  }
0x58: {  	_ =	swait.ge [sflag:s21], $0x4000  }
0x59: {  	[sflag:s21] =	ssyncset.done $0x0  }
0x5a: {  	[sflag:s21] =	ssyncadd.s32 $0xFFFFC000  }
0x5b: {  	_ =	swait.ge [sflag:s21], $0x4000  }
0x5c: {  	[sflag:s21] =	ssyncset.done $0x0  }
0x5d: {  	[sflag:s21] =	ssyncadd.s32 $0xFFFFC000  }
0x5e: {  	_ =	swait.ge [sflag:s21], $0x4000  }
0x5f: {  	[sflag:s21] =	ssyncset.done $0x0  }
0x60: {  	[sflag:s21] =	ssyncadd.s32 $0xFFFFC000  }
0x61: {  	_ =	swait.ge [sflag:s21], $0x4000  }
0x62: {  	[sflag:s21] =	ssyncset.done $0x0  }
0x63: {  	[sflag:s21] =	ssyncadd.s32 $0xFFFFC000  }
0x64: {  	_ =	swait.ge [sflag:s21], $0x4000  }
0x65: {  	[sflag:s21] =	ssyncset.done $0x0  }
0x66: {  	[sflag:s21] =	ssyncadd.s32 $0xFFFFC000  }
0x67: {  	[bflag:$0x0] =	sbarrier.arrive $0xFFFF  }
0x68: {  	s21 =	simm.s32 $0x0;
	s7 =	rddreg [dreg:$0x9]  }
0x69: {  	[tilespmem:s21], [sflag:$0x6] =	stream.linear.gather [hbm4b:s7+s21], $0x200, $0x38;
	[tilespmem:$0x1C800] =	vst v63  }
0x6a: {  	s8 =	rddreg [dreg:$0xa]  }
0x6b: {  	[tilespmem:s22], [sflag:$0x7] =	stream.linear.gather [hbm4b:s8+s21], $0x200, $0x38;
	[tilespmem:$0x1C800] =	vst v63  }
0x6c: {  	_ =	swait.ge [sflag:s23], $0x200  }
0x6d: {  	[sflag:s23] =	ssyncset.done $0x0  }
0x6e: {  	[sflag:s23] =	ssyncadd.s32 $0xFFFFFE00  }
0x6f: {  	_ =	swait.ge [sflag:s24], $0x200  }
0x70: {  	[sflag:s24] =	ssyncset.done $0x0  }
0x71: {  	s7 =	rddreg [dreg:$0xb];
	[sflag:s24] =	ssyncadd.s32 $0xFFFFFE00  }
0x72: {  	[tilespmem:s25], [sflag:$0x6] =	stream.linear.gather [hbm4b:s7+s21], $0x200, $0x38;
	[tilespmem:$0x1C800] =	vst v63  }
0x73: {  	s8 =	rddreg [dreg:$0xc]  }
0x74: {  	[tilespmem:s26], [sflag:$0x7] =	stream.linear.gather [hbm4b:s8+s21], $0x200, $0x38;
	[tilespmem:$0x1C800] =	vst v63  }
0x75: {  	_ = 	snop  }
0x76: {  	[tilespmem:s20], [sflag:$0x1] =	stream.indirect.gather [hbm4b:s4+s28], $0x80, s21, s28, $0xb8;
	[tilespmem:$0x1C800] =	vst v63  }
0x77: {  	_ = 	snop  }
0x78: {  	[spmem:s2] =	stream.indirect.scatter.add.f32 [tilespmem:s29], [sflag:$0x4], $0x80, s22, s28, $0xb8;
	[tilespmem:$0x1C800] =	vst v63  }
.LBB2_4:
0x79: {  	_ =	swait.ge [sflag:s30], $0x4000  }
0x7a: {  	[sflag:s30] =	ssyncset.done $0x0  }
0x7b: {  	[sflag:s30] =	ssyncadd.s32 $0xFFFFC000  }
0x7c: {  	_ =	swait.ge [sflag:s31], $0x4000  }
0x7d: {  	[sflag:s31] =	ssyncset.done $0x0  }
0x7e: {  	[sflag:s31] =	ssyncadd.s32 $0xFFFFC000  }
0x7f: {  	[tilespmem:s29], [sflag:$0x2] =	stream.indirect.gather [hbm4b:s4+s28], $0x80, s28, s28, $0xb8;
	[tilespmem:$0x1C800] =	vst v63  }
0x80: {  	_ = 	snop  }
0x81: {  	[spmem:s2] =	stream.indirect.scatter.add.f32 [tilespmem:s20], [sflag:$0x3], $0x80, s22, s28, $0xb8;
	[tilespmem:$0x1C800] =	vst v63  }
0x82: {  	_ =	swait.ge [sflag:s1], $0x4000  }
0x83: {  	[sflag:s1] =	ssyncset.done $0x0  }
0x84: {  	[sflag:s1] =	ssyncadd.s32 $0xFFFFC000  }
0x85: {  	_ =	swait.ge [sflag:s0], $0x4000  }
0x86: {  	[sflag:s0] =	ssyncset.done $0x0  }
0x87: {  	s6 =	simm.s32 $0x100;
	[sflag:s0] =	ssyncadd.s32 $0xFFFFC000  }
0x88: {  	[tilespmem:s20], [sflag:$0x1] =	stream.indirect.gather [hbm4b:s4+s28], $0x80, s6, s28, $0xb8;
	[tilespmem:$0x1C800] =	vst v63  }
0x89: {  	s7 =	simm.s32 $0x280  }
0x8a: {  	[spmem:s2] =	stream.indirect.scatter.add.f32 [tilespmem:s29], [sflag:$0x4], $0x80, s7, s28, $0xb8;
	[tilespmem:$0x1C800] =	vst v63  }
0x8b: {  	_ =	swait.ge [sflag:s30], $0x4000  }
0x8c: {  	[sflag:s30] =	ssyncset.done $0x0  }
0x8d: {  	[sflag:s30] =	ssyncadd.s32 $0xFFFFC000  }
0x8e: {  	_ =	swait.ge [sflag:s31], $0x4000  }
0x8f: {  	[sflag:s31] =	ssyncset.done $0x0  }
0x90: {  	s8 =	simm.s32 $0x180;
	[sflag:s31] =	ssyncadd.s32 $0xFFFFC000  }
0x91: {  	[tilespmem:s29], [sflag:$0x2] =	stream.indirect.gather [hbm4b:s4+s28], $0x80, s8, s28, $0xb8;
	[tilespmem:$0x1C800] =	vst v63  }
0x92: {  	_ = 	snop  }
0x93: {  	[spmem:s2] =	stream.indirect.scatter.add.f32 [tilespmem:s20], [sflag:$0x3], $0x80, s9, s28, $0xb8;
	[tilespmem:$0x1C800] =	vst v63  }
0x94: {  	_ =	swait.ge [sflag:s1], $0x4000  }
0x95: {  	[sflag:s1] =	ssyncset.done $0x0  }
0x96: {  	[sflag:s1] =	ssyncadd.s32 $0xFFFFC000  }
0x97: {  	_ =	swait.ge [sflag:s0], $0x4000  }
0x98: {  	[sflag:s0] =	ssyncset.done $0x0  }
0x99: {  	[sflag:s0] =	ssyncadd.s32 $0xFFFFC000  }
0x9a: {  	_ =	swait.ge [sflag:s23], $0x200  }
0x9b: {  	[sflag:s23] =	ssyncset.done $0x0  }
0x9c: {  	[sflag:s23] =	ssyncadd.s32 $0xFFFFFE00  }
0x9d: {  	_ =	swait.ge [sflag:s24], $0x200  }
0x9e: {  	[sflag:s24] =	ssyncset.done $0x0  }
0x9f: {  	[sflag:s24] =	ssyncadd.s32 $0xFFFFFE00  }
0xa0: {  	[tilespmem:s20], [sflag:$0x1] =	stream.indirect.gather [hbm4b:s4+s28], $0x80, s25, s28, $0xb8;
	[tilespmem:$0x1C800] =	vst v63  }
0xa1: {  	p0 =	seq.s32 s21, $0x980  }
0xa2: {  	[spmem:s2] =	stream.indirect.scatter.add.f32 [tilespmem:s29], [sflag:$0x4], $0x80, s10, s28, $0xb8;
	[tilespmem:$0x1C800] =	vst v63  }
0xa3: {  	s6 =	sadd.s32 @!p0 s21, s19;
	s7 =	simm.s32 @!p0 $0x0  }
0xa4: {  	[tilespmem:s7], [sflag:$0x6] =	stream.linear.gather @!p0 [hbm4b:s6+s7], $0x200, $0x38;
	[tilespmem:$0x1C800] =	vst v63  }
0xa5: {  	s8 =	simm.s32 @!p0 $0x200;
	s6 =	sadd.s32 @!p0 s21, s18  }
0xa6: {  	[tilespmem:s8], [sflag:$0x7] =	stream.linear.gather @!p0 [hbm4b:s6+s7], $0x200, $0x38;
	[tilespmem:$0x1C800] =	vst v63  }
0xa7: {  	_ =	swait.ge [sflag:s30], $0x4000  }
0xa8: {  	[sflag:s30] =	ssyncset.done $0x0  }
0xa9: {  	[sflag:s30] =	ssyncadd.s32 $0xFFFFC000  }
0xaa: {  	_ =	swait.ge [sflag:s31], $0x4000  }
0xab: {  	[sflag:s31] =	ssyncset.done $0x0  }
0xac: {  	[sflag:s31] =	ssyncadd.s32 $0xFFFFC000  }
0xad: {  	[tilespmem:s29], [sflag:$0x2] =	stream.indirect.gather [hbm4b:s4+s28], $0x80, s11, s28, $0xb8;
	[tilespmem:$0x1C800] =	vst v63  }
0xae: {  	_ = 	snop  }
0xaf: {  	[spmem:s2] =	stream.indirect.scatter.add.f32 [tilespmem:s20], [sflag:$0x3], $0x80, s26, s28, $0xb8;
	[tilespmem:$0x1C800] =	vst v63  }
0xb0: {  	_ =	swait.ge [sflag:s1], $0x4000  }
0xb1: {  	[sflag:s1] =	ssyncset.done $0x0  }
0xb2: {  	[sflag:s1] =	ssyncadd.s32 $0xFFFFC000  }
0xb3: {  	_ =	swait.ge [sflag:s0], $0x4000  }
0xb4: {  	[sflag:s0] =	ssyncset.done $0x0  }
0xb5: {  	[sflag:s0] =	ssyncadd.s32 $0xFFFFC000  }
0xb6: {  	[tilespmem:s20], [sflag:$0x1] =	stream.indirect.gather [hbm4b:s4+s28], $0x80, s12, s28, $0xb8;
	[tilespmem:$0x1C800] =	vst v63  }
0xb7: {  	_ = 	snop  }
0xb8: {  	[spmem:s2] =	stream.indirect.scatter.add.f32 [tilespmem:s29], [sflag:$0x4], $0x80, s13, s28, $0xb8;
	[tilespmem:$0x1C800] =	vst v63  }
0xb9: {  	_ =	swait.ge [sflag:s30], $0x4000  }
0xba: {  	[sflag:s30] =	ssyncset.done $0x0  }
0xbb: {  	[sflag:s30] =	ssyncadd.s32 $0xFFFFC000  }
0xbc: {  	_ =	swait.ge [sflag:s31], $0x4000  }
0xbd: {  	[sflag:s31] =	ssyncset.done $0x0  }
0xbe: {  	[sflag:s31] =	ssyncadd.s32 $0xFFFFC000  }
0xbf: {  	[tilespmem:s29], [sflag:$0x2] =	stream.indirect.gather [hbm4b:s4+s28], $0x80, s14, s28, $0xb8;
	[tilespmem:$0x1C800] =	vst v63  }
0xc0: {  	_ = 	snop  }
0xc1: {  	[spmem:s2] =	stream.indirect.scatter.add.f32 [tilespmem:s20], [sflag:$0x3], $0x80, s15, s28, $0xb8;
	[tilespmem:$0x1C800] =	vst v63  }
0xc2: {  	_ =	swait.ge [sflag:s1], $0x4000  }
.Ltmp3:
0xc3: {  	[sflag:s1] =	ssyncset.done $0x0;
	(pc) =	sbr.rel @p0 .LBB2_6-.Ltmp3, $4  }
0xc4: {  	[sflag:s1] =	ssyncadd.s32 $0xFFFFC000  }
0xc5: {  	_ =	swait.ge [sflag:s0], $0x4000  }
0xc6: {  	[sflag:s0] =	ssyncset.done $0x0  }
0xc7: {  	[sflag:s0] =	ssyncadd.s32 $0xFFFFC000  }
0xc8: {  	_ =	swait.ge [sflag:s23], $0x200  }
0xc9: {  	[sflag:s23] =	ssyncset.done $0x0  }
0xca: {  	[sflag:s23] =	ssyncadd.s32 $0xFFFFFE00  }
0xcb: {  	_ =	swait.ge [sflag:s24], $0x200  }
0xcc: {  	[sflag:s24] =	ssyncset.done $0x0  }
0xcd: {  	[sflag:s24] =	ssyncadd.s32 $0xFFFFFE00  }
0xce: {  	[tilespmem:s20], [sflag:$0x1] =	stream.indirect.gather [hbm4b:s4+s28], $0x80, s3, s28, $0xb8;
	[tilespmem:$0x1C800] =	vst v63  }
0xcf: {  	_ = 	snop  }
0xd0: {  	[spmem:s2] =	stream.indirect.scatter.add.f32 [tilespmem:s29], [sflag:$0x4], $0x80, s5, s28, $0xb8;
	[tilespmem:$0x1C800] =	vst v63  }
.Ltmp4:
0xd1: {  	_ = 	snop;
	(pc) =	sbr.rel .LBB2_4-.Ltmp4, $4  }
0xd2: {  	s6 =	sadd.s32 s21, s17  }
0xd3: {  	[tilespmem:s25], [sflag:$0x6] =	stream.linear.gather [hbm4b:s6+s3], $0x200, $0x38;
	[tilespmem:$0x1C800] =	vst v63  }
0xd4: {  	s8 =	sadd.s32 s21, s16;
	s21 =	sadd.s32 $0x80, s21  }
0xd5: {  	[tilespmem:s26], [sflag:$0x7] =	stream.linear.gather [hbm4b:s8+s3], $0x200, $0x38;
	[tilespmem:$0x1C800] =	vst v63  }
.LBB2_7:
0xd6: {  	_ =	sfence.sel $0x180000  }
0xd7: {  	[bflag:$0x0] =	sbarrier.arrive $0xFFFF  }
0xd8: {  	_ =	strace $0x9000004A  }
0xd9: {  	s0 =	stileid.u32;
	[bflag:$0x2] =	sbarrier.arrive $0xFFFF  }
0xda: {  	p0 =	sne.s32 s0, $0x0;
	s0 =	rddreg [dreg:$0x3]  }
0xdb: {  	s0 =	sadd.s32 @!p0 $0x100000, s0  }
0xdc: {  	[sflag:s0] =	ssyncadd.tile.s32 @!p0 $0x1;
	_ =	shalt  }
.Lfunc_end2:
_tile_overlayer_lowered:
.L_overlay_start_2:
0xdd: {  	(tag) =	ssettag $0x2  }
0xde: {  	s0 =	rddreg [dreg:$0x0];
	s2 =	stileid.u32  }
0xdf: {  	s1 =	rddreg [dreg:$0x1];
	p0 =	sne.s32 s2, $0x0  }
0xe0: {  	s3 =	rddreg [dreg:$0x2];
	[bflag:$0x3] =	sbarrier.arrive $0xFFFF;
	s2 =	simm.s32 @!p0 $0x1C08  }
0xe1: {  	[timem:s3], [sflag:s2] =	dma.local @!p0 [hbm:s0], s1  }
0xe2: {  	s0 =	simm.s32 @!p0 $0x8  }
0xe3: {  	_ =	swait.ge @!p0 [sflag:s0], s1  }
0xe4: {  	s1 =	ssub.s32 @!p0 $0x0, s1;
	[sflag:s0] =	ssyncset.done @!p0 $0x0  }
0xe5: {  	[sflag:s0] =	ssyncadd.s32 @!p0 s1  }
0xe6: {  	[bflag:$0x3] =	sbarrier.arrive $0xFFFF  }
0xe7: {  	_ =	shalt  }

// kernel: kernel.14.cloned.1.call-start
scs
__scs_entry_jumppad:
0x0: {  	(pc) =	sbr.rel $0x88, $3  }
0x1: {  	(tag) =	ssettag $0x0;
	lr =	simm.s32 $0x1  }
0x2: {  	[smem:$0x3F9B] =	sst lr;
	_ =	strace $0xD0000000  }
0x3: {  	_ = 	snop  }
0x4: {  	_ = 	snop  }
0x5: {  	_ = 	snop  }
0x6: {  	_ = 	snop  }
0x7: {  	_ = 	snop  }
__scs_overlays_trampoline_lowered:
0x8: {  	[smem:$0x3FAA] =	sst s0  }
0x9: {  	[smem:$0x3FAB] =	sst s1  }
0xa: {  	[smem:$0x3FAC] =	sst s2  }
0xb: {  	[smem:$0x3FAD] =	sst s3  }
0xc: {  	[smem:$0x3FAE] =	sst s4  }
0xd: {  	[smem:$0x3FAF] =	sst s5  }
0xe: {  	[smem:$0x3FB0] =	sst s6  }
0xf: {  	[smem:$0x3FB1] =	sst s7  }
0x10: {  	[smem:$0x3FB2] =	sst s8  }
0x11: {  	[smem:$0x3FB3] =	sst s9;
	s0 =	simm.s32 @!p0 $0x0  }
0x12: {  	s1 =	sld [smem:$0x3F99];
	s0 =	simm.s32 @p0 $0x1  }
0x13: {  	[smem:$0x3FB4] =	sst s0;
	s0 =	simm.s32 @!p1 $0x0  }
0x14: {  	s2 =	sld [smem:$0x3F98];
	s0 =	simm.s32 @p1 $0x1  }
0x15: {  	[smem:$0x3FB5] =	sst s0;
	s0 =	simm.s32 @!p2 $0x0  }
0x16: {  	s3 =	sld [smem:$0x3FDB];
	s0 =	simm.s32 @p2 $0x1  }
0x17: {  	s4 =	simm.s32 $0x1BF5;
	[smem:$0x3FB7] =	sst s0  }
0x18: {  	s0 =	sld [smem:$0x3F9A];
	_ =	swait.ge [sflag:s4], $0x0  }
0x19: {  	s7 =	sld [smem:$0x3F9B]  }
0x1a: {  	s8 =	sadd.s32 $0xFFFFE003, lr  }
0x1b: {  	s9 =	sadd.s32 $0xFFFFFEF7, lr;
	s5 =	simm.s32 $0xFFFFFFFF;
	p2 =	slt.u32 s8, $0xFFFFF086  }
0x1c: {  	p1 =	slt.u32 s9, $0xF7A;
	s5 =	simm.s32 @!p2 $0x0  }
0x1d: {  	s5 =	simm.s32 @p1 $0x1;
	p0 =	seq.s32 s7, s2  }
0x1e: {  	s7 =	smul.u32 @!p0 $0xF7A, s2;
	p2 =	seq.s32 @!p0 s5, $0x0  }
0x1f: {  	s9 =	smul.u32 $0xF7A, s1;
	s8 =	simm.s32 @!p0 $0x1BF5;
	p2 =	por !p2, p0  }
0x20: {  	[sflag:s8] =	ssyncset.s32 @!p0 $0xFFFFF086;
	s6 =	sadd.s32 @!p0 s3, s7;
	s7 =	simm.s32 @!p0 $0x108  }
0x21: {  	s3 =	sadd.s32 s3, s9;
	s6 =	sadd.s32 @!p0 $0x88, s6;
	s7 =	simm.s32 @p2 $0x1082  }
0x22: {  	[simem:s7], [sflag:s8] =	dma.local @!p0 [hbm:s6], $0xF7A  }
0x23: {  	s9 =	sor.u32 $0xD0000000, s2;
	s6 =	simm.s32 $0x108;
	_ =	swait.ge @!p0 [sflag:s8], $0x0  }
0x24: {  	s3 =	sadd.s32 $0x88, s3;
	s6 =	simm.s32 @!p1 $0x1082;
	[sflag:s4] =	ssyncset.s32 $0xFFFFF086  }
0x25: {  	[simem:s6], [sflag:s4] =	dma.local [hbm:s3], $0xF7A  }
0x26: {  	[smem:$0x3F9B] =	sst s1;
	(tag) =	ssettag s2;
	_ =	strace s9  }
0x27: {  	s1 =	sld [smem:$0x3FAB]  }
0x28: {  	s2 =	sld [smem:$0x3FAC]  }
0x29: {  	s4 =	sld [smem:$0x3FAE]  }
0x2a: {  	p0 =	seq.s32 s5, $0x0;
	s5 =	sld [smem:$0x3FAF]  }
0x2b: {  	s6 =	sld [smem:$0x3FB0]  }
0x2c: {  	s7 =	sld [smem:$0x3FB1]  }
0x2d: {  	s3 =	simm.s32 $0x108;
	s8 =	sld [smem:$0x3FB2]  }
0x2e: {  	s3 =	simm.s32 @!p0 $0x1082;
	s9 =	sld [smem:$0x3FB3]  }
0x2f: {  	lr =	sadd.s32 s0, s3;
	s0 =	sld [smem:$0x3FAA]  }
0x30: {  	s3 =	sld [smem:$0x3FAD]  }
0x31: {  	[smem:$0x3FB6] =	sst s10  }
0x32: {  	s10 =	sld [smem:$0x3FB4];
	_ =	sdelay $0x3  }
0x33: {  	p0 =	seq.s32 s10, $0x1;
	s10 =	sld [smem:$0x3FB6];
	_ =	sdelay $0x3  }
0x34: {  	[smem:$0x3FB6] =	sst s10  }
0x35: {  	s10 =	sld [smem:$0x3FB5];
	_ =	sdelay $0x3  }
0x36: {  	p1 =	seq.s32 s10, $0x1;
	s10 =	sld [smem:$0x3FB6];
	_ =	sdelay $0x3  }
0x37: {  	[smem:$0x3FB6] =	sst s10  }
0x38: {  	s10 =	sld [smem:$0x3FB7]  }
0x39: {  	_ = 	snop;
	(pc) =	sbr.ind lr, $3  }
0x3a: {  	_ = 	snop  }
0x3b: {  	_ = 	snop  }
0x3c: {  	p2 =	seq.s32 s10, $0x1;
	s10 =	sld [smem:$0x3FB6]  }
0x3d: {  	_ =	shalt  }
0x3e: {  	_ =	shalt  }
0x3f: {  	_ =	shalt  }
0x40: {  	_ =	shalt  }
0x41: {  	_ =	shalt  }
0x42: {  	_ =	shalt  }
0x43: {  	_ =	shalt  }
0x44: {  	_ =	shalt  }
0x45: {  	_ =	shalt  }
0x46: {  	_ =	shalt  }
0x47: {  	_ =	shalt  }
0x48: {  	_ =	shalt  }
0x49: {  	_ =	shalt  }
0x4a: {  	_ =	shalt  }
0x4b: {  	_ =	shalt  }
0x4c: {  	_ =	shalt  }
0x4d: {  	_ =	shalt  }
0x4e: {  	_ =	shalt  }
0x4f: {  	_ =	shalt  }
0x50: {  	_ =	shalt  }
0x51: {  	_ =	shalt  }
0x52: {  	_ =	shalt  }
0x53: {  	_ =	shalt  }
0x54: {  	_ =	shalt  }
0x55: {  	_ =	shalt  }
0x56: {  	_ =	shalt  }
0x57: {  	_ =	shalt  }
0x58: {  	_ =	shalt  }
0x59: {  	_ =	shalt  }
0x5a: {  	_ =	shalt  }
0x5b: {  	_ =	shalt  }
0x5c: {  	_ =	shalt  }
0x5d: {  	_ =	shalt  }
0x5e: {  	_ =	shalt  }
0x5f: {  	_ =	shalt  }
0x60: {  	_ =	shalt  }
0x61: {  	_ =	shalt  }
0x62: {  	_ =	shalt  }
0x63: {  	_ =	shalt  }
0x64: {  	_ =	shalt  }
0x65: {  	_ =	shalt  }
0x66: {  	_ =	shalt  }
0x67: {  	_ =	shalt  }
0x68: {  	_ =	shalt  }
0x69: {  	_ =	shalt  }
0x6a: {  	_ =	shalt  }
0x6b: {  	_ =	shalt  }
0x6c: {  	_ =	shalt  }
0x6d: {  	_ =	shalt  }
0x6e: {  	_ =	shalt  }
0x6f: {  	_ =	shalt  }
0x70: {  	_ =	shalt  }
0x71: {  	_ =	shalt  }
0x72: {  	_ =	shalt  }
0x73: {  	_ =	shalt  }
0x74: {  	_ =	shalt  }
0x75: {  	_ =	shalt  }
0x76: {  	_ =	shalt  }
0x77: {  	_ =	shalt  }
0x78: {  	_ =	shalt  }
0x79: {  	_ =	shalt  }
0x7a: {  	_ =	shalt  }
0x7b: {  	_ =	shalt  }
0x7c: {  	_ =	shalt  }
0x7d: {  	_ =	shalt  }
0x7e: {  	_ =	shalt  }
0x7f: {  	_ =	shalt  }
0x80: {  	_ =	shalt  }
0x81: {  	_ =	shalt  }
0x82: {  	_ =	shalt  }
0x83: {  	_ =	shalt  }
0x84: {  	_ =	shalt  }
0x85: {  	_ =	shalt  }
0x86: {  	_ =	shalt  }
0x87: {  	_ =	shalt  }
.Lfunc_end0:
.L_simem_size_0:
called_computation.2_lowered:
.L_overlay_start_0:
0x88: {  	s2 =	sld [smem:$0x3FD9]  }
0x89: {  	s3 =	sld [smem:$0x3FFE];
	_ =	sdelay $0x1  }
0x8a: {  	s1 =	srdreg.scid  }
0x8b: {  	s0 =	sand.u32 $0x1, s1  }
0x8c: {  	s17 =	sshll.u32 s0, $0xA;
	s2 =	sadd.s32 s3, s2  }
0x8d: {  	s2 =	sadd.s32 s2, s17  }
0x8e: {  	[smem:$0x3FC2] =	sst s2  }
0x8f: {  	_ = 	snop  }
0x90: {  	s2 =	sld [smem:$0x3FD0];
	(tm) =	ssettm $0x1  }
0x91: {  	s18 =	sld [smem:$0x3FFB];
	_ =	sdelay $0x3  }
0x92: {  	_ =	strace s18  }
0x93: {  	s3 =	sld [smem:$0x3FFC];
	_ =	sdelay $0x3  }
0x94: {  	_ =	strace s3  }
0x95: {  	s3 =	sld [smem:$0x3FFD];
	_ =	sdelay $0x3  }
0x96: {  	_ =	strace s3  }
0x97: {  	_ =	strace $0x8FFFFFFF  }
0x98: {  	s19 =	sld [smem:$0x3FDB];
	_ =	sdelay $0x1  }
0x99: {  	s4 =	simm.s32 $_scs_section_size  }
0x9a: {  	s5 =	simm.s32 $_size__tile_overlayer_lowered;
	s6 =	simm.s32 $_tile_overlayer_lowered  }
0x9b: {  	s22 =	simm.s32 $0x1BFF;
	s21 =	sshll.u32 s6, $0x1;
	s3 =	sadd.s32 s4, s19  }
0x9c: {  	s7 =	simm.s32 $0x0;
	s20 =	sshll.u32 s5, $0x1;
	s5 =	sadd.s32 s21, s3  }
0x9d: {  	[timem:s7], [sflag:s22] =	dma.local [hbm:s5], s20  }
0x9e: {  	_ =	swait.ge [sflag:s22], s20  }
0x9f: {  	s4 =	ssub.s32 $0x0, s20;
	[sflag:s22] =	ssyncset.done $0x0  }
0xa0: {  	[sflag:s22] =	ssyncadd.s32 s4;
	_ =	sdelay $0x1  }
0xa1: {  	s23 =	simm.s32 $0x1B8B  }
0xa2: {  	_ =	swait.ge [sflag:s23], $0x1  }
0xa3: {  	[sflag:s23] =	ssyncset.done $0x0  }
0xa4: {  	s25 =	simm.s32 $0x1B8E;
	s24 =	sld [smem:$0x3FFE];
	[sflag:s23] =	ssyncadd.s32 $0xFFFFFFFF  }
0xa5: {  	s26 =	simm.s32 $execute0_lowered;
	[smem:$0x3FD2] =	sst s25  }
0xa6: {  	s5 =	sshll.u32 s26, $0x1;
	_ =	strace $0x8000004C;
	[dreg:$0x1] =	wrdreg $0xFFFFFFFF  }
0xa7: {  	s28 =	simm.s32 $_size_execute0_lowered;
	s3 =	sadd.s32 s3, s5;
	[dreg:$0x0] =	wrdreg $0x0  }
0xa8: {  	s5 =	sshll.u32 s28, $0x1;
	[dreg:$0x2] =	wrdreg s3  }
0xa9: {  	[dreg:$0x3] =	wrdreg s5  }
0xaa: {  	[dreg:$0x4] =	wrdreg $0xC0  }
0xab: {  	_ =	task [dreg:s7], $0x5FFFF  }
0xac: {  	[dreg:$0x1] =	wrdreg $0xFFFFFFFF  }
0xad: {  	[dreg:$0x0] =	wrdreg $0x60  }
0xae: {  	[dreg:$0x2] =	wrdreg s24  }
0xaf: {  	[dreg:$0x3] =	wrdreg s2  }
0xb0: {  	[dreg:$0x4] =	wrdreg $0x88000  }
0xb1: {  	[dreg:$0x5] =	wrdreg $0x9  }
0xb2: {  	_ =	task.clear_ibuf [dreg:s7], $0x6FFFF;
	_ =	strace $0x9000004C  }
0xb3: {  	s29 =	simm.s32 $0x9;
	_ =	strace $0x8000004E  }
0xb4: {  	_ =	swait.ge [sflag:s29], $0x1  }
0xb5: {  	[sflag:s29] =	ssyncadd.s32 $0xFFFFFFFF  }
0xb6: {  	_ =	strace $0x9000004E  }
0xb7: {  	_ =	sfence  }
0xb8: {  	s30 =	sld [smem:$0x0];
	_ =	sdelay $0x2  }
0xb9: {  	s31 =	sshll.u32 s1, $0xD;
	s1 =	sshrl.u32 s1, $0x2  }
0xba: {  	s3 =	sand.u32 $0x4000, s31;
	s1 =	sadd.s32 s1, s30  }
0xbb: {  	s0 =	sor.u32 s3, s0;
	s1 =	sshll.u32 s1, $0x11  }
0xbc: {  	s0 =	sor.u32 s1, s0  }
0xbd: {  	s0 =	sadd.s32 $0x8F2B, s0  }
0xbe: {  	[sflag:s0] =	ssyncadd.remote.s32 $0x1  }
0xbf: {  	_ =	sfence.sel $0xFFFF  }
0xc0: {  	[dreg:$0x0] =	wrdreg $0xFFFFFFFF;
	(pc) =	sbr.abs _section_cstart, $3  }
0xc1: {  	[dreg:$0x1] =	wrdreg $0xFFFFFFFF  }
0xc2: {  	_ =	task.clear_ibuf [dreg:s7], $0x2FFFF;
	_ =	strace $0x9FFFFFFF  }
0xc3: {  	(tm) =	ssettm $0x7FFFFFFF  }
tec
execute0_lowered:
.L_overlay_start_1:
0x0: {  	(tag) =	ssettag $0x1  }
0x1: {  	s0 =	rddreg [dreg:$0x0]  }
0x2: {  	s1 =	srdreg.scid;
	s5 =	rddreg [dreg:$0x1]  }
0x3: {  	s11 =	stileid.u32;
	s2 =	rddreg [dreg:$0x2];
	s3 =	simm.s32 $0x0  }
0x4: {  	s28 =	simm.s32 $0x80;
	s29 =	simm.s32 $0x4800;
	s30 =	simm.s32 $0x1  }
0x5: {  	s31 =	simm.s32 $0x4;
	s13 =	simm.s32 $0x680;
	s6 =	smul.u32 $0x14000, s11  }
0x6: {  	s14 =	simm.s32 $0x580;
	s15 =	simm.s32 $0x700;
	s7 =	smul.u32 $0x50000, s11  }
0x7: {  	s1 =	sand.u32 $0x1, s1;
	[smem:$0x7FF] =	sst s3;
	s22 =	smul.u32 $0x5000, s11  }
0x8: {  	s8 =	sadd.s32 $0x3200, s0;
	s4 =	smul.u32 $0x140000, s1;
	_ =	strace $0x8000004D  }
0x9: {  	s17 =	ssub.s32 $0x2, s1;
	s9 =	sshll.u32 s1, $0x4;
	s1 =	smul.u32 $0x50000, s1  }
0xa: {  	s7 =	sshrl.u32 s7, $0x2;
	s10 =	sshrl.u32 s17, $0x1;
	s9 =	sor.u32 s11, s9  }
0xb: {  	s11 =	simm.s32 $0x480;
	s4 =	sadd.s32 s6, s4;
	s12 =	sadd.s32 s7, s2  }
0xc: {  	s18 =	smul.u32 $0x5000, s9;
	s1 =	sadd.s32 s22, s1;
	s22 =	simm.s32 $0x200  }
0xd: {  	s9 =	simm.s32 $0x300;
	s6 =	sshrl.u32 s4, $0x3;
	s4 =	sadd.s32 $0x17200, s0  }
0xe: {  	s7 =	sadd.s32 $0x4000, s12;
	s19 =	sadd.s32 $0x8000, s12;
	[dreg:$0x4] =	wrdreg s12  }
0xf: {  	s20 =	sadd.s32 $0xC000, s12;
	s21 =	sadd.s32 $0x10000, s12;
	[dreg:$0x5] =	wrdreg s7  }
0x10: {  	s26 =	sor.u32 $0x600, s1;
	s1 =	sor.u32 $0x400, s1;
	[dreg:$0x6] =	wrdreg s19  }
0x11: {  	s12 =	simm.s32 $0x500;
	s0 =	sadd.s32 s6, s0;
	[dreg:$0x7] =	wrdreg s20  }
0x12: {  	s6 =	ssub.s32 s17, s10;
	[dreg:$0x8] =	wrdreg s21;
	s7 =	sshrl.u32 s18, $0x3  }
0x13: {  	s1 =	sshrl.u32 s1, $0x3;
	s20 =	simm.s32 $0x800;
	s10 =	simm.s32 $0x380  }
0x14: {  	s23 =	sadd.s32 s5, s7;
	s24 =	sadd.s32 s8, s7;
	s7 =	sor.u32 $0x40, s7  }
0x15: {  	s0 =	sadd.s32 $0x3F200, s0;
	s6 =	smax.u32 s6, $0x1;
	[dreg:$0x9] =	wrdreg s23  }
0x16: {  	s18 =	sadd.s32 s1, s8;
	s19 =	sadd.s32 s1, s5;
	[dreg:$0xa] =	wrdreg s24  }
0x17: {  	s1 =	simm.s32 $0x2;
	s25 =	sadd.s32 s5, s7;
	[dreg:$0xd] =	wrdreg s0  }
.Ltmp0:
0x18: {  	s7 =	sadd.s32 s8, s7;
	[dreg:$0xe] =	wrdreg s6;
	(pc) =	sbr.rel .LBB2_1-.Ltmp0, $4  }
0x19: {  	s0 =	sshrl.u32 s26, $0x3;
	s23 =	simm.s32 $0x6;
	[dreg:$0xb] =	wrdreg s25  }
0x1a: {  	s24 =	simm.s32 $0x7;
	s26 =	simm.s32 $0x600;
	[dreg:$0xc] =	wrdreg s7  }
0x1b: {  	s16 =	sadd.s32 s0, s8;
	s17 =	sadd.s32 s0, s5;
	s25 =	simm.s32 $0x400  }
0x1c: {  	v0 =	vimm.f32 $0.0e+00;
	s0 =	simm.s32 $0x3;
	s5 =	simm.s32 $0x780;
	s8 =	simm.s32 $0x0  }
.LBB2_6:
0x1d: {  	[spmem:s2] =	stream.indirect.scatter.add.f32 [tilespmem:s29], [sflag:$0x4], $0x80, s5, s28, $0xb8;
	[tilespmem:$0x1C800] =	vst v63  }
0x1e: {  	_ =	swait.ge [sflag:s31], $0x4000  }
0x1f: {  	[sflag:s31] =	ssyncset.done $0x0  }
0x20: {  	[sflag:s31] =	ssyncadd.s32 $0xFFFFC000  }
0x21: {  	s6 =	stileid.u32;
	[bflag:$0x0] =	sbarrier.arrive $0xFFFF  }
0x22: {  	s6 =	sshll.u32 s6, $0x6;
	s7 =	rddreg [dreg:$0x4]  }
0x23: {  	s6 =	sor.u32 $0x1C08, s6;
	s8 =	rddreg [dreg:$0xd];
	s7 =	sshrl.u32 s7, $0x3  }
0x24: {  	[hbm:s8], [sflag:s6] =	dma.local [spmem:s7], $0x2800  }
0x25: {  	s7 =	simm.s32 $0x8  }
0x26: {  	_ =	swait.ge [sflag:s7], $0x2800  }
0x27: {  	s6 =	rddreg [dreg:$0xf]  }
0x28: {  	s21 =	rddreg [dreg:$0xe];
	s8 =	sadd.s32 $0x1, s6  }
0x29: {  	p0 =	sne.s32 s8, s21  }
.Ltmp1:
0x2a: {  	_ = 	snop;
	(pc) =	sbr.rel @!p0 .LBB2_7-.Ltmp1, $3  }
0x2b: {  	_ =	sdelay $0x1  }
0x2c: {  	[sflag:s7] =	ssyncset.done $0x0  }
0x2d: {  	[sflag:s7] =	ssyncadd.s32 $0xFFFFD800  }
.LBB2_1:
0x2e: {  	[dreg:$0xf] =	wrdreg s8;
	s21 =	simm.s32 $0x0;
	s6 =	simm.s32 $0x200  }
.LBB2_2:
0x2f: {  	p0 =	sne.s32 s6, $0xFE00;
	[tilespmem:s21+$0x4870] =	vst v0  }
0x30: {  	[tilespmem:s21+$0x800] =	vst v0  }
0x31: {  	[tilespmem:s21+$0x4800] =	vst v0  }
0x32: {  	[tilespmem:s21+$0x810] =	vst v0  }
0x33: {  	[tilespmem:s21+$0x4810] =	vst v0  }
0x34: {  	[tilespmem:s21+$0x820] =	vst v0  }
0x35: {  	[tilespmem:s21+$0x4820] =	vst v0  }
0x36: {  	[tilespmem:s21+$0x830] =	vst v0  }
0x37: {  	[tilespmem:s21+$0x4830] =	vst v0  }
0x38: {  	[tilespmem:s21+$0x840] =	vst v0  }
0x39: {  	[tilespmem:s21+$0x4840] =	vst v0  }
.Ltmp2:
0x3a: {  	[tilespmem:s21+$0x850] =	vst v0;
	(pc) =	sbr.rel @p0 .LBB2_2-.Ltmp2, $4  }
0x3b: {  	[tilespmem:s21+$0x4850] =	vst v0  }
0x3c: {  	[tilespmem:s21+$0x860] =	vst v0  }
0x3d: {  	[tilespmem:s21+$0x4860] =	vst v0  }
0x3e: {  	[tilespmem:s21+$0x870] =	vst v0;
	s21 =	sshra.s32 s6, $0x2;
	s6 =	sadd.s32 $0x200, s6  }
0x3f: {  	[tilespmem:s21+$0x4870] =	vst v0  }
0x40: {  	[tilespmem:s21+$0x800] =	vst v0  }
0x41: {  	[tilespmem:s21+$0x4800] =	vst v0  }
0x42: {  	[tilespmem:s21+$0x810] =	vst v0  }
0x43: {  	[tilespmem:s21+$0x4810] =	vst v0  }
0x44: {  	[tilespmem:s21+$0x820] =	vst v0  }
0x45: {  	[tilespmem:s21+$0x4820] =	vst v0  }
0x46: {  	[tilespmem:s21+$0x830] =	vst v0  }
0x47: {  	[tilespmem:s21+$0x4830] =	vst v0  }
0x48: {  	[tilespmem:s21+$0x840] =	vst v0  }
0x49: {  	[tilespmem:s21+$0x4840] =	vst v0  }
0x4a: {  	[tilespmem:s21+$0x850] =	vst v0  }
0x4b: {  	[tilespmem:s21+$0x4850] =	vst v0  }
0x4c: {  	[tilespmem:s21+$0x860] =	vst v0  }
0x4d: {  	[tilespmem:s21+$0x4860] =	vst v0  }
0x4e: {  	[tilespmem:s21+$0x870] =	vst v0;
	s6 =	rddreg [dreg:$0x4]  }
0x4f: {  	[spmem:s6] =	stream.linear.scatter [tilespmem:s20], [sflag:$0x5], $0x4000, $0x38;
	[tilespmem:$0x1C800] =	vst v63  }
0x50: {  	s8 =	rddreg [dreg:$0x5]  }
0x51: {  	[spmem:s8] =	stream.linear.scatter [tilespmem:s20], [sflag:$0x5], $0x4000, $0x38;
	[tilespmem:$0x1C800] =	vst v63  }
0x52: {  	s21 =	rddreg [dreg:$0x6]  }
0x53: {  	[spmem:s21] =	stream.linear.scatter [tilespmem:s20], [sflag:$0x5], $0x4000, $0x38;
	[tilespmem:$0x1C800] =	vst v63  }
0x54: {  	s7 =	rddreg [dreg:$0x7]  }
0x55: {  	[spmem:s7] =	stream.linear.scatter [tilespmem:s20], [sflag:$0x5], $0x4000, $0x38;
	[tilespmem:$0x1C800] =	vst v63  }
0x56: {  	s8 =	rddreg [dreg:$0x8];
	s21 =	simm.s32 $0x5  }
0x57: {  	[spmem:s8] =	stream.linear.scatter [tilespmem:s20], [sflag:$0x5], $0x4000, $0x38;
	[tilespmem:$0x1C800] =	vst v63  }
0x58: {  	_ =	swait.ge [sflag:s21], $0x4000  }
0x59: {  	[sflag:s21] =	ssyncset.done $0x0  }
0x5a: {  	[sflag:s21] =	ssyncadd.s32 $0xFFFFC000  }
0x5b: {  	_ =	swait.ge [sflag:s21], $0x4000  }
0x5c: {  	[sflag:s21] =	ssyncset.done $0x0  }
0x5d: {  	[sflag:s21] =	ssyncadd.s32 $0xFFFFC000  }
0x5e: {  	_ =	swait.ge [sflag:s21], $0x4000  }
0x5f: {  	[sflag:s21] =	ssyncset.done $0x0  }
0x60: {  	[sflag:s21] =	ssyncadd.s32 $0xFFFFC000  }
0x61: {  	_ =	swait.ge [sflag:s21], $0x4000  }
0x62: {  	[sflag:s21] =	ssyncset.done $0x0  }
0x63: {  	[sflag:s21] =	ssyncadd.s32 $0xFFFFC000  }
0x64: {  	_ =	swait.ge [sflag:s21], $0x4000  }
0x65: {  	[sflag:s21] =	ssyncset.done $0x0  }
0x66: {  	[sflag:s21] =	ssyncadd.s32 $0xFFFFC000  }
0x67: {  	[bflag:$0x0] =	sbarrier.arrive $0xFFFF  }
0x68: {  	s21 =	simm.s32 $0x0;
	s7 =	rddreg [dreg:$0x9]  }
0x69: {  	[tilespmem:s21], [sflag:$0x6] =	stream.linear.gather [hbm4b:s7+s21], $0x200, $0x38;
	[tilespmem:$0x1C800] =	vst v63  }
0x6a: {  	s8 =	rddreg [dreg:$0xa]  }
0x6b: {  	[tilespmem:s22], [sflag:$0x7] =	stream.linear.gather [hbm4b:s8+s21], $0x200, $0x38;
	[tilespmem:$0x1C800] =	vst v63  }
0x6c: {  	_ =	swait.ge [sflag:s23], $0x200  }
0x6d: {  	[sflag:s23] =	ssyncset.done $0x0  }
0x6e: {  	[sflag:s23] =	ssyncadd.s32 $0xFFFFFE00  }
0x6f: {  	_ =	swait.ge [sflag:s24], $0x200  }
0x70: {  	[sflag:s24] =	ssyncset.done $0x0  }
0x71: {  	s7 =	rddreg [dreg:$0xb];
	[sflag:s24] =	ssyncadd.s32 $0xFFFFFE00  }
0x72: {  	[tilespmem:s25], [sflag:$0x6] =	stream.linear.gather [hbm4b:s7+s21], $0x200, $0x38;
	[tilespmem:$0x1C800] =	vst v63  }
0x73: {  	s8 =	rddreg [dreg:$0xc]  }
0x74: {  	[tilespmem:s26], [sflag:$0x7] =	stream.linear.gather [hbm4b:s8+s21], $0x200, $0x38;
	[tilespmem:$0x1C800] =	vst v63  }
0x75: {  	_ = 	snop  }
0x76: {  	[tilespmem:s20], [sflag:$0x1] =	stream.indirect.gather [hbm4b:s4+s28], $0x80, s21, s28, $0xb8;
	[tilespmem:$0x1C800] =	vst v63  }
0x77: {  	_ = 	snop  }
0x78: {  	[spmem:s2] =	stream.indirect.scatter.add.f32 [tilespmem:s29], [sflag:$0x4], $0x80, s22, s28, $0xb8;
	[tilespmem:$0x1C800] =	vst v63  }
.LBB2_4:
0x79: {  	_ =	swait.ge [sflag:s30], $0x4000  }
0x7a: {  	[sflag:s30] =	ssyncset.done $0x0  }
0x7b: {  	[sflag:s30] =	ssyncadd.s32 $0xFFFFC000  }
0x7c: {  	_ =	swait.ge [sflag:s31], $0x4000  }
0x7d: {  	[sflag:s31] =	ssyncset.done $0x0  }
0x7e: {  	[sflag:s31] =	ssyncadd.s32 $0xFFFFC000  }
0x7f: {  	[tilespmem:s29], [sflag:$0x2] =	stream.indirect.gather [hbm4b:s4+s28], $0x80, s28, s28, $0xb8;
	[tilespmem:$0x1C800] =	vst v63  }
0x80: {  	_ = 	snop  }
0x81: {  	[spmem:s2] =	stream.indirect.scatter.add.f32 [tilespmem:s20], [sflag:$0x3], $0x80, s22, s28, $0xb8;
	[tilespmem:$0x1C800] =	vst v63  }
0x82: {  	_ =	swait.ge [sflag:s1], $0x4000  }
0x83: {  	[sflag:s1] =	ssyncset.done $0x0  }
0x84: {  	[sflag:s1] =	ssyncadd.s32 $0xFFFFC000  }
0x85: {  	_ =	swait.ge [sflag:s0], $0x4000  }
0x86: {  	[sflag:s0] =	ssyncset.done $0x0  }
0x87: {  	s6 =	simm.s32 $0x100;
	[sflag:s0] =	ssyncadd.s32 $0xFFFFC000  }
0x88: {  	[tilespmem:s20], [sflag:$0x1] =	stream.indirect.gather [hbm4b:s4+s28], $0x80, s6, s28, $0xb8;
	[tilespmem:$0x1C800] =	vst v63  }
0x89: {  	s7 =	simm.s32 $0x280  }
0x8a: {  	[spmem:s2] =	stream.indirect.scatter.add.f32 [tilespmem:s29], [sflag:$0x4], $0x80, s7, s28, $0xb8;
	[tilespmem:$0x1C800] =	vst v63  }
0x8b: {  	_ =	swait.ge [sflag:s30], $0x4000  }
0x8c: {  	[sflag:s30] =	ssyncset.done $0x0  }
0x8d: {  	[sflag:s30] =	ssyncadd.s32 $0xFFFFC000  }
0x8e: {  	_ =	swait.ge [sflag:s31], $0x4000  }
0x8f: {  	[sflag:s31] =	ssyncset.done $0x0  }
0x90: {  	s8 =	simm.s32 $0x180;
	[sflag:s31] =	ssyncadd.s32 $0xFFFFC000  }
0x91: {  	[tilespmem:s29], [sflag:$0x2] =	stream.indirect.gather [hbm4b:s4+s28], $0x80, s8, s28, $0xb8;
	[tilespmem:$0x1C800] =	vst v63  }
0x92: {  	_ = 	snop  }
0x93: {  	[spmem:s2] =	stream.indirect.scatter.add.f32 [tilespmem:s20], [sflag:$0x3], $0x80, s9, s28, $0xb8;
	[tilespmem:$0x1C800] =	vst v63  }
0x94: {  	_ =	swait.ge [sflag:s1], $0x4000  }
0x95: {  	[sflag:s1] =	ssyncset.done $0x0  }
0x96: {  	[sflag:s1] =	ssyncadd.s32 $0xFFFFC000  }
0x97: {  	_ =	swait.ge [sflag:s0], $0x4000  }
0x98: {  	[sflag:s0] =	ssyncset.done $0x0  }
0x99: {  	[sflag:s0] =	ssyncadd.s32 $0xFFFFC000  }
0x9a: {  	_ =	swait.ge [sflag:s23], $0x200  }
0x9b: {  	[sflag:s23] =	ssyncset.done $0x0  }
0x9c: {  	[sflag:s23] =	ssyncadd.s32 $0xFFFFFE00  }
0x9d: {  	_ =	swait.ge [sflag:s24], $0x200  }
0x9e: {  	[sflag:s24] =	ssyncset.done $0x0  }
0x9f: {  	[sflag:s24] =	ssyncadd.s32 $0xFFFFFE00  }
0xa0: {  	[tilespmem:s20], [sflag:$0x1] =	stream.indirect.gather [hbm4b:s4+s28], $0x80, s25, s28, $0xb8;
	[tilespmem:$0x1C800] =	vst v63  }
0xa1: {  	p0 =	seq.s32 s21, $0x980  }
0xa2: {  	[spmem:s2] =	stream.indirect.scatter.add.f32 [tilespmem:s29], [sflag:$0x4], $0x80, s10, s28, $0xb8;
	[tilespmem:$0x1C800] =	vst v63  }
0xa3: {  	s6 =	sadd.s32 @!p0 s21, s19;
	s7 =	simm.s32 @!p0 $0x0  }
0xa4: {  	[tilespmem:s7], [sflag:$0x6] =	stream.linear.gather @!p0 [hbm4b:s6+s7], $0x200, $0x38;
	[tilespmem:$0x1C800] =	vst v63  }
0xa5: {  	s8 =	simm.s32 @!p0 $0x200;
	s6 =	sadd.s32 @!p0 s21, s18  }
0xa6: {  	[tilespmem:s8], [sflag:$0x7] =	stream.linear.gather @!p0 [hbm4b:s6+s7], $0x200, $0x38;
	[tilespmem:$0x1C800] =	vst v63  }
0xa7: {  	_ =	swait.ge [sflag:s30], $0x4000  }
0xa8: {  	[sflag:s30] =	ssyncset.done $0x0  }
0xa9: {  	[sflag:s30] =	ssyncadd.s32 $0xFFFFC000  }
0xaa: {  	_ =	swait.ge [sflag:s31], $0x4000  }
0xab: {  	[sflag:s31] =	ssyncset.done $0x0  }
0xac: {  	[sflag:s31] =	ssyncadd.s32 $0xFFFFC000  }
0xad: {  	[tilespmem:s29], [sflag:$0x2] =	stream.indirect.gather [hbm4b:s4+s28], $0x80, s11, s28, $0xb8;
	[tilespmem:$0x1C800] =	vst v63  }
0xae: {  	_ = 	snop  }
0xaf: {  	[spmem:s2] =	stream.indirect.scatter.add.f32 [tilespmem:s20], [sflag:$0x3], $0x80, s26, s28, $0xb8;
	[tilespmem:$0x1C800] =	vst v63  }
0xb0: {  	_ =	swait.ge [sflag:s1], $0x4000  }
0xb1: {  	[sflag:s1] =	ssyncset.done $0x0  }
0xb2: {  	[sflag:s1] =	ssyncadd.s32 $0xFFFFC000  }
0xb3: {  	_ =	swait.ge [sflag:s0], $0x4000  }
0xb4: {  	[sflag:s0] =	ssyncset.done $0x0  }
0xb5: {  	[sflag:s0] =	ssyncadd.s32 $0xFFFFC000  }
0xb6: {  	[tilespmem:s20], [sflag:$0x1] =	stream.indirect.gather [hbm4b:s4+s28], $0x80, s12, s28, $0xb8;
	[tilespmem:$0x1C800] =	vst v63  }
0xb7: {  	_ = 	snop  }
0xb8: {  	[spmem:s2] =	stream.indirect.scatter.add.f32 [tilespmem:s29], [sflag:$0x4], $0x80, s13, s28, $0xb8;
	[tilespmem:$0x1C800] =	vst v63  }
0xb9: {  	_ =	swait.ge [sflag:s30], $0x4000  }
0xba: {  	[sflag:s30] =	ssyncset.done $0x0  }
0xbb: {  	[sflag:s30] =	ssyncadd.s32 $0xFFFFC000  }
0xbc: {  	_ =	swait.ge [sflag:s31], $0x4000  }
0xbd: {  	[sflag:s31] =	ssyncset.done $0x0  }
0xbe: {  	[sflag:s31] =	ssyncadd.s32 $0xFFFFC000  }
0xbf: {  	[tilespmem:s29], [sflag:$0x2] =	stream.indirect.gather [hbm4b:s4+s28], $0x80, s14, s28, $0xb8;
	[tilespmem:$0x1C800] =	vst v63  }
0xc0: {  	_ = 	snop  }
0xc1: {  	[spmem:s2] =	stream.indirect.scatter.add.f32 [tilespmem:s20], [sflag:$0x3], $0x80, s15, s28, $0xb8;
	[tilespmem:$0x1C800] =	vst v63  }
0xc2: {  	_ =	swait.ge [sflag:s1], $0x4000  }
.Ltmp3:
0xc3: {  	[sflag:s1] =	ssyncset.done $0x0;
	(pc) =	sbr.rel @p0 .LBB2_6-.Ltmp3, $4  }
0xc4: {  	[sflag:s1] =	ssyncadd.s32 $0xFFFFC000  }
0xc5: {  	_ =	swait.ge [sflag:s0], $0x4000  }
0xc6: {  	[sflag:s0] =	ssyncset.done $0x0  }
0xc7: {  	[sflag:s0] =	ssyncadd.s32 $0xFFFFC000  }
0xc8: {  	_ =	swait.ge [sflag:s23], $0x200  }
0xc9: {  	[sflag:s23] =	ssyncset.done $0x0  }
0xca: {  	[sflag:s23] =	ssyncadd.s32 $0xFFFFFE00  }
0xcb: {  	_ =	swait.ge [sflag:s24], $0x200  }
0xcc: {  	[sflag:s24] =	ssyncset.done $0x0  }
0xcd: {  	[sflag:s24] =	ssyncadd.s32 $0xFFFFFE00  }
0xce: {  	[tilespmem:s20], [sflag:$0x1] =	stream.indirect.gather [hbm4b:s4+s28], $0x80, s3, s28, $0xb8;
	[tilespmem:$0x1C800] =	vst v63  }
0xcf: {  	_ = 	snop  }
0xd0: {  	[spmem:s2] =	stream.indirect.scatter.add.f32 [tilespmem:s29], [sflag:$0x4], $0x80, s5, s28, $0xb8;
	[tilespmem:$0x1C800] =	vst v63  }
.Ltmp4:
0xd1: {  	_ = 	snop;
	(pc) =	sbr.rel .LBB2_4-.Ltmp4, $4  }
0xd2: {  	s6 =	sadd.s32 s21, s17  }
0xd3: {  	[tilespmem:s25], [sflag:$0x6] =	stream.linear.gather [hbm4b:s6+s3], $0x200, $0x38;
	[tilespmem:$0x1C800] =	vst v63  }
0xd4: {  	s8 =	sadd.s32 s21, s16;
	s21 =	sadd.s32 $0x80, s21  }
0xd5: {  	[tilespmem:s26], [sflag:$0x7] =	stream.linear.gather [hbm4b:s8+s3], $0x200, $0x38;
	[tilespmem:$0x1C800] =	vst v63  }
.LBB2_7:
0xd6: {  	_ =	sfence.sel $0x180000  }
0xd7: {  	[bflag:$0x0] =	sbarrier.arrive $0xFFFF  }
0xd8: {  	_ =	strace $0x9000004D  }
0xd9: {  	s0 =	stileid.u32;
	[bflag:$0x2] =	sbarrier.arrive $0xFFFF  }
0xda: {  	p0 =	sne.s32 s0, $0x0;
	s0 =	rddreg [dreg:$0x3]  }
0xdb: {  	s0 =	sadd.s32 @!p0 $0x100000, s0  }
0xdc: {  	[sflag:s0] =	ssyncadd.tile.s32 @!p0 $0x1;
	_ =	shalt  }
.Lfunc_end2:
_tile_overlayer_lowered:
.L_overlay_start_2:
0xdd: {  	(tag) =	ssettag $0x2  }
0xde: {  	s0 =	rddreg [dreg:$0x0];
	s2 =	stileid.u32  }
0xdf: {  	s1 =	rddreg [dreg:$0x1];
	p0 =	sne.s32 s2, $0x0  }
0xe0: {  	s3 =	rddreg [dreg:$0x2];
	[bflag:$0x3] =	sbarrier.arrive $0xFFFF;
	s2 =	simm.s32 @!p0 $0x1C08  }
0xe1: {  	[timem:s3], [sflag:s2] =	dma.local @!p0 [hbm:s0], s1  }
0xe2: {  	s0 =	simm.s32 @!p0 $0x8  }
0xe3: {  	_ =	swait.ge @!p0 [sflag:s0], s1  }
0xe4: {  	s1 =	ssub.s32 @!p0 $0x0, s1;
	[sflag:s0] =	ssyncset.done @!p0 $0x0  }
0xe5: {  	[sflag:s0] =	ssyncadd.s32 @!p0 s1  }
0xe6: {  	[bflag:$0x3] =	sbarrier.arrive $0xFFFF  }
0xe7: {  	_ =	shalt  }

// kernel: kernel.8.cloned.1.call-start
scs
__scs_entry_jumppad:
0x0: {  	(pc) =	sbr.rel $0x88, $3  }
0x1: {  	(tag) =	ssettag $0x0;
	lr =	simm.s32 $0x1  }
0x2: {  	[smem:$0x3F9B] =	sst lr;
	_ =	strace $0xD0000000  }
0x3: {  	_ = 	snop  }
0x4: {  	_ = 	snop  }
0x5: {  	_ = 	snop  }
0x6: {  	_ = 	snop  }
0x7: {  	_ = 	snop  }
__scs_overlays_trampoline_lowered:
0x8: {  	[smem:$0x3FAA] =	sst s0  }
0x9: {  	[smem:$0x3FAB] =	sst s1  }
0xa: {  	[smem:$0x3FAC] =	sst s2  }
0xb: {  	[smem:$0x3FAD] =	sst s3  }
0xc: {  	[smem:$0x3FAE] =	sst s4  }
0xd: {  	[smem:$0x3FAF] =	sst s5  }
0xe: {  	[smem:$0x3FB0] =	sst s6  }
0xf: {  	[smem:$0x3FB1] =	sst s7  }
0x10: {  	[smem:$0x3FB2] =	sst s8  }
0x11: {  	[smem:$0x3FB3] =	sst s9;
	s0 =	simm.s32 @!p0 $0x0  }
0x12: {  	s1 =	sld [smem:$0x3F99];
	s0 =	simm.s32 @p0 $0x1  }
0x13: {  	[smem:$0x3FB4] =	sst s0;
	s0 =	simm.s32 @!p1 $0x0  }
0x14: {  	s2 =	sld [smem:$0x3F98];
	s0 =	simm.s32 @p1 $0x1  }
0x15: {  	[smem:$0x3FB5] =	sst s0;
	s0 =	simm.s32 @!p2 $0x0  }
0x16: {  	s3 =	sld [smem:$0x3FDB];
	s0 =	simm.s32 @p2 $0x1  }
0x17: {  	s4 =	simm.s32 $0x1BF5;
	[smem:$0x3FB7] =	sst s0  }
0x18: {  	s0 =	sld [smem:$0x3F9A];
	_ =	swait.ge [sflag:s4], $0x0  }
0x19: {  	s7 =	sld [smem:$0x3F9B]  }
0x1a: {  	s8 =	sadd.s32 $0xFFFFE003, lr  }
0x1b: {  	s9 =	sadd.s32 $0xFFFFFEF7, lr;
	s5 =	simm.s32 $0xFFFFFFFF;
	p2 =	slt.u32 s8, $0xFFFFF086  }
0x1c: {  	p1 =	slt.u32 s9, $0xF7A;
	s5 =	simm.s32 @!p2 $0x0  }
0x1d: {  	s5 =	simm.s32 @p1 $0x1;
	p0 =	seq.s32 s7, s2  }
0x1e: {  	s7 =	smul.u32 @!p0 $0xF7A, s2;
	p2 =	seq.s32 @!p0 s5, $0x0  }
0x1f: {  	s9 =	smul.u32 $0xF7A, s1;
	s8 =	simm.s32 @!p0 $0x1BF5;
	p2 =	por !p2, p0  }
0x20: {  	[sflag:s8] =	ssyncset.s32 @!p0 $0xFFFFF086;
	s6 =	sadd.s32 @!p0 s3, s7;
	s7 =	simm.s32 @!p0 $0x108  }
0x21: {  	s3 =	sadd.s32 s3, s9;
	s6 =	sadd.s32 @!p0 $0x88, s6;
	s7 =	simm.s32 @p2 $0x1082  }
0x22: {  	[simem:s7], [sflag:s8] =	dma.local @!p0 [hbm:s6], $0xF7A  }
0x23: {  	s9 =	sor.u32 $0xD0000000, s2;
	s6 =	simm.s32 $0x108;
	_ =	swait.ge @!p0 [sflag:s8], $0x0  }
0x24: {  	s3 =	sadd.s32 $0x88, s3;
	s6 =	simm.s32 @!p1 $0x1082;
	[sflag:s4] =	ssyncset.s32 $0xFFFFF086  }
0x25: {  	[simem:s6], [sflag:s4] =	dma.local [hbm:s3], $0xF7A  }
0x26: {  	[smem:$0x3F9B] =	sst s1;
	(tag) =	ssettag s2;
	_ =	strace s9  }
0x27: {  	s1 =	sld [smem:$0x3FAB]  }
0x28: {  	s2 =	sld [smem:$0x3FAC]  }
0x29: {  	s4 =	sld [smem:$0x3FAE]  }
0x2a: {  	p0 =	seq.s32 s5, $0x0;
	s5 =	sld [smem:$0x3FAF]  }
0x2b: {  	s6 =	sld [smem:$0x3FB0]  }
0x2c: {  	s7 =	sld [smem:$0x3FB1]  }
0x2d: {  	s3 =	simm.s32 $0x108;
	s8 =	sld [smem:$0x3FB2]  }
0x2e: {  	s3 =	simm.s32 @!p0 $0x1082;
	s9 =	sld [smem:$0x3FB3]  }
0x2f: {  	lr =	sadd.s32 s0, s3;
	s0 =	sld [smem:$0x3FAA]  }
0x30: {  	s3 =	sld [smem:$0x3FAD]  }
0x31: {  	[smem:$0x3FB6] =	sst s10  }
0x32: {  	s10 =	sld [smem:$0x3FB4];
	_ =	sdelay $0x3  }
0x33: {  	p0 =	seq.s32 s10, $0x1;
	s10 =	sld [smem:$0x3FB6];
	_ =	sdelay $0x3  }
0x34: {  	[smem:$0x3FB6] =	sst s10  }
0x35: {  	s10 =	sld [smem:$0x3FB5];
	_ =	sdelay $0x3  }
0x36: {  	p1 =	seq.s32 s10, $0x1;
	s10 =	sld [smem:$0x3FB6];
	_ =	sdelay $0x3  }
0x37: {  	[smem:$0x3FB6] =	sst s10  }
0x38: {  	s10 =	sld [smem:$0x3FB7]  }
0x39: {  	_ = 	snop;
	(pc) =	sbr.ind lr, $3  }
0x3a: {  	_ = 	snop  }
0x3b: {  	_ = 	snop  }
0x3c: {  	p2 =	seq.s32 s10, $0x1;
	s10 =	sld [smem:$0x3FB6]  }
0x3d: {  	_ =	shalt  }
0x3e: {  	_ =	shalt  }
0x3f: {  	_ =	shalt  }
0x40: {  	_ =	shalt  }
0x41: {  	_ =	shalt  }
0x42: {  	_ =	shalt  }
0x43: {  	_ =	shalt  }
0x44: {  	_ =	shalt  }
0x45: {  	_ =	shalt  }
0x46: {  	_ =	shalt  }
0x47: {  	_ =	shalt  }
0x48: {  	_ =	shalt  }
0x49: {  	_ =	shalt  }
0x4a: {  	_ =	shalt  }
0x4b: {  	_ =	shalt  }
0x4c: {  	_ =	shalt  }
0x4d: {  	_ =	shalt  }
0x4e: {  	_ =	shalt  }
0x4f: {  	_ =	shalt  }
0x50: {  	_ =	shalt  }
0x51: {  	_ =	shalt  }
0x52: {  	_ =	shalt  }
0x53: {  	_ =	shalt  }
0x54: {  	_ =	shalt  }
0x55: {  	_ =	shalt  }
0x56: {  	_ =	shalt  }
0x57: {  	_ =	shalt  }
0x58: {  	_ =	shalt  }
0x59: {  	_ =	shalt  }
0x5a: {  	_ =	shalt  }
0x5b: {  	_ =	shalt  }
0x5c: {  	_ =	shalt  }
0x5d: {  	_ =	shalt  }
0x5e: {  	_ =	shalt  }
0x5f: {  	_ =	shalt  }
0x60: {  	_ =	shalt  }
0x61: {  	_ =	shalt  }
0x62: {  	_ =	shalt  }
0x63: {  	_ =	shalt  }
0x64: {  	_ =	shalt  }
0x65: {  	_ =	shalt  }
0x66: {  	_ =	shalt  }
0x67: {  	_ =	shalt  }
0x68: {  	_ =	shalt  }
0x69: {  	_ =	shalt  }
0x6a: {  	_ =	shalt  }
0x6b: {  	_ =	shalt  }
0x6c: {  	_ =	shalt  }
0x6d: {  	_ =	shalt  }
0x6e: {  	_ =	shalt  }
0x6f: {  	_ =	shalt  }
0x70: {  	_ =	shalt  }
0x71: {  	_ =	shalt  }
0x72: {  	_ =	shalt  }
0x73: {  	_ =	shalt  }
0x74: {  	_ =	shalt  }
0x75: {  	_ =	shalt  }
0x76: {  	_ =	shalt  }
0x77: {  	_ =	shalt  }
0x78: {  	_ =	shalt  }
0x79: {  	_ =	shalt  }
0x7a: {  	_ =	shalt  }
0x7b: {  	_ =	shalt  }
0x7c: {  	_ =	shalt  }
0x7d: {  	_ =	shalt  }
0x7e: {  	_ =	shalt  }
0x7f: {  	_ =	shalt  }
0x80: {  	_ =	shalt  }
0x81: {  	_ =	shalt  }
0x82: {  	_ =	shalt  }
0x83: {  	_ =	shalt  }
0x84: {  	_ =	shalt  }
0x85: {  	_ =	shalt  }
0x86: {  	_ =	shalt  }
0x87: {  	_ =	shalt  }
.Lfunc_end0:
.L_simem_size_0:
called_computation_lowered:
.L_overlay_start_0:
0x88: {  	s2 =	sld [smem:$0x3FD9]  }
0x89: {  	s3 =	sld [smem:$0x3FFE];
	_ =	sdelay $0x1  }
0x8a: {  	s1 =	srdreg.scid  }
0x8b: {  	s0 =	sand.u32 $0x1, s1  }
0x8c: {  	s16 =	sshll.u32 s0, $0xA;
	s2 =	sadd.s32 s3, s2  }
0x8d: {  	s2 =	sadd.s32 s2, s16  }
0x8e: {  	[smem:$0x3FC2] =	sst s2  }
0x8f: {  	_ = 	snop  }
0x90: {  	(tm) =	ssettm $0x1  }
0x91: {  	s17 =	sld [smem:$0x3FFB];
	_ =	sdelay $0x3  }
0x92: {  	_ =	strace s17  }
0x93: {  	s2 =	sld [smem:$0x3FFC];
	_ =	sdelay $0x3  }
0x94: {  	_ =	strace s2  }
0x95: {  	s2 =	sld [smem:$0x3FFD];
	_ =	sdelay $0x3  }
0x96: {  	_ =	strace s2  }
0x97: {  	_ =	strace $0x8FFFFFFF  }
0x98: {  	s18 =	sld [smem:$0x3FDB];
	_ =	sdelay $0x1  }
0x99: {  	s19 =	simm.s32 $_scs_section_size  }
0x9a: {  	s4 =	simm.s32 $_size__tile_overlayer_lowered;
	s5 =	simm.s32 $_tile_overlayer_lowered  }
0x9b: {  	s22 =	simm.s32 $0x1BFF;
	s21 =	sshll.u32 s5, $0x1;
	s2 =	sadd.s32 s19, s18  }
0x9c: {  	s6 =	simm.s32 $0x0;
	s20 =	sshll.u32 s4, $0x1;
	s4 =	sadd.s32 s21, s2  }
0x9d: {  	[timem:s6], [sflag:s22] =	dma.local [hbm:s4], s20  }
0x9e: {  	_ =	swait.ge [sflag:s22], s20  }
0x9f: {  	s3 =	ssub.s32 $0x0, s20;
	[sflag:s22] =	ssyncset.done $0x0  }
0xa0: {  	[sflag:s22] =	ssyncadd.s32 s3;
	_ =	sdelay $0x1  }
0xa1: {  	s23 =	simm.s32 $0x1B8B  }
0xa2: {  	_ =	swait.ge [sflag:s23], $0x1  }
0xa3: {  	[sflag:s23] =	ssyncset.done $0x0  }
0xa4: {  	s25 =	simm.s32 $0x1B8E;
	s24 =	sld [smem:$0x3FFE];
	[sflag:s23] =	ssyncadd.s32 $0xFFFFFFFF  }
0xa5: {  	s26 =	simm.s32 $execute0_lowered;
	[smem:$0x3FD2] =	sst s25  }
0xa6: {  	s4 =	sshll.u32 s26, $0x1;
	_ =	strace $0x80000046;
	[dreg:$0x1] =	wrdreg $0xFFFFFFFF  }
0xa7: {  	s28 =	simm.s32 $_size_execute0_lowered;
	s2 =	sadd.s32 s2, s4;
	[dreg:$0x0] =	wrdreg $0x0  }
0xa8: {  	s4 =	sshll.u32 s28, $0x1;
	[dreg:$0x2] =	wrdreg s2  }
0xa9: {  	[dreg:$0x3] =	wrdreg s4  }
0xaa: {  	[dreg:$0x4] =	wrdreg $0xC0  }
0xab: {  	_ =	task [dreg:s6], $0x5FFFF  }
0xac: {  	[dreg:$0x1] =	wrdreg $0xFFFFFFFF  }
0xad: {  	[dreg:$0x0] =	wrdreg $0x60  }
0xae: {  	[dreg:$0x2] =	wrdreg s24  }
0xaf: {  	[dreg:$0x3] =	wrdreg $0x9  }
0xb0: {  	_ =	task.clear_ibuf [dreg:s6], $0x4FFFF;
	_ =	strace $0x90000046  }
0xb1: {  	s29 =	simm.s32 $0x9;
	_ =	strace $0x80000048  }
0xb2: {  	_ =	swait.ge [sflag:s29], $0x1  }
0xb3: {  	[sflag:s29] =	ssyncadd.s32 $0xFFFFFFFF  }
0xb4: {  	_ =	strace $0x90000048  }
0xb5: {  	_ =	sfence  }
0xb6: {  	s30 =	sld [smem:$0x0];
	_ =	sdelay $0x2  }
0xb7: {  	s31 =	sshll.u32 s1, $0xD;
	s1 =	sshrl.u32 s1, $0x2  }
0xb8: {  	s3 =	sand.u32 $0x4000, s31;
	s1 =	sadd.s32 s1, s30  }
0xb9: {  	s0 =	sor.u32 s3, s0;
	s1 =	sshll.u32 s1, $0x11  }
0xba: {  	s0 =	sor.u32 s1, s0  }
0xbb: {  	s0 =	sadd.s32 $0x8F2B, s0  }
0xbc: {  	[sflag:s0] =	ssyncadd.remote.s32 $0x1  }
0xbd: {  	_ =	sfence.sel $0xFFFF  }
0xbe: {  	[dreg:$0x0] =	wrdreg $0xFFFFFFFF;
	(pc) =	sbr.abs _section_cstart, $3  }
0xbf: {  	[dreg:$0x1] =	wrdreg $0xFFFFFFFF  }
0xc0: {  	_ =	task.clear_ibuf [dreg:s6], $0x2FFFF;
	_ =	strace $0x9FFFFFFF  }
0xc1: {  	(tm) =	ssettm $0x7FFFFFFF  }
tec
execute0_lowered:
.L_overlay_start_1:
0x0: {  	(tag) =	ssettag $0x1  }
0x1: {  	s0 =	srdreg.scid  }
0x2: {  	s5 =	rddreg [dreg:$0x0];
	s3 =	sand.u32 $0x1, s0  }
0x3: {  	s2 =	simm.s32 $0x0;
	s0 =	stileid.u32;
	s1 =	sshll.u32 s3, $0x4  }
0x4: {  	s8 =	simm.s32 $0x80;
	s9 =	simm.s32 $0x400;
	s4 =	sor.u32 s0, s1  }
0x5: {  	s10 =	simm.s32 $0x0;
	[smem:$0x7FF] =	sst s2;
	s1 =	sshrl.u32 s4, $0x3  }
0x6: {  	s7 =	sshll.u32 s0, $0x7;
	s3 =	ssub.s32 $0x2, s3;
	s6 =	smul.u32 $0x14000, s1  }
0x7: {  	s7 =	sand.u32 $0x380, s7;
	s31 =	sshrl.u32 s3, $0x1;
	s4 =	smul.u32 $0xA00, s4  }
0x8: {  	s1 =	rddreg [dreg:$0x1];
	_ =	strace $0x80000047;
	s6 =	sor.u32 s7, s6  }
0x9: {  	s4 =	sadd.s32 s4, s5;
	s7 =	simm.s32 $0x5000;
	s6 =	sshrl.u32 s6, $0x3  }
0xa: {  	s5 =	sadd.s32 s6, s5;
	s6 =	ssub.s32 s3, s31;
	s3 =	sadd.s32 $0x3200, s4  }
0xb: {  	v0 =	vimm.f32 $0.0e+00;
	v1 =	vimm.f32 $1.000000000e+00;
	s4 =	sadd.s32 $0x17200, s5;
	s5 =	smax.u32 s6, $0x1;
	s6 =	simm.s32 $0x1  }
.LBB2_1:
0xc: {  	[tilespmem:s2], [sflag:$0x1] =	stream.linear.gather [hbm4b:s3+s2], $0x5000, $0x38;
	[tilespmem:$0x7800] =	vst v63  }
0xd: {  	_ =	swait.ge [sflag:s6], $0x5000  }
0xe: {  	[sflag:s6] =	ssyncset.done $0x0  }
0xf: {  	s11 =	simm.s32 $0x0;
	[sflag:s6] =	ssyncadd.s32 $0xFFFFB000  }
.LBB2_2:
0x10: {  	p0 =	sne.s32 s11, $0x9FC0  }
.Ltmp0:
0x11: {  	_ = 	snop;
	(pc) =	sbr.rel @p0 .LBB2_2-.Ltmp0, $3  }
0x12: {  	_ =	sdelay $0x1  }
0x13: {  	s12 =	sshra.s32 s11, $0x2  }
0x14: {  	s11 =	sadd.s32 $0x40, s11;
	[tilespmem:s12+$0x5000] =	vst v0  }
0x15: {  	s11 =	simm.s32 $0x0  }
.LBB2_4:
0x16: {  	s12 =	sshra.s32 s11, $0x2  }
0x17: {  	v2 =	vld [tilespmem:s12+$0x0];
	_ =	sdelay $0x7  }
0x18: {  	[tilespmem:v2+s7+$0x0] =	vst.idx.add.f32.msk $0xffff, v1  }
0x19: {  	v2 =	vld [tilespmem:s12+$0x10];
	_ =	sdelay $0x7  }
0x1a: {  	[tilespmem:v2+s7+$0x0] =	vst.idx.add.f32.msk $0xffff, v1  }
0x1b: {  	v2 =	vld [tilespmem:s12+$0x20];
	_ =	sdelay $0x7  }
0x1c: {  	[tilespmem:v2+s7+$0x0] =	vst.idx.add.f32.msk $0xffff, v1  }
0x1d: {  	v2 =	vld [tilespmem:s12+$0x30];
	_ =	sdelay $0x7  }
0x1e: {  	[tilespmem:v2+s7+$0x0] =	vst.idx.add.f32.msk $0xffff, v1  }
0x1f: {  	v2 =	vld [tilespmem:s12+$0x40];
	_ =	sdelay $0x7  }
0x20: {  	[tilespmem:v2+s7+$0x0] =	vst.idx.add.f32.msk $0xffff, v1  }
0x21: {  	v2 =	vld [tilespmem:s12+$0x50];
	_ =	sdelay $0x7  }
0x22: {  	[tilespmem:v2+s7+$0x0] =	vst.idx.add.f32.msk $0xffff, v1  }
0x23: {  	v2 =	vld [tilespmem:s12+$0x60];
	_ =	sdelay $0x7  }
0x24: {  	[tilespmem:v2+s7+$0x0] =	vst.idx.add.f32.msk $0xffff, v1  }
0x25: {  	v2 =	vld [tilespmem:s12+$0x70];
	_ =	sdelay $0x2  }
0x26: {  	p0 =	sne.s32 s11, $0x13E00  }
.Ltmp1:
0x27: {  	_ = 	snop;
	(pc) =	sbr.rel @p0 .LBB2_4-.Ltmp1, $2  }
0x28: {  	_ =	sdelay $0x2  }
0x29: {  	s11 =	sadd.s32 $0x200, s11;
	[tilespmem:v2+s7+$0x0] =	vst.idx.add.f32.msk $0xffff, v1  }
0x2a: {  	s10 =	sadd.s32 $0x1, s10  }
0x2b: {  	p0 =	sne.s32 s10, s5  }
.Ltmp2:
0x2c: {  	_ = 	snop;
	(pc) =	sbr.rel @p0 .LBB2_1-.Ltmp2, $4  }
0x2d: {  	[hbm4b:s4+s8] =	stream.strided.scatter [tilespmem:s7], [sflag:$0x1], $0x2800, s9, s8, $0x38;
	[tilespmem:$0x7800] =	vst v63  }
0x2e: {  	_ =	swait.ge [sflag:s6], $0x2800  }
0x2f: {  	[sflag:s6] =	ssyncset.done $0x0  }
0x30: {  	[sflag:s6] =	ssyncadd.s32 $0xFFFFD800  }
0x31: {  	_ =	sfence.sel $0x180000  }
0x32: {  	[bflag:$0x0] =	sbarrier.arrive $0xFFFF  }
0x33: {  	p0 =	sne.s32 s0, $0x0;
	_ =	strace $0x90000047  }
0x34: {  	s0 =	sadd.s32 @!p0 $0x100000, s1;
	[bflag:$0x2] =	sbarrier.arrive $0xFFFF  }
0x35: {  	[sflag:s0] =	ssyncadd.tile.s32 @!p0 $0x1;
	_ =	shalt  }
.Lfunc_end2:
_tile_overlayer_lowered:
.L_overlay_start_2:
0x36: {  	(tag) =	ssettag $0x2  }
0x37: {  	s0 =	rddreg [dreg:$0x0];
	s2 =	stileid.u32  }
0x38: {  	s1 =	rddreg [dreg:$0x1];
	p0 =	sne.s32 s2, $0x0  }
0x39: {  	s3 =	rddreg [dreg:$0x2];
	[bflag:$0x3] =	sbarrier.arrive $0xFFFF;
	s2 =	simm.s32 @!p0 $0x1C01  }
0x3a: {  	[timem:s3], [sflag:s2] =	dma.local @!p0 [hbm:s0], s1  }
0x3b: {  	s0 =	simm.s32 @!p0 $0x1  }
0x3c: {  	_ =	swait.ge @!p0 [sflag:s0], s1  }
0x3d: {  	s1 =	ssub.s32 @!p0 $0x0, s1;
	[sflag:s0] =	ssyncset.done @!p0 $0x0  }
0x3e: {  	[sflag:s0] =	ssyncadd.s32 @!p0 s1  }
0x3f: {  	[bflag:$0x3] =	sbarrier.arrive $0xFFFF  }
0x40: {  	_ =	shalt  }

</sc_bundles>
